<compile_context>
chip_gen: v7x
topology: tpu7x:2x2x1
jax: 0.10.2.dev20260603
libtpu: 0.0.44.dev20260713+nightly
codegen_flags: <defaults>
</compile_context>

<pallas_src>
import functools

import jax
import jax.numpy as jnp
from jax import lax
from jax.experimental import pallas as pl
from jax.experimental.pallas import tpu as pltpu
from jax.experimental.pallas import tpu_sc as plsc

B = 16384
F = 100
NSPL = 1
FQ = F // NSPL
D = 128
L = 16
NC, NS = 2, 16
NW = NC * NS
BPW = B // NW
IPW = BPW * F
ND = D // L
BPAD = 112
NBUF = 5


def _fm_body(x_hbm, emb_hbm, bias_hbm, off_hbm, out_hbm,
             idx_v, rows0, rows1, rows2, rows3, rows4,
             bias0, bias1, bias2, bias3, bias4,
             part_v, out_v, off_v, sem0, sem1, sem2, sem3, sem4):
    rows_bufs = (rows0, rows1, rows2, rows3, rows4)
    bias_bufs = (bias0, bias1, bias2, bias3, bias4)
    sems = (sem0, sem1, sem2, sem3, sem4)

    wid = lax.axis_index("s") * NC + lax.axis_index("c")

    pltpu.sync_copy(x_hbm.at[pl.ds(wid * NSPL * BPW, NSPL * BPW)], idx_v)
    pltpu.sync_copy(off_hbm, off_v)
    off_vec = off_v[...]

    for k in range(NBUF):
        bias_bufs[k][pl.ds(BPAD - L, L)] = jnp.zeros((L,), jnp.float32)

    def issue(b, k):
        pltpu.async_copy(emb_hbm.at[idx_v.at[b]], rows_bufs[k], sems[k])
        pltpu.async_copy(bias_hbm.at[idx_v.at[b]],
                         bias_bufs[k].at[pl.ds(0, F)], sems[k])

    def wait(b, k):
        pltpu.make_async_copy(emb_hbm.at[idx_v.at[b]], rows_bufs[k],
                              sems[k]).wait()
        pltpu.make_async_copy(bias_hbm.at[idx_v.at[b]],
                              bias_bufs[k].at[pl.ds(0, F)], sems[k]).wait()

    def compute_row(b, k):
        rows, bias = rows_bufs[k], bias_bufs[k]

        def fbody(f, accs):
            out = []
            for d in range(ND):
                v = rows[f, pl.ds(d * L, L)]
                out.append(accs[d] + v)
            for d in range(ND):
                v = rows[f, pl.ds(d * L, L)]
                out.append(accs[ND + d] + v * v)
            return tuple(out)

        init = (jnp.zeros((L,), jnp.float32),) * (2 * ND)
        accs = lax.fori_loop(0, F, fbody, init, unroll=2)
        fm = accs[0] * accs[0] - accs[ND]
        for d in range(1, ND):
            fm = fm + (accs[d] * accs[d] - accs[ND + d])
        bsum = bias[pl.ds(0, L)]
        for j in range(1, BPAD // L):
            bsum = bsum + bias[pl.ds(j * L, L)]
        part_v[b, :] = fm * 0.5 + bsum

    for k in range(NBUF):
        issue(k, k)

    def ring_body(i, _):
        for k in range(NBUF):
            b = NBUF * i + k
            wait(b, k)
            compute_row(b, k)

            @pl.when(b + NBUF < BPW)
            def _():
                issue(b + NBUF, k)
        return 0

    lax.fori_loop(0, BPW // NBUF, ring_body, 0)
    for b in range(BPW - BPW % NBUF, BPW):
        k = b % NBUF
        wait(b, k)
        compute_row(b, k)

    lane = lax.iota(jnp.int32, L)

    def g_body(g, _):
        ridx = g * L + lane
        s = jnp.zeros((L,), jnp.float32)
        for c in range(L):
            cidx = jnp.full((L,), c, jnp.int32)
            s = s + plsc.load_gather(part_v, [ridx, cidx])
        s = s + off_vec
        y = 5.0 / (1.0 + jnp.exp(-s)) + 0.5
        out_v[pl.ds(g * L, L)] = y
        return 0

    lax.fori_loop(0, BPW // L, g_body, 0)
    pltpu.sync_copy(out_v, out_hbm.at[pl.ds(wid * BPW, BPW)])


@functools.cache
def _build_fm_call():
  return pl.kernel(
    _fm_body,
    out_type=jax.ShapeDtypeStruct((B,), jnp.float32),
    mesh=plsc.VectorSubcoreMesh(core_axis_name="c", subcore_axis_name="s",
                                num_cores=NC, num_subcores=NS),
    compiler_params=pltpu.CompilerParams(needs_layout_passes=False,
                                         use_tc_tiling_on_sc=False),
    scratch_types=[
        pltpu.VMEM((BPW, F), jnp.int32),
        pltpu.VMEM((F, D), jnp.float32),
        pltpu.VMEM((F, D), jnp.float32),
        pltpu.VMEM((F, D), jnp.float32),
        pltpu.VMEM((F, D), jnp.float32),
        pltpu.VMEM((F, D), jnp.float32),
        pltpu.VMEM((BPAD,), jnp.float32),
        pltpu.VMEM((BPAD,), jnp.float32),
        pltpu.VMEM((BPAD,), jnp.float32),
        pltpu.VMEM((BPAD,), jnp.float32),
        pltpu.VMEM((BPAD,), jnp.float32),
        pltpu.VMEM((BPW, L), jnp.float32),
        pltpu.VMEM((BPW,), jnp.float32),
        pltpu.VMEM((L,), jnp.float32),
        pltpu.SemaphoreType.DMA,
        pltpu.SemaphoreType.DMA,
        pltpu.SemaphoreType.DMA,
        pltpu.SemaphoreType.DMA,
        pltpu.SemaphoreType.DMA,
    ],
  )


def kernel(X, x_emb_weight, x_bias, offset):
    off16 = jnp.broadcast_to(offset.astype(jnp.float32), (L,))
    return _build_fm_call()(X.astype(jnp.int32), x_emb_weight, x_bias, off16)

# --- scband reference (transcript-rebuilt; emitter-appended) ---
"""Pipeline reference for scband-fm-45114336477892 (READ-ONLY COPY).

The authoritative reference and input builder live on the scoring server;
editing this copy changes nothing except your own understanding.
"""

import jax, jax.numpy as jnp
import numpy as np

NUM_FEATS = 100000
EMB_DIM = 128
BATCH = 16384
N_FIELDS = 100
INIT_STD = 0.01


def setup_inputs(seed: int = 0) -> dict:
    key = jax.random.key(seed)
    k_idx, k_emb = jax.random.split(key)
    X = jax.random.randint(k_idx, (BATCH, N_FIELDS), 0, NUM_FEATS, dtype=jnp.int64 if jax.config.jax_enable_x64 else jnp.int32)
    x_emb_weight = jax.random.normal(k_emb, (NUM_FEATS, EMB_DIM), dtype=jnp.float32) * INIT_STD
    x_bias = jnp.zeros((NUM_FEATS,), dtype=jnp.float32)
    offset = jnp.zeros((1,), dtype=jnp.float32)
    return {"X": X, "x_emb_weight": x_emb_weight, "x_bias": x_bias, "offset": offset}


def sigmoid_range(x, low=0.0, high=5.5):
    return jax.nn.sigmoid(x) * (high - low) + low


def reference(X, x_emb_weight, x_bias, offset):
    # embedding lookup: [B, F, D]
    x_emb = jnp.take(x_emb_weight, X, axis=0)
    pow_of_sum = jnp.power(jnp.sum(x_emb, axis=1), 2)      # [B, D]
    sum_of_pow = jnp.sum(jnp.power(x_emb, 2), axis=1)      # [B, D]
    fm_out = jnp.sum(pow_of_sum - sum_of_pow, axis=1) * 0.5  # [B]
    # bias terms
    x_biases = jnp.sum(jnp.take(x_bias, X, axis=0), axis=1)  # [B]
    fm_out = fm_out + x_biases + offset
    # sigmoid with range (0.5, 5.5)
    return sigmoid_range(fm_out, low=0.5)

if __name__ == "__main__":
    import jax
    _d = setup_inputs()
    print(jax.jit(kernel)(*tuple(_d.values())))

</pallas_src>

<mosaic_0001>
#map = affine_map<(d0, d1) -> (0, 0)>
#map1 = affine_map<(d0, d1) -> (0)>
module attributes {stable_mosaic.version = 14 : i64} {
  func.func @_fm_body(%arg0: i32, %arg1: i32, %arg2: memref<16384x100xi32, #tpu.memory_space<hbm>>, %arg3: memref<100000x128xf32, #tpu.memory_space<hbm>>, %arg4: memref<100000xf32, #tpu.memory_space<hbm>>, %arg5: memref<16xf32, #tpu.memory_space<hbm>>, %arg6: memref<16384xf32, #tpu.memory_space<hbm>>, %arg7: memref<512x100xi32, #tpu.memory_space<vmem>>, %arg8: memref<100x128xf32, #tpu.memory_space<vmem>>, %arg9: memref<100x128xf32, #tpu.memory_space<vmem>>, %arg10: memref<100x128xf32, #tpu.memory_space<vmem>>, %arg11: memref<100x128xf32, #tpu.memory_space<vmem>>, %arg12: memref<100x128xf32, #tpu.memory_space<vmem>>, %arg13: memref<112xf32, #tpu.memory_space<vmem>>, %arg14: memref<112xf32, #tpu.memory_space<vmem>>, %arg15: memref<112xf32, #tpu.memory_space<vmem>>, %arg16: memref<112xf32, #tpu.memory_space<vmem>>, %arg17: memref<112xf32, #tpu.memory_space<vmem>>, %arg18: memref<512x16xf32, #tpu.memory_space<vmem>>, %arg19: memref<512xf32, #tpu.memory_space<vmem>>, %arg20: memref<16xf32, #tpu.memory_space<vmem>>, %arg21: memref<!tpu.dma_semaphore, #tpu.memory_space<semaphore_mem>>, %arg22: memref<!tpu.dma_semaphore, #tpu.memory_space<semaphore_mem>>, %arg23: memref<!tpu.dma_semaphore, #tpu.memory_space<semaphore_mem>>, %arg24: memref<!tpu.dma_semaphore, #tpu.memory_space<semaphore_mem>>, %arg25: memref<!tpu.dma_semaphore, #tpu.memory_space<semaphore_mem>>) attributes {dimension_semantics = [#tpu.dimension_semantics<core_parallel>, #tpu.dimension_semantics<subcore_parallel>], iteration_bounds = array<i64: 2, 16>, scalar_prefetch = 0 : i64, scratch_operands = 19 : i64, tpu.core_type = #tpu.core_type<sc_vector_subcore>, window_params = [{transform_indices = #map}, {transform_indices = #map}, {transform_indices = #map1}, {transform_indices = #map1}, {transform_indices = #map1}]} {
    %mul3A = arith.constant 2 : i32
    %mul3A_0 = arith.muli %arg1, %mul3A : i32
    %add3A = arith.addi %mul3A_0, %arg0 : i32
    %mul3A_1 = arith.constant 1 : i32
    %mul3A_2 = arith.muli %add3A, %mul3A_1 : i32
    %mul3A_3 = arith.constant 512 : i32
    %mul3A_4 = arith.muli %mul3A_2, %mul3A_3 : i32
    "tpu.region"() ({
      %run_scoped3A = tpu.sem_alloc : memref<!tpu.dma_semaphore, #tpu.memory_space<semaphore_mem>>
      %dma_start3A_259 = arith.constant 0 : i32
      %dma_start3A_260 = tpu.memref_slice %arg2[%mul3A_4, %dma_start3A_259] : memref<16384x100xi32, #tpu.memory_space<hbm>> -> memref<512x100xi32, #tpu.memory_space<hbm>>
      %dma_start3A_261 = arith.constant 0 : i32
      %dma_start3A_262 = tpu.memref_slice %arg2[%mul3A_4, %dma_start3A_261] : memref<16384x100xi32, #tpu.memory_space<hbm>> -> memref<512x100xi32, #tpu.memory_space<hbm>>
      tpu.enqueue_dma source(%dma_start3A_262 : memref<512x100xi32, #tpu.memory_space<hbm>>) target(%arg7 : memref<512x100xi32, #tpu.memory_space<vmem>>) target_semaphore(%run_scoped3A : memref<!tpu.dma_semaphore, #tpu.memory_space<semaphore_mem>>)
      %dma_wait3A_263 = arith.constant 0 : i32
      %dma_wait3A_264 = tpu.memref_slice %arg2[%mul3A_4, %dma_wait3A_263] : memref<16384x100xi32, #tpu.memory_space<hbm>> -> memref<512x100xi32, #tpu.memory_space<hbm>>
      %dma_wait3A_265 = arith.constant 0 : i32
      %dma_wait3A_266 = tpu.memref_slice %arg2[%mul3A_4, %dma_wait3A_265] : memref<16384x100xi32, #tpu.memory_space<hbm>> -> memref<512x100xi32, #tpu.memory_space<hbm>>
      tpu.wait_dma2 semaphore(%run_scoped3A : memref<!tpu.dma_semaphore, #tpu.memory_space<semaphore_mem>>) src(%dma_wait3A_266 : memref<512x100xi32, #tpu.memory_space<hbm>>) dst(%arg7 : memref<512x100xi32, #tpu.memory_space<vmem>>)
      tpu.yield
    }) : () -> ()
    "tpu.region"() ({
      %run_scoped3A = tpu.sem_alloc : memref<!tpu.dma_semaphore, #tpu.memory_space<semaphore_mem>>
      tpu.enqueue_dma source(%arg5 : memref<16xf32, #tpu.memory_space<hbm>>) target(%arg20 : memref<16xf32, #tpu.memory_space<vmem>>) target_semaphore(%run_scoped3A : memref<!tpu.dma_semaphore, #tpu.memory_space<semaphore_mem>>)
      tpu.wait_dma2 semaphore(%run_scoped3A : memref<!tpu.dma_semaphore, #tpu.memory_space<semaphore_mem>>) src(%arg5 : memref<16xf32, #tpu.memory_space<hbm>>) dst(%arg20 : memref<16xf32, #tpu.memory_space<vmem>>)
      tpu.yield
    }) : () -> ()
    %get3A = arith.constant 0 : index
    %get3A_5 = tpu.vector_load %arg20[%get3A] {strides = array<i32>} : memref<16xf32, #tpu.memory_space<vmem>>, vector<16xf32>,
    %broadcast_in_dim3A = arith.constant 0.000000e+00 : f32
    %broadcast_in_dim3A_6 = vector.broadcast %broadcast_in_dim3A : f32 to vector<16xf32>
    %swap3A = arith.constant 96 : index
    %swap3A_7 = tpu.vector_load %arg13[%swap3A] {strides = array<i32>} : memref<112xf32, #tpu.memory_space<vmem>>, vector<16xf32>,
    tpu.vector_store %arg13[%swap3A], %broadcast_in_dim3A_6 {strides = array<i32>} : memref<112xf32, #tpu.memory_space<vmem>>, vector<16xf32>,
    %broadcast_in_dim3A_8 = arith.constant 0.000000e+00 : f32
    %broadcast_in_dim3A_9 = vector.broadcast %broadcast_in_dim3A_8 : f32 to vector<16xf32>
    %swap3A_10 = arith.constant 96 : index
    %swap3A_11 = tpu.vector_load %arg14[%swap3A_10] {strides = array<i32>} : memref<112xf32, #tpu.memory_space<vmem>>, vector<16xf32>,
    tpu.vector_store %arg14[%swap3A_10], %broadcast_in_dim3A_9 {strides = array<i32>} : memref<112xf32, #tpu.memory_space<vmem>>, vector<16xf32>,
    %broadcast_in_dim3A_12 = arith.constant 0.000000e+00 : f32
    %broadcast_in_dim3A_13 = vector.broadcast %broadcast_in_dim3A_12 : f32 to vector<16xf32>
    %swap3A_14 = arith.constant 96 : index
    %swap3A_15 = tpu.vector_load %arg15[%swap3A_14] {strides = array<i32>} : memref<112xf32, #tpu.memory_space<vmem>>, vector<16xf32>,
    tpu.vector_store %arg15[%swap3A_14], %broadcast_in_dim3A_13 {strides = array<i32>} : memref<112xf32, #tpu.memory_space<vmem>>, vector<16xf32>,
    %broadcast_in_dim3A_16 = arith.constant 0.000000e+00 : f32
    %broadcast_in_dim3A_17 = vector.broadcast %broadcast_in_dim3A_16 : f32 to vector<16xf32>
    %swap3A_18 = arith.constant 96 : index
    %swap3A_19 = tpu.vector_load %arg16[%swap3A_18] {strides = array<i32>} : memref<112xf32, #tpu.memory_space<vmem>>, vector<16xf32>,
    tpu.vector_store %arg16[%swap3A_18], %broadcast_in_dim3A_17 {strides = array<i32>} : memref<112xf32, #tpu.memory_space<vmem>>, vector<16xf32>,
    %broadcast_in_dim3A_20 = arith.constant 0.000000e+00 : f32
    %broadcast_in_dim3A_21 = vector.broadcast %broadcast_in_dim3A_20 : f32 to vector<16xf32>
    %swap3A_22 = arith.constant 96 : index
    %swap3A_23 = tpu.vector_load %arg17[%swap3A_22] {strides = array<i32>} : memref<112xf32, #tpu.memory_space<vmem>>, vector<16xf32>,
    tpu.vector_store %arg17[%swap3A_22], %broadcast_in_dim3A_21 {strides = array<i32>} : memref<112xf32, #tpu.memory_space<vmem>>, vector<16xf32>,
    %dma_start3A = arith.constant 0 : i32
    %dma_start3A_24 = arith.constant 0 : i32
    %dma_start3A_25 = tpu.memref_slice %arg7[%dma_start3A, %dma_start3A_24] : memref<512x100xi32, #tpu.memory_space<vmem>> -> memref<1x100xi32, #tpu.memory_space<vmem>>
    %dma_start3A_26 = tpu.memref_squeeze %dma_start3A_25 : memref<1x100xi32, #tpu.memory_space<vmem>> -> memref<100xi32, #tpu.memory_space<vmem>>
    %dma_start3A_27 = arith.constant 0 : i32
    %dma_start3A_28 = arith.constant 0 : i32
    %dma_start3A_29 = tpu.memref_slice %arg3[%dma_start3A_27, %dma_start3A_28] : memref<100000x128xf32, #tpu.memory_space<hbm>> -> memref<100000x128xf32, #tpu.memory_space<hbm>>
    tpu.enqueue_indirect_dma source(%dma_start3A_29 : memref<100000x128xf32, #tpu.memory_space<hbm>>) target(%arg8 : memref<100x128xf32, #tpu.memory_space<vmem>>) offsets(%dma_start3A_26 : memref<100xi32, #tpu.memory_space<vmem>>) semaphore(%arg21 : memref<!tpu.dma_semaphore, #tpu.memory_space<semaphore_mem>>)
    %dma_start3A_30 = arith.constant 0 : i32
    %dma_start3A_31 = arith.constant 0 : i32
    %dma_start3A_32 = tpu.memref_slice %arg13[%dma_start3A_31] : memref<112xf32, #tpu.memory_space<vmem>> -> memref<100xf32, #tpu.memory_space<vmem>>
    %dma_start3A_33 = arith.constant 0 : i32
    %dma_start3A_34 = tpu.memref_slice %arg7[%dma_start3A_30, %dma_start3A_33] : memref<512x100xi32, #tpu.memory_space<vmem>> -> memref<1x100xi32, #tpu.memory_space<vmem>>
    %dma_start3A_35 = tpu.memref_squeeze %dma_start3A_34 : memref<1x100xi32, #tpu.memory_space<vmem>> -> memref<100xi32, #tpu.memory_space<vmem>>
    %dma_start3A_36 = arith.constant 0 : i32
    %dma_start3A_37 = tpu.memref_slice %arg4[%dma_start3A_36] : memref<100000xf32, #tpu.memory_space<hbm>> -> memref<100000xf32, #tpu.memory_space<hbm>>
    tpu.enqueue_indirect_dma source(%dma_start3A_37 : memref<100000xf32, #tpu.memory_space<hbm>>) target(%dma_start3A_32 : memref<100xf32, #tpu.memory_space<vmem>>) offsets(%dma_start3A_35 : memref<100xi32, #tpu.memory_space<vmem>>) semaphore(%arg21 : memref<!tpu.dma_semaphore, #tpu.memory_space<semaphore_mem>>)
    %dma_start3A_38 = arith.constant 1 : i32
    %dma_start3A_39 = arith.constant 0 : i32
    %dma_start3A_40 = tpu.memref_slice %arg7[%dma_start3A_38, %dma_start3A_39] : memref<512x100xi32, #tpu.memory_space<vmem>> -> memref<1x100xi32, #tpu.memory_space<vmem>>
    %dma_start3A_41 = tpu.memref_squeeze %dma_start3A_40 : memref<1x100xi32, #tpu.memory_space<vmem>> -> memref<100xi32, #tpu.memory_space<vmem>>
    %dma_start3A_42 = arith.constant 0 : i32
    %dma_start3A_43 = arith.constant 0 : i32
    %dma_start3A_44 = tpu.memref_slice %arg3[%dma_start3A_42, %dma_start3A_43] : memref<100000x128xf32, #tpu.memory_space<hbm>> -> memref<100000x128xf32, #tpu.memory_space<hbm>>
    tpu.enqueue_indirect_dma source(%dma_start3A_44 : memref<100000x128xf32, #tpu.memory_space<hbm>>) target(%arg9 : memref<100x128xf32, #tpu.memory_space<vmem>>) offsets(%dma_start3A_41 : memref<100xi32, #tpu.memory_space<vmem>>) semaphore(%arg22 : memref<!tpu.dma_semaphore, #tpu.memory_space<semaphore_mem>>)
    %dma_start3A_45 = arith.constant 1 : i32
    %dma_start3A_46 = arith.constant 0 : i32
    %dma_start3A_47 = tpu.memref_slice %arg14[%dma_start3A_46] : memref<112xf32, #tpu.memory_space<vmem>> -> memref<100xf32, #tpu.memory_space<vmem>>
    %dma_start3A_48 = arith.constant 0 : i32
    %dma_start3A_49 = tpu.memref_slice %arg7[%dma_start3A_45, %dma_start3A_48] : memref<512x100xi32, #tpu.memory_space<vmem>> -> memref<1x100xi32, #tpu.memory_space<vmem>>
    %dma_start3A_50 = tpu.memref_squeeze %dma_start3A_49 : memref<1x100xi32, #tpu.memory_space<vmem>> -> memref<100xi32, #tpu.memory_space<vmem>>
    %dma_start3A_51 = arith.constant 0 : i32
    %dma_start3A_52 = tpu.memref_slice %arg4[%dma_start3A_51] : memref<100000xf32, #tpu.memory_space<hbm>> -> memref<100000xf32, #tpu.memory_space<hbm>>
    tpu.enqueue_indirect_dma source(%dma_start3A_52 : memref<100000xf32, #tpu.memory_space<hbm>>) target(%dma_start3A_47 : memref<100xf32, #tpu.memory_space<vmem>>) offsets(%dma_start3A_50 : memref<100xi32, #tpu.memory_space<vmem>>) semaphore(%arg22 : memref<!tpu.dma_semaphore, #tpu.memory_space<semaphore_mem>>)
    %dma_start3A_53 = arith.constant 2 : i32
    %dma_start3A_54 = arith.constant 0 : i32
    %dma_start3A_55 = tpu.memref_slice %arg7[%dma_start3A_53, %dma_start3A_54] : memref<512x100xi32, #tpu.memory_space<vmem>> -> memref<1x100xi32, #tpu.memory_space<vmem>>
    %dma_start3A_56 = tpu.memref_squeeze %dma_start3A_55 : memref<1x100xi32, #tpu.memory_space<vmem>> -> memref<100xi32, #tpu.memory_space<vmem>>
    %dma_start3A_57 = arith.constant 0 : i32
    %dma_start3A_58 = arith.constant 0 : i32
    %dma_start3A_59 = tpu.memref_slice %arg3[%dma_start3A_57, %dma_start3A_58] : memref<100000x128xf32, #tpu.memory_space<hbm>> -> memref<100000x128xf32, #tpu.memory_space<hbm>>
    tpu.enqueue_indirect_dma source(%dma_start3A_59 : memref<100000x128xf32, #tpu.memory_space<hbm>>) target(%arg10 : memref<100x128xf32, #tpu.memory_space<vmem>>) offsets(%dma_start3A_56 : memref<100xi32, #tpu.memory_space<vmem>>) semaphore(%arg23 : memref<!tpu.dma_semaphore, #tpu.memory_space<semaphore_mem>>)
    %dma_start3A_60 = arith.constant 2 : i32
    %dma_start3A_61 = arith.constant 0 : i32
    %dma_start3A_62 = tpu.memref_slice %arg15[%dma_start3A_61] : memref<112xf32, #tpu.memory_space<vmem>> -> memref<100xf32, #tpu.memory_space<vmem>>
    %dma_start3A_63 = arith.constant 0 : i32
    %dma_start3A_64 = tpu.memref_slice %arg7[%dma_start3A_60, %dma_start3A_63] : memref<512x100xi32, #tpu.memory_space<vmem>> -> memref<1x100xi32, #tpu.memory_space<vmem>>
    %dma_start3A_65 = tpu.memref_squeeze %dma_start3A_64 : memref<1x100xi32, #tpu.memory_space<vmem>> -> memref<100xi32, #tpu.memory_space<vmem>>
    %dma_start3A_66 = arith.constant 0 : i32
    %dma_start3A_67 = tpu.memref_slice %arg4[%dma_start3A_66] : memref<100000xf32, #tpu.memory_space<hbm>> -> memref<100000xf32, #tpu.memory_space<hbm>>
    tpu.enqueue_indirect_dma source(%dma_start3A_67 : memref<100000xf32, #tpu.memory_space<hbm>>) target(%dma_start3A_62 : memref<100xf32, #tpu.memory_space<vmem>>) offsets(%dma_start3A_65 : memref<100xi32, #tpu.memory_space<vmem>>) semaphore(%arg23 : memref<!tpu.dma_semaphore, #tpu.memory_space<semaphore_mem>>)
    %dma_start3A_68 = arith.constant 3 : i32
    %dma_start3A_69 = arith.constant 0 : i32
    %dma_start3A_70 = tpu.memref_slice %arg7[%dma_start3A_68, %dma_start3A_69] : memref<512x100xi32, #tpu.memory_space<vmem>> -> memref<1x100xi32, #tpu.memory_space<vmem>>
    %dma_start3A_71 = tpu.memref_squeeze %dma_start3A_70 : memref<1x100xi32, #tpu.memory_space<vmem>> -> memref<100xi32, #tpu.memory_space<vmem>>
    %dma_start3A_72 = arith.constant 0 : i32
    %dma_start3A_73 = arith.constant 0 : i32
    %dma_start3A_74 = tpu.memref_slice %arg3[%dma_start3A_72, %dma_start3A_73] : memref<100000x128xf32, #tpu.memory_space<hbm>> -> memref<100000x128xf32, #tpu.memory_space<hbm>>
    tpu.enqueue_indirect_dma source(%dma_start3A_74 : memref<100000x128xf32, #tpu.memory_space<hbm>>) target(%arg11 : memref<100x128xf32, #tpu.memory_space<vmem>>) offsets(%dma_start3A_71 : memref<100xi32, #tpu.memory_space<vmem>>) semaphore(%arg24 : memref<!tpu.dma_semaphore, #tpu.memory_space<semaphore_mem>>)
    %dma_start3A_75 = arith.constant 3 : i32
    %dma_start3A_76 = arith.constant 0 : i32
    %dma_start3A_77 = tpu.memref_slice %arg16[%dma_start3A_76] : memref<112xf32, #tpu.memory_space<vmem>> -> memref<100xf32, #tpu.memory_space<vmem>>
    %dma_start3A_78 = arith.constant 0 : i32
    %dma_start3A_79 = tpu.memref_slice %arg7[%dma_start3A_75, %dma_start3A_78] : memref<512x100xi32, #tpu.memory_space<vmem>> -> memref<1x100xi32, #tpu.memory_space<vmem>>
    %dma_start3A_80 = tpu.memref_squeeze %dma_start3A_79 : memref<1x100xi32, #tpu.memory_space<vmem>> -> memref<100xi32, #tpu.memory_space<vmem>>
    %dma_start3A_81 = arith.constant 0 : i32
    %dma_start3A_82 = tpu.memref_slice %arg4[%dma_start3A_81] : memref<100000xf32, #tpu.memory_space<hbm>> -> memref<100000xf32, #tpu.memory_space<hbm>>
    tpu.enqueue_indirect_dma source(%dma_start3A_82 : memref<100000xf32, #tpu.memory_space<hbm>>) target(%dma_start3A_77 : memref<100xf32, #tpu.memory_space<vmem>>) offsets(%dma_start3A_80 : memref<100xi32, #tpu.memory_space<vmem>>) semaphore(%arg24 : memref<!tpu.dma_semaphore, #tpu.memory_space<semaphore_mem>>)
    %dma_start3A_83 = arith.constant 4 : i32
    %dma_start3A_84 = arith.constant 0 : i32
    %dma_start3A_85 = tpu.memref_slice %arg7[%dma_start3A_83, %dma_start3A_84] : memref<512x100xi32, #tpu.memory_space<vmem>> -> memref<1x100xi32, #tpu.memory_space<vmem>>
    %dma_start3A_86 = tpu.memref_squeeze %dma_start3A_85 : memref<1x100xi32, #tpu.memory_space<vmem>> -> memref<100xi32, #tpu.memory_space<vmem>>
    %dma_start3A_87 = arith.constant 0 : i32
    %dma_start3A_88 = arith.constant 0 : i32
    %dma_start3A_89 = tpu.memref_slice %arg3[%dma_start3A_87, %dma_start3A_88] : memref<100000x128xf32, #tpu.memory_space<hbm>> -> memref<100000x128xf32, #tpu.memory_space<hbm>>
    tpu.enqueue_indirect_dma source(%dma_start3A_89 : memref<100000x128xf32, #tpu.memory_space<hbm>>) target(%arg12 : memref<100x128xf32, #tpu.memory_space<vmem>>) offsets(%dma_start3A_86 : memref<100xi32, #tpu.memory_space<vmem>>) semaphore(%arg25 : memref<!tpu.dma_semaphore, #tpu.memory_space<semaphore_mem>>)
    %dma_start3A_90 = arith.constant 4 : i32
    %dma_start3A_91 = arith.constant 0 : i32
    %dma_start3A_92 = tpu.memref_slice %arg17[%dma_start3A_91] : memref<112xf32, #tpu.memory_space<vmem>> -> memref<100xf32, #tpu.memory_space<vmem>>
    %dma_start3A_93 = arith.constant 0 : i32
    %dma_start3A_94 = tpu.memref_slice %arg7[%dma_start3A_90, %dma_start3A_93] : memref<512x100xi32, #tpu.memory_space<vmem>> -> memref<1x100xi32, #tpu.memory_space<vmem>>
    %dma_start3A_95 = tpu.memref_squeeze %dma_start3A_94 : memref<1x100xi32, #tpu.memory_space<vmem>> -> memref<100xi32, #tpu.memory_space<vmem>>
    %dma_start3A_96 = arith.constant 0 : i32
    %dma_start3A_97 = tpu.memref_slice %arg4[%dma_start3A_96] : memref<100000xf32, #tpu.memory_space<hbm>> -> memref<100000xf32, #tpu.memory_space<hbm>>
    tpu.enqueue_indirect_dma source(%dma_start3A_97 : memref<100000xf32, #tpu.memory_space<hbm>>) target(%dma_start3A_92 : memref<100xf32, #tpu.memory_space<vmem>>) offsets(%dma_start3A_95 : memref<100xi32, #tpu.memory_space<vmem>>) semaphore(%arg25 : memref<!tpu.dma_semaphore, #tpu.memory_space<semaphore_mem>>)
    %scan3A = arith.constant 0 : i32
    %scan3A_98 = arith.constant 0 : i32
    %scan3A_99 = arith.constant 102 : i32
    %scan3A_100 = arith.addi %scan3A_98, %scan3A_99 : i32
    %scan3A_101 = arith.constant 1 : i32
    %scan3A_102 = scf.for %scan3A_259 = %scan3A_98 to %scan3A_100 step %scan3A_101 iter_args(%scan3A_260 = %scan3A) -> (i32)  : i32 {
      %mul3A_261 = arith.constant 5 : i32
      %mul3A_262 = arith.muli %mul3A_261, %scan3A_259 : i32
      %add3A_263 = arith.constant 0 : i32
      %add3A_264 = arith.addi %mul3A_262, %add3A_263 : i32
      %dma_wait3A_265 = arith.constant 0 : i32
      %dma_wait3A_266 = tpu.memref_slice %arg7[%add3A_264, %dma_wait3A_265] : memref<512x100xi32, #tpu.memory_space<vmem>> -> memref<1x100xi32, #tpu.memory_space<vmem>>
      %dma_wait3A_267 = tpu.memref_squeeze %dma_wait3A_266 : memref<1x100xi32, #tpu.memory_space<vmem>> -> memref<100xi32, #tpu.memory_space<vmem>>
      %dma_wait3A_268 = arith.constant 0 : i32
      %dma_wait3A_269 = arith.constant 0 : i32
      %dma_wait3A_270 = tpu.memref_slice %arg3[%dma_wait3A_268, %dma_wait3A_269] : memref<100000x128xf32, #tpu.memory_space<hbm>> -> memref<100000x128xf32, #tpu.memory_space<hbm>>
      tpu.wait_indirect_dma semaphore(%arg21 : memref<!tpu.dma_semaphore, #tpu.memory_space<semaphore_mem>>) src(%dma_wait3A_270 : memref<100000x128xf32, #tpu.memory_space<hbm>>) dst(%arg8 : memref<100x128xf32, #tpu.memory_space<vmem>>)
      %dma_wait3A_271 = arith.constant 0 : i32
      %dma_wait3A_272 = tpu.memref_slice %arg13[%dma_wait3A_271] : memref<112xf32, #tpu.memory_space<vmem>> -> memref<100xf32, #tpu.memory_space<vmem>>
      %dma_wait3A_273 = arith.constant 0 : i32
      %dma_wait3A_274 = tpu.memref_slice %arg7[%add3A_264, %dma_wait3A_273] : memref<512x100xi32, #tpu.memory_space<vmem>> -> memref<1x100xi32, #tpu.memory_space<vmem>>
      %dma_wait3A_275 = tpu.memref_squeeze %dma_wait3A_274 : memref<1x100xi32, #tpu.memory_space<vmem>> -> memref<100xi32, #tpu.memory_space<vmem>>
      %dma_wait3A_276 = arith.constant 0 : i32
      %dma_wait3A_277 = tpu.memref_slice %arg4[%dma_wait3A_276] : memref<100000xf32, #tpu.memory_space<hbm>> -> memref<100000xf32, #tpu.memory_space<hbm>>
      tpu.wait_indirect_dma semaphore(%arg21 : memref<!tpu.dma_semaphore, #tpu.memory_space<semaphore_mem>>) src(%dma_wait3A_277 : memref<100000xf32, #tpu.memory_space<hbm>>) dst(%dma_wait3A_272 : memref<100xf32, #tpu.memory_space<vmem>>)
      %broadcast_in_dim3A_278 = arith.constant 0.000000e+00 : f32
      %broadcast_in_dim3A_279 = vector.broadcast %broadcast_in_dim3A_278 : f32 to vector<16xf32>
      %scan3A_280 = arith.constant 0 : i32
      %scan3A_281 = arith.constant 100 : i32
      %scan3A_282 = arith.addi %scan3A_280, %scan3A_281 : i32
      %scan3A_283 = arith.constant 2 : i32
      %scan3A_284:16 = scf.for %scan3A_669 = %scan3A_280 to %scan3A_282 step %scan3A_283 iter_args(%scan3A_670 = %broadcast_in_dim3A_279, %scan3A_671 = %broadcast_in_dim3A_279, %scan3A_672 = %broadcast_in_dim3A_279, %scan3A_673 = %broadcast_in_dim3A_279, %scan3A_674 = %broadcast_in_dim3A_279, %scan3A_675 = %broadcast_in_dim3A_279, %scan3A_676 = %broadcast_in_dim3A_279, %scan3A_677 = %broadcast_in_dim3A_279, %scan3A_678 = %broadcast_in_dim3A_279, %scan3A_679 = %broadcast_in_dim3A_279, %scan3A_680 = %broadcast_in_dim3A_279, %scan3A_681 = %broadcast_in_dim3A_279, %scan3A_682 = %broadcast_in_dim3A_279, %scan3A_683 = %broadcast_in_dim3A_279, %scan3A_684 = %broadcast_in_dim3A_279, %scan3A_685 = %broadcast_in_dim3A_279) -> (vector<16xf32>, vector<16xf32>, vector<16xf32>, vector<16xf32>, vector<16xf32>, vector<16xf32>, vector<16xf32>, vector<16xf32>, vector<16xf32>, vector<16xf32>, vector<16xf32>, vector<16xf32>, vector<16xf32>, vector<16xf32>, vector<16xf32>, vector<16xf32>)  : i32 {
        %get3A_686 = arith.index_cast %scan3A_669 : i32 to index
        %get3A_687 = arith.constant 0 : index
        %get3A_688 = tpu.vector_load %arg8[%get3A_686, %get3A_687] {strides = array<i32>} : memref<100x128xf32, #tpu.memory_space<vmem>>, vector<16xf32>,
        %add3A_689 = arith.addf %scan3A_670, %get3A_688 : vector<16xf32>
        %get3A_690 = arith.index_cast %scan3A_669 : i32 to index
        %get3A_691 = arith.constant 16 : index
        %get3A_692 = tpu.vector_load %arg8[%get3A_690, %get3A_691] {strides = array<i32>} : memref<100x128xf32, #tpu.memory_space<vmem>>, vector<16xf32>,
        %add3A_693 = arith.addf %scan3A_671, %get3A_692 : vector<16xf32>
        %get3A_694 = arith.index_cast %scan3A_669 : i32 to index
        %get3A_695 = arith.constant 32 : index
        %get3A_696 = tpu.vector_load %arg8[%get3A_694, %get3A_695] {strides = array<i32>} : memref<100x128xf32, #tpu.memory_space<vmem>>, vector<16xf32>,
        %add3A_697 = arith.addf %scan3A_672, %get3A_696 : vector<16xf32>
        %get3A_698 = arith.index_cast %scan3A_669 : i32 to index
        %get3A_699 = arith.constant 48 : index
        %get3A_700 = tpu.vector_load %arg8[%get3A_698, %get3A_699] {strides = array<i32>} : memref<100x128xf32, #tpu.memory_space<vmem>>, vector<16xf32>,
        %add3A_701 = arith.addf %scan3A_673, %get3A_700 : vector<16xf32>
        %get3A_702 = arith.index_cast %scan3A_669 : i32 to index
        %get3A_703 = arith.constant 64 : index
        %get3A_704 = tpu.vector_load %arg8[%get3A_702, %get3A_703] {strides = array<i32>} : memref<100x128xf32, #tpu.memory_space<vmem>>, vector<16xf32>,
        %add3A_705 = arith.addf %scan3A_674, %get3A_704 : vector<16xf32>
        %get3A_706 = arith.index_cast %scan3A_669 : i32 to index
        %get3A_707 = arith.constant 80 : index
        %get3A_708 = tpu.vector_load %arg8[%get3A_706, %get3A_707] {strides = array<i32>} : memref<100x128xf32, #tpu.memory_space<vmem>>, vector<16xf32>,
        %add3A_709 = arith.addf %scan3A_675, %get3A_708 : vector<16xf32>
        %get3A_710 = arith.index_cast %scan3A_669 : i32 to index
        %get3A_711 = arith.constant 96 : index
        %get3A_712 = tpu.vector_load %arg8[%get3A_710, %get3A_711] {strides = array<i32>} : memref<100x128xf32, #tpu.memory_space<vmem>>, vector<16xf32>,
        %add3A_713 = arith.addf %scan3A_676, %get3A_712 : vector<16xf32>
        %get3A_714 = arith.index_cast %scan3A_669 : i32 to index
        %get3A_715 = arith.constant 112 : index
        %get3A_716 = tpu.vector_load %arg8[%get3A_714, %get3A_715] {strides = array<i32>} : memref<100x128xf32, #tpu.memory_space<vmem>>, vector<16xf32>,
        %add3A_717 = arith.addf %scan3A_677, %get3A_716 : vector<16xf32>
        %get3A_718 = arith.index_cast %scan3A_669 : i32 to index
        %get3A_719 = arith.constant 0 : index
        %get3A_720 = tpu.vector_load %arg8[%get3A_718, %get3A_719] {strides = array<i32>} : memref<100x128xf32, #tpu.memory_space<vmem>>, vector<16xf32>,
        %mul3A_721 = arith.mulf %get3A_720, %get3A_720 : vector<16xf32>
        %add3A_722 = arith.addf %scan3A_678, %mul3A_721 : vector<16xf32>
        %get3A_723 = arith.index_cast %scan3A_669 : i32 to index
        %get3A_724 = arith.constant 16 : index
        %get3A_725 = tpu.vector_load %arg8[%get3A_723, %get3A_724] {strides = array<i32>} : memref<100x128xf32, #tpu.memory_space<vmem>>, vector<16xf32>,
        %mul3A_726 = arith.mulf %get3A_725, %get3A_725 : vector<16xf32>
        %add3A_727 = arith.addf %scan3A_679, %mul3A_726 : vector<16xf32>
        %get3A_728 = arith.index_cast %scan3A_669 : i32 to index
        %get3A_729 = arith.constant 32 : index
        %get3A_730 = tpu.vector_load %arg8[%get3A_728, %get3A_729] {strides = array<i32>} : memref<100x128xf32, #tpu.memory_space<vmem>>, vector<16xf32>,
        %mul3A_731 = arith.mulf %get3A_730, %get3A_730 : vector<16xf32>
        %add3A_732 = arith.addf %scan3A_680, %mul3A_731 : vector<16xf32>
        %get3A_733 = arith.index_cast %scan3A_669 : i32 to index
        %get3A_734 = arith.constant 48 : index
        %get3A_735 = tpu.vector_load %arg8[%get3A_733, %get3A_734] {strides = array<i32>} : memref<100x128xf32, #tpu.memory_space<vmem>>, vector<16xf32>,
        %mul3A_736 = arith.mulf %get3A_735, %get3A_735 : vector<16xf32>
        %add3A_737 = arith.addf %scan3A_681, %mul3A_736 : vector<16xf32>
        %get3A_738 = arith.index_cast %scan3A_669 : i32 to index
        %get3A_739 = arith.constant 64 : index
        %get3A_740 = tpu.vector_load %arg8[%get3A_738, %get3A_739] {strides = array<i32>} : memref<100x128xf32, #tpu.memory_space<vmem>>, vector<16xf32>,
        %mul3A_741 = arith.mulf %get3A_740, %get3A_740 : vector<16xf32>
        %add3A_742 = arith.addf %scan3A_682, %mul3A_741 : vector<16xf32>
        %get3A_743 = arith.index_cast %scan3A_669 : i32 to index
        %get3A_744 = arith.constant 80 : index
        %get3A_745 = tpu.vector_load %arg8[%get3A_743, %get3A_744] {strides = array<i32>} : memref<100x128xf32, #tpu.memory_space<vmem>>, vector<16xf32>,
        %mul3A_746 = arith.mulf %get3A_745, %get3A_745 : vector<16xf32>
        %add3A_747 = arith.addf %scan3A_683, %mul3A_746 : vector<16xf32>
        %get3A_748 = arith.index_cast %scan3A_669 : i32 to index
        %get3A_749 = arith.constant 96 : index
        %get3A_750 = tpu.vector_load %arg8[%get3A_748, %get3A_749] {strides = array<i32>} : memref<100x128xf32, #tpu.memory_space<vmem>>, vector<16xf32>,
        %mul3A_751 = arith.mulf %get3A_750, %get3A_750 : vector<16xf32>
        %add3A_752 = arith.addf %scan3A_684, %mul3A_751 : vector<16xf32>
        %get3A_753 = arith.index_cast %scan3A_669 : i32 to index
        %get3A_754 = arith.constant 112 : index
        %get3A_755 = tpu.vector_load %arg8[%get3A_753, %get3A_754] {strides = array<i32>} : memref<100x128xf32, #tpu.memory_space<vmem>>, vector<16xf32>,
        %mul3A_756 = arith.mulf %get3A_755, %get3A_755 : vector<16xf32>
        %add3A_757 = arith.addf %scan3A_685, %mul3A_756 : vector<16xf32>
        %scan3A_758 = arith.constant 1 : i32
        %scan3A_759 = arith.addi %scan3A_669, %scan3A_758 : i32
        %get3A_760 = arith.index_cast %scan3A_759 : i32 to index
        %get3A_761 = arith.constant 0 : index
        %get3A_762 = tpu.vector_load %arg8[%get3A_760, %get3A_761] {strides = array<i32>} : memref<100x128xf32, #tpu.memory_space<vmem>>, vector<16xf32>,
        %add3A_763 = arith.addf %add3A_689, %get3A_762 : vector<16xf32>
        %get3A_764 = arith.index_cast %scan3A_759 : i32 to index
        %get3A_765 = arith.constant 16 : index
        %get3A_766 = tpu.vector_load %arg8[%get3A_764, %get3A_765] {strides = array<i32>} : memref<100x128xf32, #tpu.memory_space<vmem>>, vector<16xf32>,
        %add3A_767 = arith.addf %add3A_693, %get3A_766 : vector<16xf32>
        %get3A_768 = arith.index_cast %scan3A_759 : i32 to index
        %get3A_769 = arith.constant 32 : index
        %get3A_770 = tpu.vector_load %arg8[%get3A_768, %get3A_769] {strides = array<i32>} : memref<100x128xf32, #tpu.memory_space<vmem>>, vector<16xf32>,
        %add3A_771 = arith.addf %add3A_697, %get3A_770 : vector<16xf32>
        %get3A_772 = arith.index_cast %scan3A_759 : i32 to index
        %get3A_773 = arith.constant 48 : index
        %get3A_774 = tpu.vector_load %arg8[%get3A_772, %get3A_773] {strides = array<i32>} : memref<100x128xf32, #tpu.memory_space<vmem>>, vector<16xf32>,
        %add3A_775 = arith.addf %add3A_701, %get3A_774 : vector<16xf32>
        %get3A_776 = arith.index_cast %scan3A_759 : i32 to index
        %get3A_777 = arith.constant 64 : index
        %get3A_778 = tpu.vector_load %arg8[%get3A_776, %get3A_777] {strides = array<i32>} : memref<100x128xf32, #tpu.memory_space<vmem>>, vector<16xf32>,
        %add3A_779 = arith.addf %add3A_705, %get3A_778 : vector<16xf32>
        %get3A_780 = arith.index_cast %scan3A_759 : i32 to index
        %get3A_781 = arith.constant 80 : index
        %get3A_782 = tpu.vector_load %arg8[%get3A_780, %get3A_781] {strides = array<i32>} : memref<100x128xf32, #tpu.memory_space<vmem>>, vector<16xf32>,
        %add3A_783 = arith.addf %add3A_709, %get3A_782 : vector<16xf32>
        %get3A_784 = arith.index_cast %scan3A_759 : i32 to index
        %get3A_785 = arith.constant 96 : index
        %get3A_786 = tpu.vector_load %arg8[%get3A_784, %get3A_785] {strides = array<i32>} : memref<100x128xf32, #tpu.memory_space<vmem>>, vector<16xf32>,
        %add3A_787 = arith.addf %add3A_713, %get3A_786 : vector<16xf32>
        %get3A_788 = arith.index_cast %scan3A_759 : i32 to index
        %get3A_789 = arith.constant 112 : index
        %get3A_790 = tpu.vector_load %arg8[%get3A_788, %get3A_789] {strides = array<i32>} : memref<100x128xf32, #tpu.memory_space<vmem>>, vector<16xf32>,
        %add3A_791 = arith.addf %add3A_717, %get3A_790 : vector<16xf32>
        %get3A_792 = arith.index_cast %scan3A_759 : i32 to index
        %get3A_793 = arith.constant 0 : index
        %get3A_794 = tpu.vector_load %arg8[%get3A_792, %get3A_793] {strides = array<i32>} : memref<100x128xf32, #tpu.memory_space<vmem>>, vector<16xf32>,
        %mul3A_795 = arith.mulf %get3A_794, %get3A_794 : vector<16xf32>
        %add3A_796 = arith.addf %add3A_722, %mul3A_795 : vector<16xf32>
        %get3A_797 = arith.index_cast %scan3A_759 : i32 to index
        %get3A_798 = arith.constant 16 : index
        %get3A_799 = tpu.vector_load %arg8[%get3A_797, %get3A_798] {strides = array<i32>} : memref<100x128xf32, #tpu.memory_space<vmem>>, vector<16xf32>,
        %mul3A_800 = arith.mulf %get3A_799, %get3A_799 : vector<16xf32>
        %add3A_801 = arith.addf %add3A_727, %mul3A_800 : vector<16xf32>
        %get3A_802 = arith.index_cast %scan3A_759 : i32 to index
        %get3A_803 = arith.constant 32 : index
        %get3A_804 = tpu.vector_load %arg8[%get3A_802, %get3A_803] {strides = array<i32>} : memref<100x128xf32, #tpu.memory_space<vmem>>, vector<16xf32>,
        %mul3A_805 = arith.mulf %get3A_804, %get3A_804 : vector<16xf32>
        %add3A_806 = arith.addf %add3A_732, %mul3A_805 : vector<16xf32>
        %get3A_807 = arith.index_cast %scan3A_759 : i32 to index
        %get3A_808 = arith.constant 48 : index
        %get3A_809 = tpu.vector_load %arg8[%get3A_807, %get3A_808] {strides = array<i32>} : memref<100x128xf32, #tpu.memory_space<vmem>>, vector<16xf32>,
        %mul3A_810 = arith.mulf %get3A_809, %get3A_809 : vector<16xf32>
        %add3A_811 = arith.addf %add3A_737, %mul3A_810 : vector<16xf32>
        %get3A_812 = arith.index_cast %scan3A_759 : i32 to index
        %get3A_813 = arith.constant 64 : index
        %get3A_814 = tpu.vector_load %arg8[%get3A_812, %get3A_813] {strides = array<i32>} : memref<100x128xf32, #tpu.memory_space<vmem>>, vector<16xf32>,
        %mul3A_815 = arith.mulf %get3A_814, %get3A_814 : vector<16xf32>
        %add3A_816 = arith.addf %add3A_742, %mul3A_815 : vector<16xf32>
        %get3A_817 = arith.index_cast %scan3A_759 : i32 to index
        %get3A_818 = arith.constant 80 : index
        %get3A_819 = tpu.vector_load %arg8[%get3A_817, %get3A_818] {strides = array<i32>} : memref<100x128xf32, #tpu.memory_space<vmem>>, vector<16xf32>,
        %mul3A_820 = arith.mulf %get3A_819, %get3A_819 : vector<16xf32>
        %add3A_821 = arith.addf %add3A_747, %mul3A_820 : vector<16xf32>
        %get3A_822 = arith.index_cast %scan3A_759 : i32 to index
        %get3A_823 = arith.constant 96 : index
        %get3A_824 = tpu.vector_load %arg8[%get3A_822, %get3A_823] {strides = array<i32>} : memref<100x128xf32, #tpu.memory_space<vmem>>, vector<16xf32>,
        %mul3A_825 = arith.mulf %get3A_824, %get3A_824 : vector<16xf32>
        %add3A_826 = arith.addf %add3A_752, %mul3A_825 : vector<16xf32>
        %get3A_827 = arith.index_cast %scan3A_759 : i32 to index
        %get3A_828 = arith.constant 112 : index
        %get3A_829 = tpu.vector_load %arg8[%get3A_827, %get3A_828] {strides = array<i32>} : memref<100x128xf32, #tpu.memory_space<vmem>>, vector<16xf32>,
        %mul3A_830 = arith.mulf %get3A_829, %get3A_829 : vector<16xf32>
        %add3A_831 = arith.addf %add3A_757, %mul3A_830 : vector<16xf32>
        scf.yield %add3A_763, %add3A_767, %add3A_771, %add3A_775, %add3A_779, %add3A_783, %add3A_787, %add3A_791, %add3A_796, %add3A_801, %add3A_806, %add3A_811, %add3A_816, %add3A_821, %add3A_826, %add3A_831 : vector<16xf32>, vector<16xf32>, vector<16xf32>, vector<16xf32>, vector<16xf32>, vector<16xf32>, vector<16xf32>, vector<16xf32>, vector<16xf32>, vector<16xf32>, vector<16xf32>, vector<16xf32>, vector<16xf32>, vector<16xf32>, vector<16xf32>, vector<16xf32>
      }
      %scan3A_285 = arith.constant 100 : i32
      %mul3A_286 = arith.mulf %scan3A_284#0, %scan3A_284#0 : vector<16xf32>
      %sub3A_287 = arith.subf %mul3A_286, %scan3A_284#8 : vector<16xf32>
      %mul3A_288 = arith.mulf %scan3A_284#1, %scan3A_284#1 : vector<16xf32>
      %sub3A_289 = arith.subf %mul3A_288, %scan3A_284#9 : vector<16xf32>
      %add3A_290 = arith.addf %sub3A_287, %sub3A_289 : vector<16xf32>
      %mul3A_291 = arith.mulf %scan3A_284#2, %scan3A_284#2 : vector<16xf32>
      %sub3A_292 = arith.subf %mul3A_291, %scan3A_284#10 : vector<16xf32>
      %add3A_293 = arith.addf %add3A_290, %sub3A_292 : vector<16xf32>
      %mul3A_294 = arith.mulf %scan3A_284#3, %scan3A_284#3 : vector<16xf32>
      %sub3A_295 = arith.subf %mul3A_294, %scan3A_284#11 : vector<16xf32>
      %add3A_296 = arith.addf %add3A_293, %sub3A_295 : vector<16xf32>
      %mul3A_297 = arith.mulf %scan3A_284#4, %scan3A_284#4 : vector<16xf32>
      %sub3A_298 = arith.subf %mul3A_297, %scan3A_284#12 : vector<16xf32>
      %add3A_299 = arith.addf %add3A_296, %sub3A_298 : vector<16xf32>
      %mul3A_300 = arith.mulf %scan3A_284#5, %scan3A_284#5 : vector<16xf32>
      %sub3A_301 = arith.subf %mul3A_300, %scan3A_284#13 : vector<16xf32>
      %add3A_302 = arith.addf %add3A_299, %sub3A_301 : vector<16xf32>
      %mul3A_303 = arith.mulf %scan3A_284#6, %scan3A_284#6 : vector<16xf32>
      %sub3A_304 = arith.subf %mul3A_303, %scan3A_284#14 : vector<16xf32>
      %add3A_305 = arith.addf %add3A_302, %sub3A_304 : vector<16xf32>
      %mul3A_306 = arith.mulf %scan3A_284#7, %scan3A_284#7 : vector<16xf32>
      %sub3A_307 = arith.subf %mul3A_306, %scan3A_284#15 : vector<16xf32>
      %add3A_308 = arith.addf %add3A_305, %sub3A_307 : vector<16xf32>
      %get3A_309 = arith.constant 0 : index
      %get3A_310 = tpu.vector_load %arg13[%get3A_309] {strides = array<i32>} : memref<112xf32, #tpu.memory_space<vmem>>, vector<16xf32>,
      %get3A_311 = arith.constant 16 : index
      %get3A_312 = tpu.vector_load %arg13[%get3A_311] {strides = array<i32>} : memref<112xf32, #tpu.memory_space<vmem>>, vector<16xf32>,
      %add3A_313 = arith.addf %get3A_310, %get3A_312 : vector<16xf32>
      %get3A_314 = arith.constant 32 : index
      %get3A_315 = tpu.vector_load %arg13[%get3A_314] {strides = array<i32>} : memref<112xf32, #tpu.memory_space<vmem>>, vector<16xf32>,
      %add3A_316 = arith.addf %add3A_313, %get3A_315 : vector<16xf32>
      %get3A_317 = arith.constant 48 : index
      %get3A_318 = tpu.vector_load %arg13[%get3A_317] {strides = array<i32>} : memref<112xf32, #tpu.memory_space<vmem>>, vector<16xf32>,
      %add3A_319 = arith.addf %add3A_316, %get3A_318 : vector<16xf32>
      %get3A_320 = arith.constant 64 : index
      %get3A_321 = tpu.vector_load %arg13[%get3A_320] {strides = array<i32>} : memref<112xf32, #tpu.memory_space<vmem>>, vector<16xf32>,
      %add3A_322 = arith.addf %add3A_319, %get3A_321 : vector<16xf32>
      %get3A_323 = arith.constant 80 : index
      %get3A_324 = tpu.vector_load %arg13[%get3A_323] {strides = array<i32>} : memref<112xf32, #tpu.memory_space<vmem>>, vector<16xf32>,
      %add3A_325 = arith.addf %add3A_322, %get3A_324 : vector<16xf32>
      %get3A_326 = arith.constant 96 : index
      %get3A_327 = tpu.vector_load %arg13[%get3A_326] {strides = array<i32>} : memref<112xf32, #tpu.memory_space<vmem>>, vector<16xf32>,
      %add3A_328 = arith.addf %add3A_325, %get3A_327 : vector<16xf32>
      %mul3A_329 = arith.constant 5.000000e-01 : f32
      %mul3A_330 = vector.broadcast %mul3A_329 : f32 to vector<16xf32>
      %mul3A_331 = arith.mulf %add3A_308, %mul3A_330 : vector<16xf32>
      %add3A_332 = arith.addf %mul3A_331, %add3A_328 : vector<16xf32>
      %swap3A_333 = arith.index_cast %add3A_264 : i32 to index
      %swap3A_334 = arith.constant 0 : index
      %swap3A_335 = tpu.vector_load %arg18[%swap3A_333, %swap3A_334] {strides = array<i32>} : memref<512x16xf32, #tpu.memory_space<vmem>>, vector<16xf32>,
      tpu.vector_store %arg18[%swap3A_333, %swap3A_334], %add3A_332 {strides = array<i32>} : memref<512x16xf32, #tpu.memory_space<vmem>>, vector<16xf32>,
      %add3A_336 = arith.constant 5 : i32
      %add3A_337 = arith.addi %add3A_264, %add3A_336 : i32
      %lt3A = arith.constant 512 : i32
      %lt3A_338 = arith.cmpi slt, %add3A_337, %lt3A : i32
      %convert_element_type3A = arith.extui %lt3A_338 : i1 to i32
      %cond3A = arith.constant 0 : i32
      %cond3A_339 = arith.cmpi ne, %convert_element_type3A, %cond3A : i32
      scf.if %cond3A_339 {
        %add3A_669 = arith.constant 5 : i32
        %add3A_670 = arith.addi %add3A_264, %add3A_669 : i32
        %dma_start3A_671 = arith.constant 0 : i32
        %dma_start3A_672 = tpu.memref_slice %arg7[%add3A_670, %dma_start3A_671] : memref<512x100xi32, #tpu.memory_space<vmem>> -> memref<1x100xi32, #tpu.memory_space<vmem>>
        %dma_start3A_673 = tpu.memref_squeeze %dma_start3A_672 : memref<1x100xi32, #tpu.memory_space<vmem>> -> memref<100xi32, #tpu.memory_space<vmem>>
        %dma_start3A_674 = arith.constant 0 : i32
        %dma_start3A_675 = arith.constant 0 : i32
        %dma_start3A_676 = tpu.memref_slice %arg3[%dma_start3A_674, %dma_start3A_675] : memref<100000x128xf32, #tpu.memory_space<hbm>> -> memref<100000x128xf32, #tpu.memory_space<hbm>>
        tpu.enqueue_indirect_dma source(%dma_start3A_676 : memref<100000x128xf32, #tpu.memory_space<hbm>>) target(%arg8 : memref<100x128xf32, #tpu.memory_space<vmem>>) offsets(%dma_start3A_673 : memref<100xi32, #tpu.memory_space<vmem>>) semaphore(%arg21 : memref<!tpu.dma_semaphore, #tpu.memory_space<semaphore_mem>>)
        %dma_start3A_677 = arith.constant 0 : i32
        %dma_start3A_678 = tpu.memref_slice %arg13[%dma_start3A_677] : memref<112xf32, #tpu.memory_space<vmem>> -> memref<100xf32, #tpu.memory_space<vmem>>
        %dma_start3A_679 = arith.constant 0 : i32
        %dma_start3A_680 = tpu.memref_slice %arg7[%add3A_670, %dma_start3A_679] : memref<512x100xi32, #tpu.memory_space<vmem>> -> memref<1x100xi32, #tpu.memory_space<vmem>>
        %dma_start3A_681 = tpu.memref_squeeze %dma_start3A_680 : memref<1x100xi32, #tpu.memory_space<vmem>> -> memref<100xi32, #tpu.memory_space<vmem>>
        %dma_start3A_682 = arith.constant 0 : i32
        %dma_start3A_683 = tpu.memref_slice %arg4[%dma_start3A_682] : memref<100000xf32, #tpu.memory_space<hbm>> -> memref<100000xf32, #tpu.memory_space<hbm>>
        tpu.enqueue_indirect_dma source(%dma_start3A_683 : memref<100000xf32, #tpu.memory_space<hbm>>) target(%dma_start3A_678 : memref<100xf32, #tpu.memory_space<vmem>>) offsets(%dma_start3A_681 : memref<100xi32, #tpu.memory_space<vmem>>) semaphore(%arg21 : memref<!tpu.dma_semaphore, #tpu.memory_space<semaphore_mem>>)
      } else {
      }
      %mul3A_340 = arith.constant 5 : i32
      %mul3A_341 = arith.muli %mul3A_340, %scan3A_259 : i32
      %add3A_342 = arith.constant 1 : i32
      %add3A_343 = arith.addi %mul3A_341, %add3A_342 : i32
      %dma_wait3A_344 = arith.constant 0 : i32
      %dma_wait3A_345 = tpu.memref_slice %arg7[%add3A_343, %dma_wait3A_344] : memref<512x100xi32, #tpu.memory_space<vmem>> -> memref<1x100xi32, #tpu.memory_space<vmem>>
      %dma_wait3A_346 = tpu.memref_squeeze %dma_wait3A_345 : memref<1x100xi32, #tpu.memory_space<vmem>> -> memref<100xi32, #tpu.memory_space<vmem>>
      %dma_wait3A_347 = arith.constant 0 : i32
      %dma_wait3A_348 = arith.constant 0 : i32
      %dma_wait3A_349 = tpu.memref_slice %arg3[%dma_wait3A_347, %dma_wait3A_348] : memref<100000x128xf32, #tpu.memory_space<hbm>> -> memref<100000x128xf32, #tpu.memory_space<hbm>>
      tpu.wait_indirect_dma semaphore(%arg22 : memref<!tpu.dma_semaphore, #tpu.memory_space<semaphore_mem>>) src(%dma_wait3A_349 : memref<100000x128xf32, #tpu.memory_space<hbm>>) dst(%arg9 : memref<100x128xf32, #tpu.memory_space<vmem>>)
      %dma_wait3A_350 = arith.constant 0 : i32
      %dma_wait3A_351 = tpu.memref_slice %arg14[%dma_wait3A_350] : memref<112xf32, #tpu.memory_space<vmem>> -> memref<100xf32, #tpu.memory_space<vmem>>
      %dma_wait3A_352 = arith.constant 0 : i32
      %dma_wait3A_353 = tpu.memref_slice %arg7[%add3A_343, %dma_wait3A_352] : memref<512x100xi32, #tpu.memory_space<vmem>> -> memref<1x100xi32, #tpu.memory_space<vmem>>
      %dma_wait3A_354 = tpu.memref_squeeze %dma_wait3A_353 : memref<1x100xi32, #tpu.memory_space<vmem>> -> memref<100xi32, #tpu.memory_space<vmem>>
      %dma_wait3A_355 = arith.constant 0 : i32
      %dma_wait3A_356 = tpu.memref_slice %arg4[%dma_wait3A_355] : memref<100000xf32, #tpu.memory_space<hbm>> -> memref<100000xf32, #tpu.memory_space<hbm>>
      tpu.wait_indirect_dma semaphore(%arg22 : memref<!tpu.dma_semaphore, #tpu.memory_space<semaphore_mem>>) src(%dma_wait3A_356 : memref<100000xf32, #tpu.memory_space<hbm>>) dst(%dma_wait3A_351 : memref<100xf32, #tpu.memory_space<vmem>>)
      %broadcast_in_dim3A_357 = arith.constant 0.000000e+00 : f32
      %broadcast_in_dim3A_358 = vector.broadcast %broadcast_in_dim3A_357 : f32 to vector<16xf32>
      %scan3A_359 = arith.constant 0 : i32
      %scan3A_360 = arith.constant 100 : i32
      %scan3A_361 = arith.addi %scan3A_359, %scan3A_360 : i32
      %scan3A_362 = arith.constant 2 : i32
      %scan3A_363:16 = scf.for %scan3A_669 = %scan3A_359 to %scan3A_361 step %scan3A_362 iter_args(%scan3A_670 = %broadcast_in_dim3A_358, %scan3A_671 = %broadcast_in_dim3A_358, %scan3A_672 = %broadcast_in_dim3A_358, %scan3A_673 = %broadcast_in_dim3A_358, %scan3A_674 = %broadcast_in_dim3A_358, %scan3A_675 = %broadcast_in_dim3A_358, %scan3A_676 = %broadcast_in_dim3A_358, %scan3A_677 = %broadcast_in_dim3A_358, %scan3A_678 = %broadcast_in_dim3A_358, %scan3A_679 = %broadcast_in_dim3A_358, %scan3A_680 = %broadcast_in_dim3A_358, %scan3A_681 = %broadcast_in_dim3A_358, %scan3A_682 = %broadcast_in_dim3A_358, %scan3A_683 = %broadcast_in_dim3A_358, %scan3A_684 = %broadcast_in_dim3A_358, %scan3A_685 = %broadcast_in_dim3A_358) -> (vector<16xf32>, vector<16xf32>, vector<16xf32>, vector<16xf32>, vector<16xf32>, vector<16xf32>, vector<16xf32>, vector<16xf32>, vector<16xf32>, vector<16xf32>, vector<16xf32>, vector<16xf32>, vector<16xf32>, vector<16xf32>, vector<16xf32>, vector<16xf32>)  : i32 {
        %get3A_686 = arith.index_cast %scan3A_669 : i32 to index
        %get3A_687 = arith.constant 0 : index
        %get3A_688 = tpu.vector_load %arg9[%get3A_686, %get3A_687] {strides = array<i32>} : memref<100x128xf32, #tpu.memory_space<vmem>>, vector<16xf32>,
        %add3A_689 = arith.addf %scan3A_670, %get3A_688 : vector<16xf32>
        %get3A_690 = arith.index_cast %scan3A_669 : i32 to index
        %get3A_691 = arith.constant 16 : index
        %get3A_692 = tpu.vector_load %arg9[%get3A_690, %get3A_691] {strides = array<i32>} : memref<100x128xf32, #tpu.memory_space<vmem>>, vector<16xf32>,
        %add3A_693 = arith.addf %scan3A_671, %get3A_692 : vector<16xf32>
        %get3A_694 = arith.index_cast %scan3A_669 : i32 to index
        %get3A_695 = arith.constant 32 : index
        %get3A_696 = tpu.vector_load %arg9[%get3A_694, %get3A_695] {strides = array<i32>} : memref<100x128xf32, #tpu.memory_space<vmem>>, vector<16xf32>,
        %add3A_697 = arith.addf %scan3A_672, %get3A_696 : vector<16xf32>
        %get3A_698 = arith.index_cast %scan3A_669 : i32 to index
        %get3A_699 = arith.constant 48 : index
        %get3A_700 = tpu.vector_load %arg9[%get3A_698, %get3A_699] {strides = array<i32>} : memref<100x128xf32, #tpu.memory_space<vmem>>, vector<16xf32>,
        %add3A_701 = arith.addf %scan3A_673, %get3A_700 : vector<16xf32>
        %get3A_702 = arith.index_cast %scan3A_669 : i32 to index
        %get3A_703 = arith.constant 64 : index
        %get3A_704 = tpu.vector_load %arg9[%get3A_702, %get3A_703] {strides = array<i32>} : memref<100x128xf32, #tpu.memory_space<vmem>>, vector<16xf32>,
        %add3A_705 = arith.addf %scan3A_674, %get3A_704 : vector<16xf32>
        %get3A_706 = arith.index_cast %scan3A_669 : i32 to index
        %get3A_707 = arith.constant 80 : index
        %get3A_708 = tpu.vector_load %arg9[%get3A_706, %get3A_707] {strides = array<i32>} : memref<100x128xf32, #tpu.memory_space<vmem>>, vector<16xf32>,
        %add3A_709 = arith.addf %scan3A_675, %get3A_708 : vector<16xf32>
        %get3A_710 = arith.index_cast %scan3A_669 : i32 to index
        %get3A_711 = arith.constant 96 : index
        %get3A_712 = tpu.vector_load %arg9[%get3A_710, %get3A_711] {strides = array<i32>} : memref<100x128xf32, #tpu.memory_space<vmem>>, vector<16xf32>,
        %add3A_713 = arith.addf %scan3A_676, %get3A_712 : vector<16xf32>
        %get3A_714 = arith.index_cast %scan3A_669 : i32 to index
        %get3A_715 = arith.constant 112 : index
        %get3A_716 = tpu.vector_load %arg9[%get3A_714, %get3A_715] {strides = array<i32>} : memref<100x128xf32, #tpu.memory_space<vmem>>, vector<16xf32>,
        %add3A_717 = arith.addf %scan3A_677, %get3A_716 : vector<16xf32>
        %get3A_718 = arith.index_cast %scan3A_669 : i32 to index
        %get3A_719 = arith.constant 0 : index
        %get3A_720 = tpu.vector_load %arg9[%get3A_718, %get3A_719] {strides = array<i32>} : memref<100x128xf32, #tpu.memory_space<vmem>>, vector<16xf32>,
        %mul3A_721 = arith.mulf %get3A_720, %get3A_720 : vector<16xf32>
        %add3A_722 = arith.addf %scan3A_678, %mul3A_721 : vector<16xf32>
        %get3A_723 = arith.index_cast %scan3A_669 : i32 to index
        %get3A_724 = arith.constant 16 : index
        %get3A_725 = tpu.vector_load %arg9[%get3A_723, %get3A_724] {strides = array<i32>} : memref<100x128xf32, #tpu.memory_space<vmem>>, vector<16xf32>,
        %mul3A_726 = arith.mulf %get3A_725, %get3A_725 : vector<16xf32>
        %add3A_727 = arith.addf %scan3A_679, %mul3A_726 : vector<16xf32>
        %get3A_728 = arith.index_cast %scan3A_669 : i32 to index
        %get3A_729 = arith.constant 32 : index
        %get3A_730 = tpu.vector_load %arg9[%get3A_728, %get3A_729] {strides = array<i32>} : memref<100x128xf32, #tpu.memory_space<vmem>>, vector<16xf32>,
        %mul3A_731 = arith.mulf %get3A_730, %get3A_730 : vector<16xf32>
        %add3A_732 = arith.addf %scan3A_680, %mul3A_731 : vector<16xf32>
        %get3A_733 = arith.index_cast %scan3A_669 : i32 to index
        %get3A_734 = arith.constant 48 : index
        %get3A_735 = tpu.vector_load %arg9[%get3A_733, %get3A_734] {strides = array<i32>} : memref<100x128xf32, #tpu.memory_space<vmem>>, vector<16xf32>,
        %mul3A_736 = arith.mulf %get3A_735, %get3A_735 : vector<16xf32>
        %add3A_737 = arith.addf %scan3A_681, %mul3A_736 : vector<16xf32>
        %get3A_738 = arith.index_cast %scan3A_669 : i32 to index
        %get3A_739 = arith.constant 64 : index
        %get3A_740 = tpu.vector_load %arg9[%get3A_738, %get3A_739] {strides = array<i32>} : memref<100x128xf32, #tpu.memory_space<vmem>>, vector<16xf32>,
        %mul3A_741 = arith.mulf %get3A_740, %get3A_740 : vector<16xf32>
        %add3A_742 = arith.addf %scan3A_682, %mul3A_741 : vector<16xf32>
        %get3A_743 = arith.index_cast %scan3A_669 : i32 to index
        %get3A_744 = arith.constant 80 : index
        %get3A_745 = tpu.vector_load %arg9[%get3A_743, %get3A_744] {strides = array<i32>} : memref<100x128xf32, #tpu.memory_space<vmem>>, vector<16xf32>,
        %mul3A_746 = arith.mulf %get3A_745, %get3A_745 : vector<16xf32>
        %add3A_747 = arith.addf %scan3A_683, %mul3A_746 : vector<16xf32>
        %get3A_748 = arith.index_cast %scan3A_669 : i32 to index
        %get3A_749 = arith.constant 96 : index
        %get3A_750 = tpu.vector_load %arg9[%get3A_748, %get3A_749] {strides = array<i32>} : memref<100x128xf32, #tpu.memory_space<vmem>>, vector<16xf32>,
        %mul3A_751 = arith.mulf %get3A_750, %get3A_750 : vector<16xf32>
        %add3A_752 = arith.addf %scan3A_684, %mul3A_751 : vector<16xf32>
        %get3A_753 = arith.index_cast %scan3A_669 : i32 to index
        %get3A_754 = arith.constant 112 : index
        %get3A_755 = tpu.vector_load %arg9[%get3A_753, %get3A_754] {strides = array<i32>} : memref<100x128xf32, #tpu.memory_space<vmem>>, vector<16xf32>,
        %mul3A_756 = arith.mulf %get3A_755, %get3A_755 : vector<16xf32>
        %add3A_757 = arith.addf %scan3A_685, %mul3A_756 : vector<16xf32>
        %scan3A_758 = arith.constant 1 : i32
        %scan3A_759 = arith.addi %scan3A_669, %scan3A_758 : i32
        %get3A_760 = arith.index_cast %scan3A_759 : i32 to index
        %get3A_761 = arith.constant 0 : index
        %get3A_762 = tpu.vector_load %arg9[%get3A_760, %get3A_761] {strides = array<i32>} : memref<100x128xf32, #tpu.memory_space<vmem>>, vector<16xf32>,
        %add3A_763 = arith.addf %add3A_689, %get3A_762 : vector<16xf32>
        %get3A_764 = arith.index_cast %scan3A_759 : i32 to index
        %get3A_765 = arith.constant 16 : index
        %get3A_766 = tpu.vector_load %arg9[%get3A_764, %get3A_765] {strides = array<i32>} : memref<100x128xf32, #tpu.memory_space<vmem>>, vector<16xf32>,
        %add3A_767 = arith.addf %add3A_693, %get3A_766 : vector<16xf32>
        %get3A_768 = arith.index_cast %scan3A_759 : i32 to index
        %get3A_769 = arith.constant 32 : index
        %get3A_770 = tpu.vector_load %arg9[%get3A_768, %get3A_769] {strides = array<i32>} : memref<100x128xf32, #tpu.memory_space<vmem>>, vector<16xf32>,
        %add3A_771 = arith.addf %add3A_697, %get3A_770 : vector<16xf32>
        %get3A_772 = arith.index_cast %scan3A_759 : i32 to index
        %get3A_773 = arith.constant 48 : index
        %get3A_774 = tpu.vector_load %arg9[%get3A_772, %get3A_773] {strides = array<i32>} : memref<100x128xf32, #tpu.memory_space<vmem>>, vector<16xf32>,
        %add3A_775 = arith.addf %add3A_701, %get3A_774 : vector<16xf32>
        %get3A_776 = arith.index_cast %scan3A_759 : i32 to index
        %get3A_777 = arith.constant 64 : index
        %get3A_778 = tpu.vector_load %arg9[%get3A_776, %get3A_777] {strides = array<i32>} : memref<100x128xf32, #tpu.memory_space<vmem>>, vector<16xf32>,
        %add3A_779 = arith.addf %add3A_705, %get3A_778 : vector<16xf32>
        %get3A_780 = arith.index_cast %scan3A_759 : i32 to index
        %get3A_781 = arith.constant 80 : index
        %get3A_782 = tpu.vector_load %arg9[%get3A_780, %get3A_781] {strides = array<i32>} : memref<100x128xf32, #tpu.memory_space<vmem>>, vector<16xf32>,
        %add3A_783 = arith.addf %add3A_709, %get3A_782 : vector<16xf32>
        %get3A_784 = arith.index_cast %scan3A_759 : i32 to index
        %get3A_785 = arith.constant 96 : index
        %get3A_786 = tpu.vector_load %arg9[%get3A_784, %get3A_785] {strides = array<i32>} : memref<100x128xf32, #tpu.memory_space<vmem>>, vector<16xf32>,
        %add3A_787 = arith.addf %add3A_713, %get3A_786 : vector<16xf32>
        %get3A_788 = arith.index_cast %scan3A_759 : i32 to index
        %get3A_789 = arith.constant 112 : index
        %get3A_790 = tpu.vector_load %arg9[%get3A_788, %get3A_789] {strides = array<i32>} : memref<100x128xf32, #tpu.memory_space<vmem>>, vector<16xf32>,
        %add3A_791 = arith.addf %add3A_717, %get3A_790 : vector<16xf32>
        %get3A_792 = arith.index_cast %scan3A_759 : i32 to index
        %get3A_793 = arith.constant 0 : index
        %get3A_794 = tpu.vector_load %arg9[%get3A_792, %get3A_793] {strides = array<i32>} : memref<100x128xf32, #tpu.memory_space<vmem>>, vector<16xf32>,
        %mul3A_795 = arith.mulf %get3A_794, %get3A_794 : vector<16xf32>
        %add3A_796 = arith.addf %add3A_722, %mul3A_795 : vector<16xf32>
        %get3A_797 = arith.index_cast %scan3A_759 : i32 to index
        %get3A_798 = arith.constant 16 : index
        %get3A_799 = tpu.vector_load %arg9[%get3A_797, %get3A_798] {strides = array<i32>} : memref<100x128xf32, #tpu.memory_space<vmem>>, vector<16xf32>,
        %mul3A_800 = arith.mulf %get3A_799, %get3A_799 : vector<16xf32>
        %add3A_801 = arith.addf %add3A_727, %mul3A_800 : vector<16xf32>
        %get3A_802 = arith.index_cast %scan3A_759 : i32 to index
        %get3A_803 = arith.constant 32 : index
        %get3A_804 = tpu.vector_load %arg9[%get3A_802, %get3A_803] {strides = array<i32>} : memref<100x128xf32, #tpu.memory_space<vmem>>, vector<16xf32>,
        %mul3A_805 = arith.mulf %get3A_804, %get3A_804 : vector<16xf32>
        %add3A_806 = arith.addf %add3A_732, %mul3A_805 : vector<16xf32>
        %get3A_807 = arith.index_cast %scan3A_759 : i32 to index
        %get3A_808 = arith.constant 48 : index
        %get3A_809 = tpu.vector_load %arg9[%get3A_807, %get3A_808] {strides = array<i32>} : memref<100x128xf32, #tpu.memory_space<vmem>>, vector<16xf32>,
        %mul3A_810 = arith.mulf %get3A_809, %get3A_809 : vector<16xf32>
        %add3A_811 = arith.addf %add3A_737, %mul3A_810 : vector<16xf32>
        %get3A_812 = arith.index_cast %scan3A_759 : i32 to index
        %get3A_813 = arith.constant 64 : index
        %get3A_814 = tpu.vector_load %arg9[%get3A_812, %get3A_813] {strides = array<i32>} : memref<100x128xf32, #tpu.memory_space<vmem>>, vector<16xf32>,
        %mul3A_815 = arith.mulf %get3A_814, %get3A_814 : vector<16xf32>
        %add3A_816 = arith.addf %add3A_742, %mul3A_815 : vector<16xf32>
        %get3A_817 = arith.index_cast %scan3A_759 : i32 to index
        %get3A_818 = arith.constant 80 : index
        %get3A_819 = tpu.vector_load %arg9[%get3A_817, %get3A_818] {strides = array<i32>} : memref<100x128xf32, #tpu.memory_space<vmem>>, vector<16xf32>,
        %mul3A_820 = arith.mulf %get3A_819, %get3A_819 : vector<16xf32>
        %add3A_821 = arith.addf %add3A_747, %mul3A_820 : vector<16xf32>
        %get3A_822 = arith.index_cast %scan3A_759 : i32 to index
        %get3A_823 = arith.constant 96 : index
        %get3A_824 = tpu.vector_load %arg9[%get3A_822, %get3A_823] {strides = array<i32>} : memref<100x128xf32, #tpu.memory_space<vmem>>, vector<16xf32>,
        %mul3A_825 = arith.mulf %get3A_824, %get3A_824 : vector<16xf32>
        %add3A_826 = arith.addf %add3A_752, %mul3A_825 : vector<16xf32>
        %get3A_827 = arith.index_cast %scan3A_759 : i32 to index
        %get3A_828 = arith.constant 112 : index
        %get3A_829 = tpu.vector_load %arg9[%get3A_827, %get3A_828] {strides = array<i32>} : memref<100x128xf32, #tpu.memory_space<vmem>>, vector<16xf32>,
        %mul3A_830 = arith.mulf %get3A_829, %get3A_829 : vector<16xf32>
        %add3A_831 = arith.addf %add3A_757, %mul3A_830 : vector<16xf32>
        scf.yield %add3A_763, %add3A_767, %add3A_771, %add3A_775, %add3A_779, %add3A_783, %add3A_787, %add3A_791, %add3A_796, %add3A_801, %add3A_806, %add3A_811, %add3A_816, %add3A_821, %add3A_826, %add3A_831 : vector<16xf32>, vector<16xf32>, vector<16xf32>, vector<16xf32>, vector<16xf32>, vector<16xf32>, vector<16xf32>, vector<16xf32>, vector<16xf32>, vector<16xf32>, vector<16xf32>, vector<16xf32>, vector<16xf32>, vector<16xf32>, vector<16xf32>, vector<16xf32>
      }
      %scan3A_364 = arith.constant 100 : i32
      %mul3A_365 = arith.mulf %scan3A_363#0, %scan3A_363#0 : vector<16xf32>
      %sub3A_366 = arith.subf %mul3A_365, %scan3A_363#8 : vector<16xf32>
      %mul3A_367 = arith.mulf %scan3A_363#1, %scan3A_363#1 : vector<16xf32>
      %sub3A_368 = arith.subf %mul3A_367, %scan3A_363#9 : vector<16xf32>
      %add3A_369 = arith.addf %sub3A_366, %sub3A_368 : vector<16xf32>
      %mul3A_370 = arith.mulf %scan3A_363#2, %scan3A_363#2 : vector<16xf32>
      %sub3A_371 = arith.subf %mul3A_370, %scan3A_363#10 : vector<16xf32>
      %add3A_372 = arith.addf %add3A_369, %sub3A_371 : vector<16xf32>
      %mul3A_373 = arith.mulf %scan3A_363#3, %scan3A_363#3 : vector<16xf32>
      %sub3A_374 = arith.subf %mul3A_373, %scan3A_363#11 : vector<16xf32>
      %add3A_375 = arith.addf %add3A_372, %sub3A_374 : vector<16xf32>
      %mul3A_376 = arith.mulf %scan3A_363#4, %scan3A_363#4 : vector<16xf32>
      %sub3A_377 = arith.subf %mul3A_376, %scan3A_363#12 : vector<16xf32>
      %add3A_378 = arith.addf %add3A_375, %sub3A_377 : vector<16xf32>
      %mul3A_379 = arith.mulf %scan3A_363#5, %scan3A_363#5 : vector<16xf32>
      %sub3A_380 = arith.subf %mul3A_379, %scan3A_363#13 : vector<16xf32>
      %add3A_381 = arith.addf %add3A_378, %sub3A_380 : vector<16xf32>
      %mul3A_382 = arith.mulf %scan3A_363#6, %scan3A_363#6 : vector<16xf32>
      %sub3A_383 = arith.subf %mul3A_382, %scan3A_363#14 : vector<16xf32>
      %add3A_384 = arith.addf %add3A_381, %sub3A_383 : vector<16xf32>
      %mul3A_385 = arith.mulf %scan3A_363#7, %scan3A_363#7 : vector<16xf32>
      %sub3A_386 = arith.subf %mul3A_385, %scan3A_363#15 : vector<16xf32>
      %add3A_387 = arith.addf %add3A_384, %sub3A_386 : vector<16xf32>
      %get3A_388 = arith.constant 0 : index
      %get3A_389 = tpu.vector_load %arg14[%get3A_388] {strides = array<i32>} : memref<112xf32, #tpu.memory_space<vmem>>, vector<16xf32>,
      %get3A_390 = arith.constant 16 : index
      %get3A_391 = tpu.vector_load %arg14[%get3A_390] {strides = array<i32>} : memref<112xf32, #tpu.memory_space<vmem>>, vector<16xf32>,
      %add3A_392 = arith.addf %get3A_389, %get3A_391 : vector<16xf32>
      %get3A_393 = arith.constant 32 : index
      %get3A_394 = tpu.vector_load %arg14[%get3A_393] {strides = array<i32>} : memref<112xf32, #tpu.memory_space<vmem>>, vector<16xf32>,
      %add3A_395 = arith.addf %add3A_392, %get3A_394 : vector<16xf32>
      %get3A_396 = arith.constant 48 : index
      %get3A_397 = tpu.vector_load %arg14[%get3A_396] {strides = array<i32>} : memref<112xf32, #tpu.memory_space<vmem>>, vector<16xf32>,
      %add3A_398 = arith.addf %add3A_395, %get3A_397 : vector<16xf32>
      %get3A_399 = arith.constant 64 : index
      %get3A_400 = tpu.vector_load %arg14[%get3A_399] {strides = array<i32>} : memref<112xf32, #tpu.memory_space<vmem>>, vector<16xf32>,
      %add3A_401 = arith.addf %add3A_398, %get3A_400 : vector<16xf32>
      %get3A_402 = arith.constant 80 : index
      %get3A_403 = tpu.vector_load %arg14[%get3A_402] {strides = array<i32>} : memref<112xf32, #tpu.memory_space<vmem>>, vector<16xf32>,
      %add3A_404 = arith.addf %add3A_401, %get3A_403 : vector<16xf32>
      %get3A_405 = arith.constant 96 : index
      %get3A_406 = tpu.vector_load %arg14[%get3A_405] {strides = array<i32>} : memref<112xf32, #tpu.memory_space<vmem>>, vector<16xf32>,
      %add3A_407 = arith.addf %add3A_404, %get3A_406 : vector<16xf32>
      %mul3A_408 = arith.constant 5.000000e-01 : f32
      %mul3A_409 = vector.broadcast %mul3A_408 : f32 to vector<16xf32>
      %mul3A_410 = arith.mulf %add3A_387, %mul3A_409 : vector<16xf32>
      %add3A_411 = arith.addf %mul3A_410, %add3A_407 : vector<16xf32>
      %swap3A_412 = arith.index_cast %add3A_343 : i32 to index
      %swap3A_413 = arith.constant 0 : index
      %swap3A_414 = tpu.vector_load %arg18[%swap3A_412, %swap3A_413] {strides = array<i32>} : memref<512x16xf32, #tpu.memory_space<vmem>>, vector<16xf32>,
      tpu.vector_store %arg18[%swap3A_412, %swap3A_413], %add3A_411 {strides = array<i32>} : memref<512x16xf32, #tpu.memory_space<vmem>>, vector<16xf32>,
      %add3A_415 = arith.constant 5 : i32
      %add3A_416 = arith.addi %add3A_343, %add3A_415 : i32
      %lt3A_417 = arith.constant 512 : i32
      %lt3A_418 = arith.cmpi slt, %add3A_416, %lt3A_417 : i32
      %convert_element_type3A_419 = arith.extui %lt3A_418 : i1 to i32
      %cond3A_420 = arith.constant 0 : i32
      %cond3A_421 = arith.cmpi ne, %convert_element_type3A_419, %cond3A_420 : i32
      scf.if %cond3A_421 {
        %add3A_669 = arith.constant 5 : i32
        %add3A_670 = arith.addi %add3A_343, %add3A_669 : i32
        %dma_start3A_671 = arith.constant 0 : i32
        %dma_start3A_672 = tpu.memref_slice %arg7[%add3A_670, %dma_start3A_671] : memref<512x100xi32, #tpu.memory_space<vmem>> -> memref<1x100xi32, #tpu.memory_space<vmem>>
        %dma_start3A_673 = tpu.memref_squeeze %dma_start3A_672 : memref<1x100xi32, #tpu.memory_space<vmem>> -> memref<100xi32, #tpu.memory_space<vmem>>
        %dma_start3A_674 = arith.constant 0 : i32
        %dma_start3A_675 = arith.constant 0 : i32
        %dma_start3A_676 = tpu.memref_slice %arg3[%dma_start3A_674, %dma_start3A_675] : memref<100000x128xf32, #tpu.memory_space<hbm>> -> memref<100000x128xf32, #tpu.memory_space<hbm>>
        tpu.enqueue_indirect_dma source(%dma_start3A_676 : memref<100000x128xf32, #tpu.memory_space<hbm>>) target(%arg9 : memref<100x128xf32, #tpu.memory_space<vmem>>) offsets(%dma_start3A_673 : memref<100xi32, #tpu.memory_space<vmem>>) semaphore(%arg22 : memref<!tpu.dma_semaphore, #tpu.memory_space<semaphore_mem>>)
        %dma_start3A_677 = arith.constant 0 : i32
        %dma_start3A_678 = tpu.memref_slice %arg14[%dma_start3A_677] : memref<112xf32, #tpu.memory_space<vmem>> -> memref<100xf32, #tpu.memory_space<vmem>>
        %dma_start3A_679 = arith.constant 0 : i32
        %dma_start3A_680 = tpu.memref_slice %arg7[%add3A_670, %dma_start3A_679] : memref<512x100xi32, #tpu.memory_space<vmem>> -> memref<1x100xi32, #tpu.memory_space<vmem>>
        %dma_start3A_681 = tpu.memref_squeeze %dma_start3A_680 : memref<1x100xi32, #tpu.memory_space<vmem>> -> memref<100xi32, #tpu.memory_space<vmem>>
        %dma_start3A_682 = arith.constant 0 : i32
        %dma_start3A_683 = tpu.memref_slice %arg4[%dma_start3A_682] : memref<100000xf32, #tpu.memory_space<hbm>> -> memref<100000xf32, #tpu.memory_space<hbm>>
        tpu.enqueue_indirect_dma source(%dma_start3A_683 : memref<100000xf32, #tpu.memory_space<hbm>>) target(%dma_start3A_678 : memref<100xf32, #tpu.memory_space<vmem>>) offsets(%dma_start3A_681 : memref<100xi32, #tpu.memory_space<vmem>>) semaphore(%arg22 : memref<!tpu.dma_semaphore, #tpu.memory_space<semaphore_mem>>)
      } else {
      }
      %mul3A_422 = arith.constant 5 : i32
      %mul3A_423 = arith.muli %mul3A_422, %scan3A_259 : i32
      %add3A_424 = arith.constant 2 : i32
      %add3A_425 = arith.addi %mul3A_423, %add3A_424 : i32
      %dma_wait3A_426 = arith.constant 0 : i32
      %dma_wait3A_427 = tpu.memref_slice %arg7[%add3A_425, %dma_wait3A_426] : memref<512x100xi32, #tpu.memory_space<vmem>> -> memref<1x100xi32, #tpu.memory_space<vmem>>
      %dma_wait3A_428 = tpu.memref_squeeze %dma_wait3A_427 : memref<1x100xi32, #tpu.memory_space<vmem>> -> memref<100xi32, #tpu.memory_space<vmem>>
      %dma_wait3A_429 = arith.constant 0 : i32
      %dma_wait3A_430 = arith.constant 0 : i32
      %dma_wait3A_431 = tpu.memref_slice %arg3[%dma_wait3A_429, %dma_wait3A_430] : memref<100000x128xf32, #tpu.memory_space<hbm>> -> memref<100000x128xf32, #tpu.memory_space<hbm>>
      tpu.wait_indirect_dma semaphore(%arg23 : memref<!tpu.dma_semaphore, #tpu.memory_space<semaphore_mem>>) src(%dma_wait3A_431 : memref<100000x128xf32, #tpu.memory_space<hbm>>) dst(%arg10 : memref<100x128xf32, #tpu.memory_space<vmem>>)
      %dma_wait3A_432 = arith.constant 0 : i32
      %dma_wait3A_433 = tpu.memref_slice %arg15[%dma_wait3A_432] : memref<112xf32, #tpu.memory_space<vmem>> -> memref<100xf32, #tpu.memory_space<vmem>>
      %dma_wait3A_434 = arith.constant 0 : i32
      %dma_wait3A_435 = tpu.memref_slice %arg7[%add3A_425, %dma_wait3A_434] : memref<512x100xi32, #tpu.memory_space<vmem>> -> memref<1x100xi32, #tpu.memory_space<vmem>>
      %dma_wait3A_436 = tpu.memref_squeeze %dma_wait3A_435 : memref<1x100xi32, #tpu.memory_space<vmem>> -> memref<100xi32, #tpu.memory_space<vmem>>
      %dma_wait3A_437 = arith.constant 0 : i32
      %dma_wait3A_438 = tpu.memref_slice %arg4[%dma_wait3A_437] : memref<100000xf32, #tpu.memory_space<hbm>> -> memref<100000xf32, #tpu.memory_space<hbm>>
      tpu.wait_indirect_dma semaphore(%arg23 : memref<!tpu.dma_semaphore, #tpu.memory_space<semaphore_mem>>) src(%dma_wait3A_438 : memref<100000xf32, #tpu.memory_space<hbm>>) dst(%dma_wait3A_433 : memref<100xf32, #tpu.memory_space<vmem>>)
      %broadcast_in_dim3A_439 = arith.constant 0.000000e+00 : f32
      %broadcast_in_dim3A_440 = vector.broadcast %broadcast_in_dim3A_439 : f32 to vector<16xf32>
      %scan3A_441 = arith.constant 0 : i32
      %scan3A_442 = arith.constant 100 : i32
      %scan3A_443 = arith.addi %scan3A_441, %scan3A_442 : i32
      %scan3A_444 = arith.constant 2 : i32
      %scan3A_445:16 = scf.for %scan3A_669 = %scan3A_441 to %scan3A_443 step %scan3A_444 iter_args(%scan3A_670 = %broadcast_in_dim3A_440, %scan3A_671 = %broadcast_in_dim3A_440, %scan3A_672 = %broadcast_in_dim3A_440, %scan3A_673 = %broadcast_in_dim3A_440, %scan3A_674 = %broadcast_in_dim3A_440, %scan3A_675 = %broadcast_in_dim3A_440, %scan3A_676 = %broadcast_in_dim3A_440, %scan3A_677 = %broadcast_in_dim3A_440, %scan3A_678 = %broadcast_in_dim3A_440, %scan3A_679 = %broadcast_in_dim3A_440, %scan3A_680 = %broadcast_in_dim3A_440, %scan3A_681 = %broadcast_in_dim3A_440, %scan3A_682 = %broadcast_in_dim3A_440, %scan3A_683 = %broadcast_in_dim3A_440, %scan3A_684 = %broadcast_in_dim3A_440, %scan3A_685 = %broadcast_in_dim3A_440) -> (vector<16xf32>, vector<16xf32>, vector<16xf32>, vector<16xf32>, vector<16xf32>, vector<16xf32>, vector<16xf32>, vector<16xf32>, vector<16xf32>, vector<16xf32>, vector<16xf32>, vector<16xf32>, vector<16xf32>, vector<16xf32>, vector<16xf32>, vector<16xf32>)  : i32 {
        %get3A_686 = arith.index_cast %scan3A_669 : i32 to index
        %get3A_687 = arith.constant 0 : index
        %get3A_688 = tpu.vector_load %arg10[%get3A_686, %get3A_687] {strides = array<i32>} : memref<100x128xf32, #tpu.memory_space<vmem>>, vector<16xf32>,
        %add3A_689 = arith.addf %scan3A_670, %get3A_688 : vector<16xf32>
        %get3A_690 = arith.index_cast %scan3A_669 : i32 to index
        %get3A_691 = arith.constant 16 : index
        %get3A_692 = tpu.vector_load %arg10[%get3A_690, %get3A_691] {strides = array<i32>} : memref<100x128xf32, #tpu.memory_space<vmem>>, vector<16xf32>,
        %add3A_693 = arith.addf %scan3A_671, %get3A_692 : vector<16xf32>
        %get3A_694 = arith.index_cast %scan3A_669 : i32 to index
        %get3A_695 = arith.constant 32 : index
        %get3A_696 = tpu.vector_load %arg10[%get3A_694, %get3A_695] {strides = array<i32>} : memref<100x128xf32, #tpu.memory_space<vmem>>, vector<16xf32>,
        %add3A_697 = arith.addf %scan3A_672, %get3A_696 : vector<16xf32>
        %get3A_698 = arith.index_cast %scan3A_669 : i32 to index
        %get3A_699 = arith.constant 48 : index
        %get3A_700 = tpu.vector_load %arg10[%get3A_698, %get3A_699] {strides = array<i32>} : memref<100x128xf32, #tpu.memory_space<vmem>>, vector<16xf32>,
        %add3A_701 = arith.addf %scan3A_673, %get3A_700 : vector<16xf32>
        %get3A_702 = arith.index_cast %scan3A_669 : i32 to index
        %get3A_703 = arith.constant 64 : index
        %get3A_704 = tpu.vector_load %arg10[%get3A_702, %get3A_703] {strides = array<i32>} : memref<100x128xf32, #tpu.memory_space<vmem>>, vector<16xf32>,
        %add3A_705 = arith.addf %scan3A_674, %get3A_704 : vector<16xf32>
        %get3A_706 = arith.index_cast %scan3A_669 : i32 to index
        %get3A_707 = arith.constant 80 : index
        %get3A_708 = tpu.vector_load %arg10[%get3A_706, %get3A_707] {strides = array<i32>} : memref<100x128xf32, #tpu.memory_space<vmem>>, vector<16xf32>,
        %add3A_709 = arith.addf %scan3A_675, %get3A_708 : vector<16xf32>
        %get3A_710 = arith.index_cast %scan3A_669 : i32 to index
        %get3A_711 = arith.constant 96 : index
        %get3A_712 = tpu.vector_load %arg10[%get3A_710, %get3A_711] {strides = array<i32>} : memref<100x128xf32, #tpu.memory_space<vmem>>, vector<16xf32>,
        %add3A_713 = arith.addf %scan3A_676, %get3A_712 : vector<16xf32>
        %get3A_714 = arith.index_cast %scan3A_669 : i32 to index
        %get3A_715 = arith.constant 112 : index
        %get3A_716 = tpu.vector_load %arg10[%get3A_714, %get3A_715] {strides = array<i32>} : memref<100x128xf32, #tpu.memory_space<vmem>>, vector<16xf32>,
        %add3A_717 = arith.addf %scan3A_677, %get3A_716 : vector<16xf32>
        %get3A_718 = arith.index_cast %scan3A_669 : i32 to index
        %get3A_719 = arith.constant 0 : index
        %get3A_720 = tpu.vector_load %arg10[%get3A_718, %get3A_719] {strides = array<i32>} : memref<100x128xf32, #tpu.memory_space<vmem>>, vector<16xf32>,
        %mul3A_721 = arith.mulf %get3A_720, %get3A_720 : vector<16xf32>
        %add3A_722 = arith.addf %scan3A_678, %mul3A_721 : vector<16xf32>
        %get3A_723 = arith.index_cast %scan3A_669 : i32 to index
        %get3A_724 = arith.constant 16 : index
        %get3A_725 = tpu.vector_load %arg10[%get3A_723, %get3A_724] {strides = array<i32>} : memref<100x128xf32, #tpu.memory_space<vmem>>, vector<16xf32>,
        %mul3A_726 = arith.mulf %get3A_725, %get3A_725 : vector<16xf32>
        %add3A_727 = arith.addf %scan3A_679, %mul3A_726 : vector<16xf32>
        %get3A_728 = arith.index_cast %scan3A_669 : i32 to index
        %get3A_729 = arith.constant 32 : index
        %get3A_730 = tpu.vector_load %arg10[%get3A_728, %get3A_729] {strides = array<i32>} : memref<100x128xf32, #tpu.memory_space<vmem>>, vector<16xf32>,
        %mul3A_731 = arith.mulf %get3A_730, %get3A_730 : vector<16xf32>
        %add3A_732 = arith.addf %scan3A_680, %mul3A_731 : vector<16xf32>
        %get3A_733 = arith.index_cast %scan3A_669 : i32 to index
        %get3A_734 = arith.constant 48 : index
        %get3A_735 = tpu.vector_load %arg10[%get3A_733, %get3A_734] {strides = array<i32>} : memref<100x128xf32, #tpu.memory_space<vmem>>, vector<16xf32>,
        %mul3A_736 = arith.mulf %get3A_735, %get3A_735 : vector<16xf32>
        %add3A_737 = arith.addf %scan3A_681, %mul3A_736 : vector<16xf32>
        %get3A_738 = arith.index_cast %scan3A_669 : i32 to index
        %get3A_739 = arith.constant 64 : index
        %get3A_740 = tpu.vector_load %arg10[%get3A_738, %get3A_739] {strides = array<i32>} : memref<100x128xf32, #tpu.memory_space<vmem>>, vector<16xf32>,
        %mul3A_741 = arith.mulf %get3A_740, %get3A_740 : vector<16xf32>
        %add3A_742 = arith.addf %scan3A_682, %mul3A_741 : vector<16xf32>
        %get3A_743 = arith.index_cast %scan3A_669 : i32 to index
        %get3A_744 = arith.constant 80 : index
        %get3A_745 = tpu.vector_load %arg10[%get3A_743, %get3A_744] {strides = array<i32>} : memref<100x128xf32, #tpu.memory_space<vmem>>, vector<16xf32>,
        %mul3A_746 = arith.mulf %get3A_745, %get3A_745 : vector<16xf32>
        %add3A_747 = arith.addf %scan3A_683, %mul3A_746 : vector<16xf32>
        %get3A_748 = arith.index_cast %scan3A_669 : i32 to index
        %get3A_749 = arith.constant 96 : index
        %get3A_750 = tpu.vector_load %arg10[%get3A_748, %get3A_749] {strides = array<i32>} : memref<100x128xf32, #tpu.memory_space<vmem>>, vector<16xf32>,
        %mul3A_751 = arith.mulf %get3A_750, %get3A_750 : vector<16xf32>
        %add3A_752 = arith.addf %scan3A_684, %mul3A_751 : vector<16xf32>
        %get3A_753 = arith.index_cast %scan3A_669 : i32 to index
        %get3A_754 = arith.constant 112 : index
        %get3A_755 = tpu.vector_load %arg10[%get3A_753, %get3A_754] {strides = array<i32>} : memref<100x128xf32, #tpu.memory_space<vmem>>, vector<16xf32>,
        %mul3A_756 = arith.mulf %get3A_755, %get3A_755 : vector<16xf32>
        %add3A_757 = arith.addf %scan3A_685, %mul3A_756 : vector<16xf32>
        %scan3A_758 = arith.constant 1 : i32
        %scan3A_759 = arith.addi %scan3A_669, %scan3A_758 : i32
        %get3A_760 = arith.index_cast %scan3A_759 : i32 to index
        %get3A_761 = arith.constant 0 : index
        %get3A_762 = tpu.vector_load %arg10[%get3A_760, %get3A_761] {strides = array<i32>} : memref<100x128xf32, #tpu.memory_space<vmem>>, vector<16xf32>,
        %add3A_763 = arith.addf %add3A_689, %get3A_762 : vector<16xf32>
        %get3A_764 = arith.index_cast %scan3A_759 : i32 to index
        %get3A_765 = arith.constant 16 : index
        %get3A_766 = tpu.vector_load %arg10[%get3A_764, %get3A_765] {strides = array<i32>} : memref<100x128xf32, #tpu.memory_space<vmem>>, vector<16xf32>,
        %add3A_767 = arith.addf %add3A_693, %get3A_766 : vector<16xf32>
        %get3A_768 = arith.index_cast %scan3A_759 : i32 to index
        %get3A_769 = arith.constant 32 : index
        %get3A_770 = tpu.vector_load %arg10[%get3A_768, %get3A_769] {strides = array<i32>} : memref<100x128xf32, #tpu.memory_space<vmem>>, vector<16xf32>,
        %add3A_771 = arith.addf %add3A_697, %get3A_770 : vector<16xf32>
        %get3A_772 = arith.index_cast %scan3A_759 : i32 to index
        %get3A_773 = arith.constant 48 : index
        %get3A_774 = tpu.vector_load %arg10[%get3A_772, %get3A_773] {strides = array<i32>} : memref<100x128xf32, #tpu.memory_space<vmem>>, vector<16xf32>,
        %add3A_775 = arith.addf %add3A_701, %get3A_774 : vector<16xf32>
        %get3A_776 = arith.index_cast %scan3A_759 : i32 to index
        %get3A_777 = arith.constant 64 : index
        %get3A_778 = tpu.vector_load %arg10[%get3A_776, %get3A_777] {strides = array<i32>} : memref<100x128xf32, #tpu.memory_space<vmem>>, vector<16xf32>,
        %add3A_779 = arith.addf %add3A_705, %get3A_778 : vector<16xf32>
        %get3A_780 = arith.index_cast %scan3A_759 : i32 to index
        %get3A_781 = arith.constant 80 : index
        %get3A_782 = tpu.vector_load %arg10[%get3A_780, %get3A_781] {strides = array<i32>} : memref<100x128xf32, #tpu.memory_space<vmem>>, vector<16xf32>,
        %add3A_783 = arith.addf %add3A_709, %get3A_782 : vector<16xf32>
        %get3A_784 = arith.index_cast %scan3A_759 : i32 to index
        %get3A_785 = arith.constant 96 : index
        %get3A_786 = tpu.vector_load %arg10[%get3A_784, %get3A_785] {strides = array<i32>} : memref<100x128xf32, #tpu.memory_space<vmem>>, vector<16xf32>,
        %add3A_787 = arith.addf %add3A_713, %get3A_786 : vector<16xf32>
        %get3A_788 = arith.index_cast %scan3A_759 : i32 to index
        %get3A_789 = arith.constant 112 : index
        %get3A_790 = tpu.vector_load %arg10[%get3A_788, %get3A_789] {strides = array<i32>} : memref<100x128xf32, #tpu.memory_space<vmem>>, vector<16xf32>,
        %add3A_791 = arith.addf %add3A_717, %get3A_790 : vector<16xf32>
        %get3A_792 = arith.index_cast %scan3A_759 : i32 to index
        %get3A_793 = arith.constant 0 : index
        %get3A_794 = tpu.vector_load %arg10[%get3A_792, %get3A_793] {strides = array<i32>} : memref<100x128xf32, #tpu.memory_space<vmem>>, vector<16xf32>,
        %mul3A_795 = arith.mulf %get3A_794, %get3A_794 : vector<16xf32>
        %add3A_796 = arith.addf %add3A_722, %mul3A_795 : vector<16xf32>
        %get3A_797 = arith.index_cast %scan3A_759 : i32 to index
        %get3A_798 = arith.constant 16 : index
        %get3A_799 = tpu.vector_load %arg10[%get3A_797, %get3A_798] {strides = array<i32>} : memref<100x128xf32, #tpu.memory_space<vmem>>, vector<16xf32>,
        %mul3A_800 = arith.mulf %get3A_799, %get3A_799 : vector<16xf32>
        %add3A_801 = arith.addf %add3A_727, %mul3A_800 : vector<16xf32>
        %get3A_802 = arith.index_cast %scan3A_759 : i32 to index
        %get3A_803 = arith.constant 32 : index
        %get3A_804 = tpu.vector_load %arg10[%get3A_802, %get3A_803] {strides = array<i32>} : memref<100x128xf32, #tpu.memory_space<vmem>>, vector<16xf32>,
        %mul3A_805 = arith.mulf %get3A_804, %get3A_804 : vector<16xf32>
        %add3A_806 = arith.addf %add3A_732, %mul3A_805 : vector<16xf32>
        %get3A_807 = arith.index_cast %scan3A_759 : i32 to index
        %get3A_808 = arith.constant 48 : index
        %get3A_809 = tpu.vector_load %arg10[%get3A_807, %get3A_808] {strides = array<i32>} : memref<100x128xf32, #tpu.memory_space<vmem>>, vector<16xf32>,
        %mul3A_810 = arith.mulf %get3A_809, %get3A_809 : vector<16xf32>
        %add3A_811 = arith.addf %add3A_737, %mul3A_810 : vector<16xf32>
        %get3A_812 = arith.index_cast %scan3A_759 : i32 to index
        %get3A_813 = arith.constant 64 : index
        %get3A_814 = tpu.vector_load %arg10[%get3A_812, %get3A_813] {strides = array<i32>} : memref<100x128xf32, #tpu.memory_space<vmem>>, vector<16xf32>,
        %mul3A_815 = arith.mulf %get3A_814, %get3A_814 : vector<16xf32>
        %add3A_816 = arith.addf %add3A_742, %mul3A_815 : vector<16xf32>
        %get3A_817 = arith.index_cast %scan3A_759 : i32 to index
        %get3A_818 = arith.constant 80 : index
        %get3A_819 = tpu.vector_load %arg10[%get3A_817, %get3A_818] {strides = array<i32>} : memref<100x128xf32, #tpu.memory_space<vmem>>, vector<16xf32>,
        %mul3A_820 = arith.mulf %get3A_819, %get3A_819 : vector<16xf32>
        %add3A_821 = arith.addf %add3A_747, %mul3A_820 : vector<16xf32>
        %get3A_822 = arith.index_cast %scan3A_759 : i32 to index
        %get3A_823 = arith.constant 96 : index
        %get3A_824 = tpu.vector_load %arg10[%get3A_822, %get3A_823] {strides = array<i32>} : memref<100x128xf32, #tpu.memory_space<vmem>>, vector<16xf32>,
        %mul3A_825 = arith.mulf %get3A_824, %get3A_824 : vector<16xf32>
        %add3A_826 = arith.addf %add3A_752, %mul3A_825 : vector<16xf32>
        %get3A_827 = arith.index_cast %scan3A_759 : i32 to index
        %get3A_828 = arith.constant 112 : index
        %get3A_829 = tpu.vector_load %arg10[%get3A_827, %get3A_828] {strides = array<i32>} : memref<100x128xf32, #tpu.memory_space<vmem>>, vector<16xf32>,
        %mul3A_830 = arith.mulf %get3A_829, %get3A_829 : vector<16xf32>
        %add3A_831 = arith.addf %add3A_757, %mul3A_830 : vector<16xf32>
        scf.yield %add3A_763, %add3A_767, %add3A_771, %add3A_775, %add3A_779, %add3A_783, %add3A_787, %add3A_791, %add3A_796, %add3A_801, %add3A_806, %add3A_811, %add3A_816, %add3A_821, %add3A_826, %add3A_831 : vector<16xf32>, vector<16xf32>, vector<16xf32>, vector<16xf32>, vector<16xf32>, vector<16xf32>, vector<16xf32>, vector<16xf32>, vector<16xf32>, vector<16xf32>, vector<16xf32>, vector<16xf32>, vector<16xf32>, vector<16xf32>, vector<16xf32>, vector<16xf32>
      }
      %scan3A_446 = arith.constant 100 : i32
      %mul3A_447 = arith.mulf %scan3A_445#0, %scan3A_445#0 : vector<16xf32>
      %sub3A_448 = arith.subf %mul3A_447, %scan3A_445#8 : vector<16xf32>
      %mul3A_449 = arith.mulf %scan3A_445#1, %scan3A_445#1 : vector<16xf32>
      %sub3A_450 = arith.subf %mul3A_449, %scan3A_445#9 : vector<16xf32>
      %add3A_451 = arith.addf %sub3A_448, %sub3A_450 : vector<16xf32>
      %mul3A_452 = arith.mulf %scan3A_445#2, %scan3A_445#2 : vector<16xf32>
      %sub3A_453 = arith.subf %mul3A_452, %scan3A_445#10 : vector<16xf32>
      %add3A_454 = arith.addf %add3A_451, %sub3A_453 : vector<16xf32>
      %mul3A_455 = arith.mulf %scan3A_445#3, %scan3A_445#3 : vector<16xf32>
      %sub3A_456 = arith.subf %mul3A_455, %scan3A_445#11 : vector<16xf32>
      %add3A_457 = arith.addf %add3A_454, %sub3A_456 : vector<16xf32>
      %mul3A_458 = arith.mulf %scan3A_445#4, %scan3A_445#4 : vector<16xf32>
      %sub3A_459 = arith.subf %mul3A_458, %scan3A_445#12 : vector<16xf32>
      %add3A_460 = arith.addf %add3A_457, %sub3A_459 : vector<16xf32>
      %mul3A_461 = arith.mulf %scan3A_445#5, %scan3A_445#5 : vector<16xf32>
      %sub3A_462 = arith.subf %mul3A_461, %scan3A_445#13 : vector<16xf32>
      %add3A_463 = arith.addf %add3A_460, %sub3A_462 : vector<16xf32>
      %mul3A_464 = arith.mulf %scan3A_445#6, %scan3A_445#6 : vector<16xf32>
      %sub3A_465 = arith.subf %mul3A_464, %scan3A_445#14 : vector<16xf32>
      %add3A_466 = arith.addf %add3A_463, %sub3A_465 : vector<16xf32>
      %mul3A_467 = arith.mulf %scan3A_445#7, %scan3A_445#7 : vector<16xf32>
      %sub3A_468 = arith.subf %mul3A_467, %scan3A_445#15 : vector<16xf32>
      %add3A_469 = arith.addf %add3A_466, %sub3A_468 : vector<16xf32>
      %get3A_470 = arith.constant 0 : index
      %get3A_471 = tpu.vector_load %arg15[%get3A_470] {strides = array<i32>} : memref<112xf32, #tpu.memory_space<vmem>>, vector<16xf32>,
      %get3A_472 = arith.constant 16 : index
      %get3A_473 = tpu.vector_load %arg15[%get3A_472] {strides = array<i32>} : memref<112xf32, #tpu.memory_space<vmem>>, vector<16xf32>,
      %add3A_474 = arith.addf %get3A_471, %get3A_473 : vector<16xf32>
      %get3A_475 = arith.constant 32 : index
      %get3A_476 = tpu.vector_load %arg15[%get3A_475] {strides = array<i32>} : memref<112xf32, #tpu.memory_space<vmem>>, vector<16xf32>,
      %add3A_477 = arith.addf %add3A_474, %get3A_476 : vector<16xf32>
      %get3A_478 = arith.constant 48 : index
      %get3A_479 = tpu.vector_load %arg15[%get3A_478] {strides = array<i32>} : memref<112xf32, #tpu.memory_space<vmem>>, vector<16xf32>,
      %add3A_480 = arith.addf %add3A_477, %get3A_479 : vector<16xf32>
      %get3A_481 = arith.constant 64 : index
      %get3A_482 = tpu.vector_load %arg15[%get3A_481] {strides = array<i32>} : memref<112xf32, #tpu.memory_space<vmem>>, vector<16xf32>,
      %add3A_483 = arith.addf %add3A_480, %get3A_482 : vector<16xf32>
      %get3A_484 = arith.constant 80 : index
      %get3A_485 = tpu.vector_load %arg15[%get3A_484] {strides = array<i32>} : memref<112xf32, #tpu.memory_space<vmem>>, vector<16xf32>,
      %add3A_486 = arith.addf %add3A_483, %get3A_485 : vector<16xf32>
      %get3A_487 = arith.constant 96 : index
      %get3A_488 = tpu.vector_load %arg15[%get3A_487] {strides = array<i32>} : memref<112xf32, #tpu.memory_space<vmem>>, vector<16xf32>,
      %add3A_489 = arith.addf %add3A_486, %get3A_488 : vector<16xf32>
      %mul3A_490 = arith.constant 5.000000e-01 : f32
      %mul3A_491 = vector.broadcast %mul3A_490 : f32 to vector<16xf32>
      %mul3A_492 = arith.mulf %add3A_469, %mul3A_491 : vector<16xf32>
      %add3A_493 = arith.addf %mul3A_492, %add3A_489 : vector<16xf32>
      %swap3A_494 = arith.index_cast %add3A_425 : i32 to index
      %swap3A_495 = arith.constant 0 : index
      %swap3A_496 = tpu.vector_load %arg18[%swap3A_494, %swap3A_495] {strides = array<i32>} : memref<512x16xf32, #tpu.memory_space<vmem>>, vector<16xf32>,
      tpu.vector_store %arg18[%swap3A_494, %swap3A_495], %add3A_493 {strides = array<i32>} : memref<512x16xf32, #tpu.memory_space<vmem>>, vector<16xf32>,
      %add3A_497 = arith.constant 5 : i32
      %add3A_498 = arith.addi %add3A_425, %add3A_497 : i32
      %lt3A_499 = arith.constant 512 : i32
      %lt3A_500 = arith.cmpi slt, %add3A_498, %lt3A_499 : i32
      %convert_element_type3A_501 = arith.extui %lt3A_500 : i1 to i32
      %cond3A_502 = arith.constant 0 : i32
      %cond3A_503 = arith.cmpi ne, %convert_element_type3A_501, %cond3A_502 : i32
      scf.if %cond3A_503 {
        %add3A_669 = arith.constant 5 : i32
        %add3A_670 = arith.addi %add3A_425, %add3A_669 : i32
        %dma_start3A_671 = arith.constant 0 : i32
        %dma_start3A_672 = tpu.memref_slice %arg7[%add3A_670, %dma_start3A_671] : memref<512x100xi32, #tpu.memory_space<vmem>> -> memref<1x100xi32, #tpu.memory_space<vmem>>
        %dma_start3A_673 = tpu.memref_squeeze %dma_start3A_672 : memref<1x100xi32, #tpu.memory_space<vmem>> -> memref<100xi32, #tpu.memory_space<vmem>>
        %dma_start3A_674 = arith.constant 0 : i32
        %dma_start3A_675 = arith.constant 0 : i32
        %dma_start3A_676 = tpu.memref_slice %arg3[%dma_start3A_674, %dma_start3A_675] : memref<100000x128xf32, #tpu.memory_space<hbm>> -> memref<100000x128xf32, #tpu.memory_space<hbm>>
        tpu.enqueue_indirect_dma source(%dma_start3A_676 : memref<100000x128xf32, #tpu.memory_space<hbm>>) target(%arg10 : memref<100x128xf32, #tpu.memory_space<vmem>>) offsets(%dma_start3A_673 : memref<100xi32, #tpu.memory_space<vmem>>) semaphore(%arg23 : memref<!tpu.dma_semaphore, #tpu.memory_space<semaphore_mem>>)
        %dma_start3A_677 = arith.constant 0 : i32
        %dma_start3A_678 = tpu.memref_slice %arg15[%dma_start3A_677] : memref<112xf32, #tpu.memory_space<vmem>> -> memref<100xf32, #tpu.memory_space<vmem>>
        %dma_start3A_679 = arith.constant 0 : i32
        %dma_start3A_680 = tpu.memref_slice %arg7[%add3A_670, %dma_start3A_679] : memref<512x100xi32, #tpu.memory_space<vmem>> -> memref<1x100xi32, #tpu.memory_space<vmem>>
        %dma_start3A_681 = tpu.memref_squeeze %dma_start3A_680 : memref<1x100xi32, #tpu.memory_space<vmem>> -> memref<100xi32, #tpu.memory_space<vmem>>
        %dma_start3A_682 = arith.constant 0 : i32
        %dma_start3A_683 = tpu.memref_slice %arg4[%dma_start3A_682] : memref<100000xf32, #tpu.memory_space<hbm>> -> memref<100000xf32, #tpu.memory_space<hbm>>
        tpu.enqueue_indirect_dma source(%dma_start3A_683 : memref<100000xf32, #tpu.memory_space<hbm>>) target(%dma_start3A_678 : memref<100xf32, #tpu.memory_space<vmem>>) offsets(%dma_start3A_681 : memref<100xi32, #tpu.memory_space<vmem>>) semaphore(%arg23 : memref<!tpu.dma_semaphore, #tpu.memory_space<semaphore_mem>>)
      } else {
      }
      %mul3A_504 = arith.constant 5 : i32
      %mul3A_505 = arith.muli %mul3A_504, %scan3A_259 : i32
      %add3A_506 = arith.constant 3 : i32
      %add3A_507 = arith.addi %mul3A_505, %add3A_506 : i32
      %dma_wait3A_508 = arith.constant 0 : i32
      %dma_wait3A_509 = tpu.memref_slice %arg7[%add3A_507, %dma_wait3A_508] : memref<512x100xi32, #tpu.memory_space<vmem>> -> memref<1x100xi32, #tpu.memory_space<vmem>>
      %dma_wait3A_510 = tpu.memref_squeeze %dma_wait3A_509 : memref<1x100xi32, #tpu.memory_space<vmem>> -> memref<100xi32, #tpu.memory_space<vmem>>
      %dma_wait3A_511 = arith.constant 0 : i32
      %dma_wait3A_512 = arith.constant 0 : i32
      %dma_wait3A_513 = tpu.memref_slice %arg3[%dma_wait3A_511, %dma_wait3A_512] : memref<100000x128xf32, #tpu.memory_space<hbm>> -> memref<100000x128xf32, #tpu.memory_space<hbm>>
      tpu.wait_indirect_dma semaphore(%arg24 : memref<!tpu.dma_semaphore, #tpu.memory_space<semaphore_mem>>) src(%dma_wait3A_513 : memref<100000x128xf32, #tpu.memory_space<hbm>>) dst(%arg11 : memref<100x128xf32, #tpu.memory_space<vmem>>)
      %dma_wait3A_514 = arith.constant 0 : i32
      %dma_wait3A_515 = tpu.memref_slice %arg16[%dma_wait3A_514] : memref<112xf32, #tpu.memory_space<vmem>> -> memref<100xf32, #tpu.memory_space<vmem>>
      %dma_wait3A_516 = arith.constant 0 : i32
      %dma_wait3A_517 = tpu.memref_slice %arg7[%add3A_507, %dma_wait3A_516] : memref<512x100xi32, #tpu.memory_space<vmem>> -> memref<1x100xi32, #tpu.memory_space<vmem>>
      %dma_wait3A_518 = tpu.memref_squeeze %dma_wait3A_517 : memref<1x100xi32, #tpu.memory_space<vmem>> -> memref<100xi32, #tpu.memory_space<vmem>>
      %dma_wait3A_519 = arith.constant 0 : i32
      %dma_wait3A_520 = tpu.memref_slice %arg4[%dma_wait3A_519] : memref<100000xf32, #tpu.memory_space<hbm>> -> memref<100000xf32, #tpu.memory_space<hbm>>
      tpu.wait_indirect_dma semaphore(%arg24 : memref<!tpu.dma_semaphore, #tpu.memory_space<semaphore_mem>>) src(%dma_wait3A_520 : memref<100000xf32, #tpu.memory_space<hbm>>) dst(%dma_wait3A_515 : memref<100xf32, #tpu.memory_space<vmem>>)
      %broadcast_in_dim3A_521 = arith.constant 0.000000e+00 : f32
      %broadcast_in_dim3A_522 = vector.broadcast %broadcast_in_dim3A_521 : f32 to vector<16xf32>
      %scan3A_523 = arith.constant 0 : i32
      %scan3A_524 = arith.constant 100 : i32
      %scan3A_525 = arith.addi %scan3A_523, %scan3A_524 : i32
      %scan3A_526 = arith.constant 2 : i32
      %scan3A_527:16 = scf.for %scan3A_669 = %scan3A_523 to %scan3A_525 step %scan3A_526 iter_args(%scan3A_670 = %broadcast_in_dim3A_522, %scan3A_671 = %broadcast_in_dim3A_522, %scan3A_672 = %broadcast_in_dim3A_522, %scan3A_673 = %broadcast_in_dim3A_522, %scan3A_674 = %broadcast_in_dim3A_522, %scan3A_675 = %broadcast_in_dim3A_522, %scan3A_676 = %broadcast_in_dim3A_522, %scan3A_677 = %broadcast_in_dim3A_522, %scan3A_678 = %broadcast_in_dim3A_522, %scan3A_679 = %broadcast_in_dim3A_522, %scan3A_680 = %broadcast_in_dim3A_522, %scan3A_681 = %broadcast_in_dim3A_522, %scan3A_682 = %broadcast_in_dim3A_522, %scan3A_683 = %broadcast_in_dim3A_522, %scan3A_684 = %broadcast_in_dim3A_522, %scan3A_685 = %broadcast_in_dim3A_522) -> (vector<16xf32>, vector<16xf32>, vector<16xf32>, vector<16xf32>, vector<16xf32>, vector<16xf32>, vector<16xf32>, vector<16xf32>, vector<16xf32>, vector<16xf32>, vector<16xf32>, vector<16xf32>, vector<16xf32>, vector<16xf32>, vector<16xf32>, vector<16xf32>)  : i32 {
        %get3A_686 = arith.index_cast %scan3A_669 : i32 to index
        %get3A_687 = arith.constant 0 : index
        %get3A_688 = tpu.vector_load %arg11[%get3A_686, %get3A_687] {strides = array<i32>} : memref<100x128xf32, #tpu.memory_space<vmem>>, vector<16xf32>,
        %add3A_689 = arith.addf %scan3A_670, %get3A_688 : vector<16xf32>
        %get3A_690 = arith.index_cast %scan3A_669 : i32 to index
        %get3A_691 = arith.constant 16 : index
        %get3A_692 = tpu.vector_load %arg11[%get3A_690, %get3A_691] {strides = array<i32>} : memref<100x128xf32, #tpu.memory_space<vmem>>, vector<16xf32>,
        %add3A_693 = arith.addf %scan3A_671, %get3A_692 : vector<16xf32>
        %get3A_694 = arith.index_cast %scan3A_669 : i32 to index
        %get3A_695 = arith.constant 32 : index
        %get3A_696 = tpu.vector_load %arg11[%get3A_694, %get3A_695] {strides = array<i32>} : memref<100x128xf32, #tpu.memory_space<vmem>>, vector<16xf32>,
        %add3A_697 = arith.addf %scan3A_672, %get3A_696 : vector<16xf32>
        %get3A_698 = arith.index_cast %scan3A_669 : i32 to index
        %get3A_699 = arith.constant 48 : index
        %get3A_700 = tpu.vector_load %arg11[%get3A_698, %get3A_699] {strides = array<i32>} : memref<100x128xf32, #tpu.memory_space<vmem>>, vector<16xf32>,
        %add3A_701 = arith.addf %scan3A_673, %get3A_700 : vector<16xf32>
        %get3A_702 = arith.index_cast %scan3A_669 : i32 to index
        %get3A_703 = arith.constant 64 : index
        %get3A_704 = tpu.vector_load %arg11[%get3A_702, %get3A_703] {strides = array<i32>} : memref<100x128xf32, #tpu.memory_space<vmem>>, vector<16xf32>,
        %add3A_705 = arith.addf %scan3A_674, %get3A_704 : vector<16xf32>
        %get3A_706 = arith.index_cast %scan3A_669 : i32 to index
        %get3A_707 = arith.constant 80 : index
        %get3A_708 = tpu.vector_load %arg11[%get3A_706, %get3A_707] {strides = array<i32>} : memref<100x128xf32, #tpu.memory_space<vmem>>, vector<16xf32>,
        %add3A_709 = arith.addf %scan3A_675, %get3A_708 : vector<16xf32>
        %get3A_710 = arith.index_cast %scan3A_669 : i32 to index
        %get3A_711 = arith.constant 96 : index
        %get3A_712 = tpu.vector_load %arg11[%get3A_710, %get3A_711] {strides = array<i32>} : memref<100x128xf32, #tpu.memory_space<vmem>>, vector<16xf32>,
        %add3A_713 = arith.addf %scan3A_676, %get3A_712 : vector<16xf32>
        %get3A_714 = arith.index_cast %scan3A_669 : i32 to index
        %get3A_715 = arith.constant 112 : index
        %get3A_716 = tpu.vector_load %arg11[%get3A_714, %get3A_715] {strides = array<i32>} : memref<100x128xf32, #tpu.memory_space<vmem>>, vector<16xf32>,
        %add3A_717 = arith.addf %scan3A_677, %get3A_716 : vector<16xf32>
        %get3A_718 = arith.index_cast %scan3A_669 : i32 to index
        %get3A_719 = arith.constant 0 : index
        %get3A_720 = tpu.vector_load %arg11[%get3A_718, %get3A_719] {strides = array<i32>} : memref<100x128xf32, #tpu.memory_space<vmem>>, vector<16xf32>,
        %mul3A_721 = arith.mulf %get3A_720, %get3A_720 : vector<16xf32>
        %add3A_722 = arith.addf %scan3A_678, %mul3A_721 : vector<16xf32>
        %get3A_723 = arith.index_cast %scan3A_669 : i32 to index
        %get3A_724 = arith.constant 16 : index
        %get3A_725 = tpu.vector_load %arg11[%get3A_723, %get3A_724] {strides = array<i32>} : memref<100x128xf32, #tpu.memory_space<vmem>>, vector<16xf32>,
        %mul3A_726 = arith.mulf %get3A_725, %get3A_725 : vector<16xf32>
        %add3A_727 = arith.addf %scan3A_679, %mul3A_726 : vector<16xf32>
        %get3A_728 = arith.index_cast %scan3A_669 : i32 to index
        %get3A_729 = arith.constant 32 : index
        %get3A_730 = tpu.vector_load %arg11[%get3A_728, %get3A_729] {strides = array<i32>} : memref<100x128xf32, #tpu.memory_space<vmem>>, vector<16xf32>,
        %mul3A_731 = arith.mulf %get3A_730, %get3A_730 : vector<16xf32>
        %add3A_732 = arith.addf %scan3A_680, %mul3A_731 : vector<16xf32>
        %get3A_733 = arith.index_cast %scan3A_669 : i32 to index
        %get3A_734 = arith.constant 48 : index
        %get3A_735 = tpu.vector_load %arg11[%get3A_733, %get3A_734] {strides = array<i32>} : memref<100x128xf32, #tpu.memory_space<vmem>>, vector<16xf32>,
        %mul3A_736 = arith.mulf %get3A_735, %get3A_735 : vector<16xf32>
        %add3A_737 = arith.addf %scan3A_681, %mul3A_736 : vector<16xf32>
        %get3A_738 = arith.index_cast %scan3A_669 : i32 to index
        %get3A_739 = arith.constant 64 : index
        %get3A_740 = tpu.vector_load %arg11[%get3A_738, %get3A_739] {strides = array<i32>} : memref<100x128xf32, #tpu.memory_space<vmem>>, vector<16xf32>,
        %mul3A_741 = arith.mulf %get3A_740, %get3A_740 : vector<16xf32>
        %add3A_742 = arith.addf %scan3A_682, %mul3A_741 : vector<16xf32>
        %get3A_743 = arith.index_cast %scan3A_669 : i32 to index
        %get3A_744 = arith.constant 80 : index
        %get3A_745 = tpu.vector_load %arg11[%get3A_743, %get3A_744] {strides = array<i32>} : memref<100x128xf32, #tpu.memory_space<vmem>>, vector<16xf32>,
        %mul3A_746 = arith.mulf %get3A_745, %get3A_745 : vector<16xf32>
        %add3A_747 = arith.addf %scan3A_683, %mul3A_746 : vector<16xf32>
        %get3A_748 = arith.index_cast %scan3A_669 : i32 to index
        %get3A_749 = arith.constant 96 : index
        %get3A_750 = tpu.vector_load %arg11[%get3A_748, %get3A_749] {strides = array<i32>} : memref<100x128xf32, #tpu.memory_space<vmem>>, vector<16xf32>,
        %mul3A_751 = arith.mulf %get3A_750, %get3A_750 : vector<16xf32>
        %add3A_752 = arith.addf %scan3A_684, %mul3A_751 : vector<16xf32>
        %get3A_753 = arith.index_cast %scan3A_669 : i32 to index
        %get3A_754 = arith.constant 112 : index
        %get3A_755 = tpu.vector_load %arg11[%get3A_753, %get3A_754] {strides = array<i32>} : memref<100x128xf32, #tpu.memory_space<vmem>>, vector<16xf32>,
        %mul3A_756 = arith.mulf %get3A_755, %get3A_755 : vector<16xf32>
        %add3A_757 = arith.addf %scan3A_685, %mul3A_756 : vector<16xf32>
        %scan3A_758 = arith.constant 1 : i32
        %scan3A_759 = arith.addi %scan3A_669, %scan3A_758 : i32
        %get3A_760 = arith.index_cast %scan3A_759 : i32 to index
        %get3A_761 = arith.constant 0 : index
        %get3A_762 = tpu.vector_load %arg11[%get3A_760, %get3A_761] {strides = array<i32>} : memref<100x128xf32, #tpu.memory_space<vmem>>, vector<16xf32>,
        %add3A_763 = arith.addf %add3A_689, %get3A_762 : vector<16xf32>
        %get3A_764 = arith.index_cast %scan3A_759 : i32 to index
        %get3A_765 = arith.constant 16 : index
        %get3A_766 = tpu.vector_load %arg11[%get3A_764, %get3A_765] {strides = array<i32>} : memref<100x128xf32, #tpu.memory_space<vmem>>, vector<16xf32>,
        %add3A_767 = arith.addf %add3A_693, %get3A_766 : vector<16xf32>
        %get3A_768 = arith.index_cast %scan3A_759 : i32 to index
        %get3A_769 = arith.constant 32 : index
        %get3A_770 = tpu.vector_load %arg11[%get3A_768, %get3A_769] {strides = array<i32>} : memref<100x128xf32, #tpu.memory_space<vmem>>, vector<16xf32>,
        %add3A_771 = arith.addf %add3A_697, %get3A_770 : vector<16xf32>
        %get3A_772 = arith.index_cast %scan3A_759 : i32 to index
        %get3A_773 = arith.constant 48 : index
        %get3A_774 = tpu.vector_load %arg11[%get3A_772, %get3A_773] {strides = array<i32>} : memref<100x128xf32, #tpu.memory_space<vmem>>, vector<16xf32>,
        %add3A_775 = arith.addf %add3A_701, %get3A_774 : vector<16xf32>
        %get3A_776 = arith.index_cast %scan3A_759 : i32 to index
        %get3A_777 = arith.constant 64 : index
        %get3A_778 = tpu.vector_load %arg11[%get3A_776, %get3A_777] {strides = array<i32>} : memref<100x128xf32, #tpu.memory_space<vmem>>, vector<16xf32>,
        %add3A_779 = arith.addf %add3A_705, %get3A_778 : vector<16xf32>
        %get3A_780 = arith.index_cast %scan3A_759 : i32 to index
        %get3A_781 = arith.constant 80 : index
        %get3A_782 = tpu.vector_load %arg11[%get3A_780, %get3A_781] {strides = array<i32>} : memref<100x128xf32, #tpu.memory_space<vmem>>, vector<16xf32>,
        %add3A_783 = arith.addf %add3A_709, %get3A_782 : vector<16xf32>
        %get3A_784 = arith.index_cast %scan3A_759 : i32 to index
        %get3A_785 = arith.constant 96 : index
        %get3A_786 = tpu.vector_load %arg11[%get3A_784, %get3A_785] {strides = array<i32>} : memref<100x128xf32, #tpu.memory_space<vmem>>, vector<16xf32>,
        %add3A_787 = arith.addf %add3A_713, %get3A_786 : vector<16xf32>
        %get3A_788 = arith.index_cast %scan3A_759 : i32 to index
        %get3A_789 = arith.constant 112 : index
        %get3A_790 = tpu.vector_load %arg11[%get3A_788, %get3A_789] {strides = array<i32>} : memref<100x128xf32, #tpu.memory_space<vmem>>, vector<16xf32>,
        %add3A_791 = arith.addf %add3A_717, %get3A_790 : vector<16xf32>
        %get3A_792 = arith.index_cast %scan3A_759 : i32 to index
        %get3A_793 = arith.constant 0 : index
        %get3A_794 = tpu.vector_load %arg11[%get3A_792, %get3A_793] {strides = array<i32>} : memref<100x128xf32, #tpu.memory_space<vmem>>, vector<16xf32>,
        %mul3A_795 = arith.mulf %get3A_794, %get3A_794 : vector<16xf32>
        %add3A_796 = arith.addf %add3A_722, %mul3A_795 : vector<16xf32>
        %get3A_797 = arith.index_cast %scan3A_759 : i32 to index
        %get3A_798 = arith.constant 16 : index
        %get3A_799 = tpu.vector_load %arg11[%get3A_797, %get3A_798] {strides = array<i32>} : memref<100x128xf32, #tpu.memory_space<vmem>>, vector<16xf32>,
        %mul3A_800 = arith.mulf %get3A_799, %get3A_799 : vector<16xf32>
        %add3A_801 = arith.addf %add3A_727, %mul3A_800 : vector<16xf32>
        %get3A_802 = arith.index_cast %scan3A_759 : i32 to index
        %get3A_803 = arith.constant 32 : index
        %get3A_804 = tpu.vector_load %arg11[%get3A_802, %get3A_803] {strides = array<i32>} : memref<100x128xf32, #tpu.memory_space<vmem>>, vector<16xf32>,
        %mul3A_805 = arith.mulf %get3A_804, %get3A_804 : vector<16xf32>
        %add3A_806 = arith.addf %add3A_732, %mul3A_805 : vector<16xf32>
        %get3A_807 = arith.index_cast %scan3A_759 : i32 to index
        %get3A_808 = arith.constant 48 : index
        %get3A_809 = tpu.vector_load %arg11[%get3A_807, %get3A_808] {strides = array<i32>} : memref<100x128xf32, #tpu.memory_space<vmem>>, vector<16xf32>,
        %mul3A_810 = arith.mulf %get3A_809, %get3A_809 : vector<16xf32>
        %add3A_811 = arith.addf %add3A_737, %mul3A_810 : vector<16xf32>
        %get3A_812 = arith.index_cast %scan3A_759 : i32 to index
        %get3A_813 = arith.constant 64 : index
        %get3A_814 = tpu.vector_load %arg11[%get3A_812, %get3A_813] {strides = array<i32>} : memref<100x128xf32, #tpu.memory_space<vmem>>, vector<16xf32>,
        %mul3A_815 = arith.mulf %get3A_814, %get3A_814 : vector<16xf32>
        %add3A_816 = arith.addf %add3A_742, %mul3A_815 : vector<16xf32>
        %get3A_817 = arith.index_cast %scan3A_759 : i32 to index
        %get3A_818 = arith.constant 80 : index
        %get3A_819 = tpu.vector_load %arg11[%get3A_817, %get3A_818] {strides = array<i32>} : memref<100x128xf32, #tpu.memory_space<vmem>>, vector<16xf32>,
        %mul3A_820 = arith.mulf %get3A_819, %get3A_819 : vector<16xf32>
        %add3A_821 = arith.addf %add3A_747, %mul3A_820 : vector<16xf32>
        %get3A_822 = arith.index_cast %scan3A_759 : i32 to index
        %get3A_823 = arith.constant 96 : index
        %get3A_824 = tpu.vector_load %arg11[%get3A_822, %get3A_823] {strides = array<i32>} : memref<100x128xf32, #tpu.memory_space<vmem>>, vector<16xf32>,
        %mul3A_825 = arith.mulf %get3A_824, %get3A_824 : vector<16xf32>
        %add3A_826 = arith.addf %add3A_752, %mul3A_825 : vector<16xf32>
        %get3A_827 = arith.index_cast %scan3A_759 : i32 to index
        %get3A_828 = arith.constant 112 : index
        %get3A_829 = tpu.vector_load %arg11[%get3A_827, %get3A_828] {strides = array<i32>} : memref<100x128xf32, #tpu.memory_space<vmem>>, vector<16xf32>,
        %mul3A_830 = arith.mulf %get3A_829, %get3A_829 : vector<16xf32>
        %add3A_831 = arith.addf %add3A_757, %mul3A_830 : vector<16xf32>
        scf.yield %add3A_763, %add3A_767, %add3A_771, %add3A_775, %add3A_779, %add3A_783, %add3A_787, %add3A_791, %add3A_796, %add3A_801, %add3A_806, %add3A_811, %add3A_816, %add3A_821, %add3A_826, %add3A_831 : vector<16xf32>, vector<16xf32>, vector<16xf32>, vector<16xf32>, vector<16xf32>, vector<16xf32>, vector<16xf32>, vector<16xf32>, vector<16xf32>, vector<16xf32>, vector<16xf32>, vector<16xf32>, vector<16xf32>, vector<16xf32>, vector<16xf32>, vector<16xf32>
      }
      %scan3A_528 = arith.constant 100 : i32
      %mul3A_529 = arith.mulf %scan3A_527#0, %scan3A_527#0 : vector<16xf32>
      %sub3A_530 = arith.subf %mul3A_529, %scan3A_527#8 : vector<16xf32>
      %mul3A_531 = arith.mulf %scan3A_527#1, %scan3A_527#1 : vector<16xf32>
      %sub3A_532 = arith.subf %mul3A_531, %scan3A_527#9 : vector<16xf32>
      %add3A_533 = arith.addf %sub3A_530, %sub3A_532 : vector<16xf32>
      %mul3A_534 = arith.mulf %scan3A_527#2, %scan3A_527#2 : vector<16xf32>
      %sub3A_535 = arith.subf %mul3A_534, %scan3A_527#10 : vector<16xf32>
      %add3A_536 = arith.addf %add3A_533, %sub3A_535 : vector<16xf32>
      %mul3A_537 = arith.mulf %scan3A_527#3, %scan3A_527#3 : vector<16xf32>
      %sub3A_538 = arith.subf %mul3A_537, %scan3A_527#11 : vector<16xf32>
      %add3A_539 = arith.addf %add3A_536, %sub3A_538 : vector<16xf32>
      %mul3A_540 = arith.mulf %scan3A_527#4, %scan3A_527#4 : vector<16xf32>
      %sub3A_541 = arith.subf %mul3A_540, %scan3A_527#12 : vector<16xf32>
      %add3A_542 = arith.addf %add3A_539, %sub3A_541 : vector<16xf32>
      %mul3A_543 = arith.mulf %scan3A_527#5, %scan3A_527#5 : vector<16xf32>
      %sub3A_544 = arith.subf %mul3A_543, %scan3A_527#13 : vector<16xf32>
      %add3A_545 = arith.addf %add3A_542, %sub3A_544 : vector<16xf32>
      %mul3A_546 = arith.mulf %scan3A_527#6, %scan3A_527#6 : vector<16xf32>
      %sub3A_547 = arith.subf %mul3A_546, %scan3A_527#14 : vector<16xf32>
      %add3A_548 = arith.addf %add3A_545, %sub3A_547 : vector<16xf32>
      %mul3A_549 = arith.mulf %scan3A_527#7, %scan3A_527#7 : vector<16xf32>
      %sub3A_550 = arith.subf %mul3A_549, %scan3A_527#15 : vector<16xf32>
      %add3A_551 = arith.addf %add3A_548, %sub3A_550 : vector<16xf32>
      %get3A_552 = arith.constant 0 : index
      %get3A_553 = tpu.vector_load %arg16[%get3A_552] {strides = array<i32>} : memref<112xf32, #tpu.memory_space<vmem>>, vector<16xf32>,
      %get3A_554 = arith.constant 16 : index
      %get3A_555 = tpu.vector_load %arg16[%get3A_554] {strides = array<i32>} : memref<112xf32, #tpu.memory_space<vmem>>, vector<16xf32>,
      %add3A_556 = arith.addf %get3A_553, %get3A_555 : vector<16xf32>
      %get3A_557 = arith.constant 32 : index
      %get3A_558 = tpu.vector_load %arg16[%get3A_557] {strides = array<i32>} : memref<112xf32, #tpu.memory_space<vmem>>, vector<16xf32>,
      %add3A_559 = arith.addf %add3A_556, %get3A_558 : vector<16xf32>
      %get3A_560 = arith.constant 48 : index
      %get3A_561 = tpu.vector_load %arg16[%get3A_560] {strides = array<i32>} : memref<112xf32, #tpu.memory_space<vmem>>, vector<16xf32>,
      %add3A_562 = arith.addf %add3A_559, %get3A_561 : vector<16xf32>
      %get3A_563 = arith.constant 64 : index
      %get3A_564 = tpu.vector_load %arg16[%get3A_563] {strides = array<i32>} : memref<112xf32, #tpu.memory_space<vmem>>, vector<16xf32>,
      %add3A_565 = arith.addf %add3A_562, %get3A_564 : vector<16xf32>
      %get3A_566 = arith.constant 80 : index
      %get3A_567 = tpu.vector_load %arg16[%get3A_566] {strides = array<i32>} : memref<112xf32, #tpu.memory_space<vmem>>, vector<16xf32>,
      %add3A_568 = arith.addf %add3A_565, %get3A_567 : vector<16xf32>
      %get3A_569 = arith.constant 96 : index
      %get3A_570 = tpu.vector_load %arg16[%get3A_569] {strides = array<i32>} : memref<112xf32, #tpu.memory_space<vmem>>, vector<16xf32>,
      %add3A_571 = arith.addf %add3A_568, %get3A_570 : vector<16xf32>
      %mul3A_572 = arith.constant 5.000000e-01 : f32
      %mul3A_573 = vector.broadcast %mul3A_572 : f32 to vector<16xf32>
      %mul3A_574 = arith.mulf %add3A_551, %mul3A_573 : vector<16xf32>
      %add3A_575 = arith.addf %mul3A_574, %add3A_571 : vector<16xf32>
      %swap3A_576 = arith.index_cast %add3A_507 : i32 to index
      %swap3A_577 = arith.constant 0 : index
      %swap3A_578 = tpu.vector_load %arg18[%swap3A_576, %swap3A_577] {strides = array<i32>} : memref<512x16xf32, #tpu.memory_space<vmem>>, vector<16xf32>,
      tpu.vector_store %arg18[%swap3A_576, %swap3A_577], %add3A_575 {strides = array<i32>} : memref<512x16xf32, #tpu.memory_space<vmem>>, vector<16xf32>,
      %add3A_579 = arith.constant 5 : i32
      %add3A_580 = arith.addi %add3A_507, %add3A_579 : i32
      %lt3A_581 = arith.constant 512 : i32
      %lt3A_582 = arith.cmpi slt, %add3A_580, %lt3A_581 : i32
      %convert_element_type3A_583 = arith.extui %lt3A_582 : i1 to i32
      %cond3A_584 = arith.constant 0 : i32
      %cond3A_585 = arith.cmpi ne, %convert_element_type3A_583, %cond3A_584 : i32
      scf.if %cond3A_585 {
        %add3A_669 = arith.constant 5 : i32
        %add3A_670 = arith.addi %add3A_507, %add3A_669 : i32
        %dma_start3A_671 = arith.constant 0 : i32
        %dma_start3A_672 = tpu.memref_slice %arg7[%add3A_670, %dma_start3A_671] : memref<512x100xi32, #tpu.memory_space<vmem>> -> memref<1x100xi32, #tpu.memory_space<vmem>>
        %dma_start3A_673 = tpu.memref_squeeze %dma_start3A_672 : memref<1x100xi32, #tpu.memory_space<vmem>> -> memref<100xi32, #tpu.memory_space<vmem>>
        %dma_start3A_674 = arith.constant 0 : i32
        %dma_start3A_675 = arith.constant 0 : i32
        %dma_start3A_676 = tpu.memref_slice %arg3[%dma_start3A_674, %dma_start3A_675] : memref<100000x128xf32, #tpu.memory_space<hbm>> -> memref<100000x128xf32, #tpu.memory_space<hbm>>
        tpu.enqueue_indirect_dma source(%dma_start3A_676 : memref<100000x128xf32, #tpu.memory_space<hbm>>) target(%arg11 : memref<100x128xf32, #tpu.memory_space<vmem>>) offsets(%dma_start3A_673 : memref<100xi32, #tpu.memory_space<vmem>>) semaphore(%arg24 : memref<!tpu.dma_semaphore, #tpu.memory_space<semaphore_mem>>)
        %dma_start3A_677 = arith.constant 0 : i32
        %dma_start3A_678 = tpu.memref_slice %arg16[%dma_start3A_677] : memref<112xf32, #tpu.memory_space<vmem>> -> memref<100xf32, #tpu.memory_space<vmem>>
        %dma_start3A_679 = arith.constant 0 : i32
        %dma_start3A_680 = tpu.memref_slice %arg7[%add3A_670, %dma_start3A_679] : memref<512x100xi32, #tpu.memory_space<vmem>> -> memref<1x100xi32, #tpu.memory_space<vmem>>
        %dma_start3A_681 = tpu.memref_squeeze %dma_start3A_680 : memref<1x100xi32, #tpu.memory_space<vmem>> -> memref<100xi32, #tpu.memory_space<vmem>>
        %dma_start3A_682 = arith.constant 0 : i32
        %dma_start3A_683 = tpu.memref_slice %arg4[%dma_start3A_682] : memref<100000xf32, #tpu.memory_space<hbm>> -> memref<100000xf32, #tpu.memory_space<hbm>>
        tpu.enqueue_indirect_dma source(%dma_start3A_683 : memref<100000xf32, #tpu.memory_space<hbm>>) target(%dma_start3A_678 : memref<100xf32, #tpu.memory_space<vmem>>) offsets(%dma_start3A_681 : memref<100xi32, #tpu.memory_space<vmem>>) semaphore(%arg24 : memref<!tpu.dma_semaphore, #tpu.memory_space<semaphore_mem>>)
      } else {
      }
      %mul3A_586 = arith.constant 5 : i32
      %mul3A_587 = arith.muli %mul3A_586, %scan3A_259 : i32
      %add3A_588 = arith.constant 4 : i32
      %add3A_589 = arith.addi %mul3A_587, %add3A_588 : i32
      %dma_wait3A_590 = arith.constant 0 : i32
      %dma_wait3A_591 = tpu.memref_slice %arg7[%add3A_589, %dma_wait3A_590] : memref<512x100xi32, #tpu.memory_space<vmem>> -> memref<1x100xi32, #tpu.memory_space<vmem>>
      %dma_wait3A_592 = tpu.memref_squeeze %dma_wait3A_591 : memref<1x100xi32, #tpu.memory_space<vmem>> -> memref<100xi32, #tpu.memory_space<vmem>>
      %dma_wait3A_593 = arith.constant 0 : i32
      %dma_wait3A_594 = arith.constant 0 : i32
      %dma_wait3A_595 = tpu.memref_slice %arg3[%dma_wait3A_593, %dma_wait3A_594] : memref<100000x128xf32, #tpu.memory_space<hbm>> -> memref<100000x128xf32, #tpu.memory_space<hbm>>
      tpu.wait_indirect_dma semaphore(%arg25 : memref<!tpu.dma_semaphore, #tpu.memory_space<semaphore_mem>>) src(%dma_wait3A_595 : memref<100000x128xf32, #tpu.memory_space<hbm>>) dst(%arg12 : memref<100x128xf32, #tpu.memory_space<vmem>>)
      %dma_wait3A_596 = arith.constant 0 : i32
      %dma_wait3A_597 = tpu.memref_slice %arg17[%dma_wait3A_596] : memref<112xf32, #tpu.memory_space<vmem>> -> memref<100xf32, #tpu.memory_space<vmem>>
      %dma_wait3A_598 = arith.constant 0 : i32
      %dma_wait3A_599 = tpu.memref_slice %arg7[%add3A_589, %dma_wait3A_598] : memref<512x100xi32, #tpu.memory_space<vmem>> -> memref<1x100xi32, #tpu.memory_space<vmem>>
      %dma_wait3A_600 = tpu.memref_squeeze %dma_wait3A_599 : memref<1x100xi32, #tpu.memory_space<vmem>> -> memref<100xi32, #tpu.memory_space<vmem>>
      %dma_wait3A_601 = arith.constant 0 : i32
      %dma_wait3A_602 = tpu.memref_slice %arg4[%dma_wait3A_601] : memref<100000xf32, #tpu.memory_space<hbm>> -> memref<100000xf32, #tpu.memory_space<hbm>>
      tpu.wait_indirect_dma semaphore(%arg25 : memref<!tpu.dma_semaphore, #tpu.memory_space<semaphore_mem>>) src(%dma_wait3A_602 : memref<100000xf32, #tpu.memory_space<hbm>>) dst(%dma_wait3A_597 : memref<100xf32, #tpu.memory_space<vmem>>)
      %broadcast_in_dim3A_603 = arith.constant 0.000000e+00 : f32
      %broadcast_in_dim3A_604 = vector.broadcast %broadcast_in_dim3A_603 : f32 to vector<16xf32>
      %scan3A_605 = arith.constant 0 : i32
      %scan3A_606 = arith.constant 100 : i32
      %scan3A_607 = arith.addi %scan3A_605, %scan3A_606 : i32
      %scan3A_608 = arith.constant 2 : i32
      %scan3A_609:16 = scf.for %scan3A_669 = %scan3A_605 to %scan3A_607 step %scan3A_608 iter_args(%scan3A_670 = %broadcast_in_dim3A_604, %scan3A_671 = %broadcast_in_dim3A_604, %scan3A_672 = %broadcast_in_dim3A_604, %scan3A_673 = %broadcast_in_dim3A_604, %scan3A_674 = %broadcast_in_dim3A_604, %scan3A_675 = %broadcast_in_dim3A_604, %scan3A_676 = %broadcast_in_dim3A_604, %scan3A_677 = %broadcast_in_dim3A_604, %scan3A_678 = %broadcast_in_dim3A_604, %scan3A_679 = %broadcast_in_dim3A_604, %scan3A_680 = %broadcast_in_dim3A_604, %scan3A_681 = %broadcast_in_dim3A_604, %scan3A_682 = %broadcast_in_dim3A_604, %scan3A_683 = %broadcast_in_dim3A_604, %scan3A_684 = %broadcast_in_dim3A_604, %scan3A_685 = %broadcast_in_dim3A_604) -> (vector<16xf32>, vector<16xf32>, vector<16xf32>, vector<16xf32>, vector<16xf32>, vector<16xf32>, vector<16xf32>, vector<16xf32>, vector<16xf32>, vector<16xf32>, vector<16xf32>, vector<16xf32>, vector<16xf32>, vector<16xf32>, vector<16xf32>, vector<16xf32>)  : i32 {
        %get3A_686 = arith.index_cast %scan3A_669 : i32 to index
        %get3A_687 = arith.constant 0 : index
        %get3A_688 = tpu.vector_load %arg12[%get3A_686, %get3A_687] {strides = array<i32>} : memref<100x128xf32, #tpu.memory_space<vmem>>, vector<16xf32>,
        %add3A_689 = arith.addf %scan3A_670, %get3A_688 : vector<16xf32>
        %get3A_690 = arith.index_cast %scan3A_669 : i32 to index
        %get3A_691 = arith.constant 16 : index
        %get3A_692 = tpu.vector_load %arg12[%get3A_690, %get3A_691] {strides = array<i32>} : memref<100x128xf32, #tpu.memory_space<vmem>>, vector<16xf32>,
        %add3A_693 = arith.addf %scan3A_671, %get3A_692 : vector<16xf32>
        %get3A_694 = arith.index_cast %scan3A_669 : i32 to index
        %get3A_695 = arith.constant 32 : index
        %get3A_696 = tpu.vector_load %arg12[%get3A_694, %get3A_695] {strides = array<i32>} : memref<100x128xf32, #tpu.memory_space<vmem>>, vector<16xf32>,
        %add3A_697 = arith.addf %scan3A_672, %get3A_696 : vector<16xf32>
        %get3A_698 = arith.index_cast %scan3A_669 : i32 to index
        %get3A_699 = arith.constant 48 : index
        %get3A_700 = tpu.vector_load %arg12[%get3A_698, %get3A_699] {strides = array<i32>} : memref<100x128xf32, #tpu.memory_space<vmem>>, vector<16xf32>,
        %add3A_701 = arith.addf %scan3A_673, %get3A_700 : vector<16xf32>
        %get3A_702 = arith.index_cast %scan3A_669 : i32 to index
        %get3A_703 = arith.constant 64 : index
        %get3A_704 = tpu.vector_load %arg12[%get3A_702, %get3A_703] {strides = array<i32>} : memref<100x128xf32, #tpu.memory_space<vmem>>, vector<16xf32>,
        %add3A_705 = arith.addf %scan3A_674, %get3A_704 : vector<16xf32>
        %get3A_706 = arith.index_cast %scan3A_669 : i32 to index
        %get3A_707 = arith.constant 80 : index
        %get3A_708 = tpu.vector_load %arg12[%get3A_706, %get3A_707] {strides = array<i32>} : memref<100x128xf32, #tpu.memory_space<vmem>>, vector<16xf32>,
        %add3A_709 = arith.addf %scan3A_675, %get3A_708 : vector<16xf32>
        %get3A_710 = arith.index_cast %scan3A_669 : i32 to index
        %get3A_711 = arith.constant 96 : index
        %get3A_712 = tpu.vector_load %arg12[%get3A_710, %get3A_711] {strides = array<i32>} : memref<100x128xf32, #tpu.memory_space<vmem>>, vector<16xf32>,
        %add3A_713 = arith.addf %scan3A_676, %get3A_712 : vector<16xf32>
        %get3A_714 = arith.index_cast %scan3A_669 : i32 to index
        %get3A_715 = arith.constant 112 : index
        %get3A_716 = tpu.vector_load %arg12[%get3A_714, %get3A_715] {strides = array<i32>} : memref<100x128xf32, #tpu.memory_space<vmem>>, vector<16xf32>,
        %add3A_717 = arith.addf %scan3A_677, %get3A_716 : vector<16xf32>
        %get3A_718 = arith.index_cast %scan3A_669 : i32 to index
        %get3A_719 = arith.constant 0 : index
        %get3A_720 = tpu.vector_load %arg12[%get3A_718, %get3A_719] {strides = array<i32>} : memref<100x128xf32, #tpu.memory_space<vmem>>, vector<16xf32>,
        %mul3A_721 = arith.mulf %get3A_720, %get3A_720 : vector<16xf32>
        %add3A_722 = arith.addf %scan3A_678, %mul3A_721 : vector<16xf32>
        %get3A_723 = arith.index_cast %scan3A_669 : i32 to index
        %get3A_724 = arith.constant 16 : index
        %get3A_725 = tpu.vector_load %arg12[%get3A_723, %get3A_724] {strides = array<i32>} : memref<100x128xf32, #tpu.memory_space<vmem>>, vector<16xf32>,
        %mul3A_726 = arith.mulf %get3A_725, %get3A_725 : vector<16xf32>
        %add3A_727 = arith.addf %scan3A_679, %mul3A_726 : vector<16xf32>
        %get3A_728 = arith.index_cast %scan3A_669 : i32 to index
        %get3A_729 = arith.constant 32 : index
        %get3A_730 = tpu.vector_load %arg12[%get3A_728, %get3A_729] {strides = array<i32>} : memref<100x128xf32, #tpu.memory_space<vmem>>, vector<16xf32>,
        %mul3A_731 = arith.mulf %get3A_730, %get3A_730 : vector<16xf32>
        %add3A_732 = arith.addf %scan3A_680, %mul3A_731 : vector<16xf32>
        %get3A_733 = arith.index_cast %scan3A_669 : i32 to index
        %get3A_734 = arith.constant 48 : index
        %get3A_735 = tpu.vector_load %arg12[%get3A_733, %get3A_734] {strides = array<i32>} : memref<100x128xf32, #tpu.memory_space<vmem>>, vector<16xf32>,
        %mul3A_736 = arith.mulf %get3A_735, %get3A_735 : vector<16xf32>
        %add3A_737 = arith.addf %scan3A_681, %mul3A_736 : vector<16xf32>
        %get3A_738 = arith.index_cast %scan3A_669 : i32 to index
        %get3A_739 = arith.constant 64 : index
        %get3A_740 = tpu.vector_load %arg12[%get3A_738, %get3A_739] {strides = array<i32>} : memref<100x128xf32, #tpu.memory_space<vmem>>, vector<16xf32>,
        %mul3A_741 = arith.mulf %get3A_740, %get3A_740 : vector<16xf32>
        %add3A_742 = arith.addf %scan3A_682, %mul3A_741 : vector<16xf32>
        %get3A_743 = arith.index_cast %scan3A_669 : i32 to index
        %get3A_744 = arith.constant 80 : index
        %get3A_745 = tpu.vector_load %arg12[%get3A_743, %get3A_744] {strides = array<i32>} : memref<100x128xf32, #tpu.memory_space<vmem>>, vector<16xf32>,
        %mul3A_746 = arith.mulf %get3A_745, %get3A_745 : vector<16xf32>
        %add3A_747 = arith.addf %scan3A_683, %mul3A_746 : vector<16xf32>
        %get3A_748 = arith.index_cast %scan3A_669 : i32 to index
        %get3A_749 = arith.constant 96 : index
        %get3A_750 = tpu.vector_load %arg12[%get3A_748, %get3A_749] {strides = array<i32>} : memref<100x128xf32, #tpu.memory_space<vmem>>, vector<16xf32>,
        %mul3A_751 = arith.mulf %get3A_750, %get3A_750 : vector<16xf32>
        %add3A_752 = arith.addf %scan3A_684, %mul3A_751 : vector<16xf32>
        %get3A_753 = arith.index_cast %scan3A_669 : i32 to index
        %get3A_754 = arith.constant 112 : index
        %get3A_755 = tpu.vector_load %arg12[%get3A_753, %get3A_754] {strides = array<i32>} : memref<100x128xf32, #tpu.memory_space<vmem>>, vector<16xf32>,
        %mul3A_756 = arith.mulf %get3A_755, %get3A_755 : vector<16xf32>
        %add3A_757 = arith.addf %scan3A_685, %mul3A_756 : vector<16xf32>
        %scan3A_758 = arith.constant 1 : i32
        %scan3A_759 = arith.addi %scan3A_669, %scan3A_758 : i32
        %get3A_760 = arith.index_cast %scan3A_759 : i32 to index
        %get3A_761 = arith.constant 0 : index
        %get3A_762 = tpu.vector_load %arg12[%get3A_760, %get3A_761] {strides = array<i32>} : memref<100x128xf32, #tpu.memory_space<vmem>>, vector<16xf32>,
        %add3A_763 = arith.addf %add3A_689, %get3A_762 : vector<16xf32>
        %get3A_764 = arith.index_cast %scan3A_759 : i32 to index
        %get3A_765 = arith.constant 16 : index
        %get3A_766 = tpu.vector_load %arg12[%get3A_764, %get3A_765] {strides = array<i32>} : memref<100x128xf32, #tpu.memory_space<vmem>>, vector<16xf32>,
        %add3A_767 = arith.addf %add3A_693, %get3A_766 : vector<16xf32>
        %get3A_768 = arith.index_cast %scan3A_759 : i32 to index
        %get3A_769 = arith.constant 32 : index
        %get3A_770 = tpu.vector_load %arg12[%get3A_768, %get3A_769] {strides = array<i32>} : memref<100x128xf32, #tpu.memory_space<vmem>>, vector<16xf32>,
        %add3A_771 = arith.addf %add3A_697, %get3A_770 : vector<16xf32>
        %get3A_772 = arith.index_cast %scan3A_759 : i32 to index
        %get3A_773 = arith.constant 48 : index
        %get3A_774 = tpu.vector_load %arg12[%get3A_772, %get3A_773] {strides = array<i32>} : memref<100x128xf32, #tpu.memory_space<vmem>>, vector<16xf32>,
        %add3A_775 = arith.addf %add3A_701, %get3A_774 : vector<16xf32>
        %get3A_776 = arith.index_cast %scan3A_759 : i32 to index
        %get3A_777 = arith.constant 64 : index
        %get3A_778 = tpu.vector_load %arg12[%get3A_776, %get3A_777] {strides = array<i32>} : memref<100x128xf32, #tpu.memory_space<vmem>>, vector<16xf32>,
        %add3A_779 = arith.addf %add3A_705, %get3A_778 : vector<16xf32>
        %get3A_780 = arith.index_cast %scan3A_759 : i32 to index
        %get3A_781 = arith.constant 80 : index
        %get3A_782 = tpu.vector_load %arg12[%get3A_780, %get3A_781] {strides = array<i32>} : memref<100x128xf32, #tpu.memory_space<vmem>>, vector<16xf32>,
        %add3A_783 = arith.addf %add3A_709, %get3A_782 : vector<16xf32>
        %get3A_784 = arith.index_cast %scan3A_759 : i32 to index
        %get3A_785 = arith.constant 96 : index
        %get3A_786 = tpu.vector_load %arg12[%get3A_784, %get3A_785] {strides = array<i32>} : memref<100x128xf32, #tpu.memory_space<vmem>>, vector<16xf32>,
        %add3A_787 = arith.addf %add3A_713, %get3A_786 : vector<16xf32>
        %get3A_788 = arith.index_cast %scan3A_759 : i32 to index
        %get3A_789 = arith.constant 112 : index
        %get3A_790 = tpu.vector_load %arg12[%get3A_788, %get3A_789] {strides = array<i32>} : memref<100x128xf32, #tpu.memory_space<vmem>>, vector<16xf32>,
        %add3A_791 = arith.addf %add3A_717, %get3A_790 : vector<16xf32>
        %get3A_792 = arith.index_cast %scan3A_759 : i32 to index
        %get3A_793 = arith.constant 0 : index
        %get3A_794 = tpu.vector_load %arg12[%get3A_792, %get3A_793] {strides = array<i32>} : memref<100x128xf32, #tpu.memory_space<vmem>>, vector<16xf32>,
        %mul3A_795 = arith.mulf %get3A_794, %get3A_794 : vector<16xf32>
        %add3A_796 = arith.addf %add3A_722, %mul3A_795 : vector<16xf32>
        %get3A_797 = arith.index_cast %scan3A_759 : i32 to index
        %get3A_798 = arith.constant 16 : index
        %get3A_799 = tpu.vector_load %arg12[%get3A_797, %get3A_798] {strides = array<i32>} : memref<100x128xf32, #tpu.memory_space<vmem>>, vector<16xf32>,
        %mul3A_800 = arith.mulf %get3A_799, %get3A_799 : vector<16xf32>
        %add3A_801 = arith.addf %add3A_727, %mul3A_800 : vector<16xf32>
        %get3A_802 = arith.index_cast %scan3A_759 : i32 to index
        %get3A_803 = arith.constant 32 : index
        %get3A_804 = tpu.vector_load %arg12[%get3A_802, %get3A_803] {strides = array<i32>} : memref<100x128xf32, #tpu.memory_space<vmem>>, vector<16xf32>,
        %mul3A_805 = arith.mulf %get3A_804, %get3A_804 : vector<16xf32>
        %add3A_806 = arith.addf %add3A_732, %mul3A_805 : vector<16xf32>
        %get3A_807 = arith.index_cast %scan3A_759 : i32 to index
        %get3A_808 = arith.constant 48 : index
        %get3A_809 = tpu.vector_load %arg12[%get3A_807, %get3A_808] {strides = array<i32>} : memref<100x128xf32, #tpu.memory_space<vmem>>, vector<16xf32>,
        %mul3A_810 = arith.mulf %get3A_809, %get3A_809 : vector<16xf32>
        %add3A_811 = arith.addf %add3A_737, %mul3A_810 : vector<16xf32>
        %get3A_812 = arith.index_cast %scan3A_759 : i32 to index
        %get3A_813 = arith.constant 64 : index
        %get3A_814 = tpu.vector_load %arg12[%get3A_812, %get3A_813] {strides = array<i32>} : memref<100x128xf32, #tpu.memory_space<vmem>>, vector<16xf32>,
        %mul3A_815 = arith.mulf %get3A_814, %get3A_814 : vector<16xf32>
        %add3A_816 = arith.addf %add3A_742, %mul3A_815 : vector<16xf32>
        %get3A_817 = arith.index_cast %scan3A_759 : i32 to index
        %get3A_818 = arith.constant 80 : index
        %get3A_819 = tpu.vector_load %arg12[%get3A_817, %get3A_818] {strides = array<i32>} : memref<100x128xf32, #tpu.memory_space<vmem>>, vector<16xf32>,
        %mul3A_820 = arith.mulf %get3A_819, %get3A_819 : vector<16xf32>
        %add3A_821 = arith.addf %add3A_747, %mul3A_820 : vector<16xf32>
        %get3A_822 = arith.index_cast %scan3A_759 : i32 to index
        %get3A_823 = arith.constant 96 : index
        %get3A_824 = tpu.vector_load %arg12[%get3A_822, %get3A_823] {strides = array<i32>} : memref<100x128xf32, #tpu.memory_space<vmem>>, vector<16xf32>,
        %mul3A_825 = arith.mulf %get3A_824, %get3A_824 : vector<16xf32>
        %add3A_826 = arith.addf %add3A_752, %mul3A_825 : vector<16xf32>
        %get3A_827 = arith.index_cast %scan3A_759 : i32 to index
        %get3A_828 = arith.constant 112 : index
        %get3A_829 = tpu.vector_load %arg12[%get3A_827, %get3A_828] {strides = array<i32>} : memref<100x128xf32, #tpu.memory_space<vmem>>, vector<16xf32>,
        %mul3A_830 = arith.mulf %get3A_829, %get3A_829 : vector<16xf32>
        %add3A_831 = arith.addf %add3A_757, %mul3A_830 : vector<16xf32>
        scf.yield %add3A_763, %add3A_767, %add3A_771, %add3A_775, %add3A_779, %add3A_783, %add3A_787, %add3A_791, %add3A_796, %add3A_801, %add3A_806, %add3A_811, %add3A_816, %add3A_821, %add3A_826, %add3A_831 : vector<16xf32>, vector<16xf32>, vector<16xf32>, vector<16xf32>, vector<16xf32>, vector<16xf32>, vector<16xf32>, vector<16xf32>, vector<16xf32>, vector<16xf32>, vector<16xf32>, vector<16xf32>, vector<16xf32>, vector<16xf32>, vector<16xf32>, vector<16xf32>
      }
      %scan3A_610 = arith.constant 100 : i32
      %mul3A_611 = arith.mulf %scan3A_609#0, %scan3A_609#0 : vector<16xf32>
      %sub3A_612 = arith.subf %mul3A_611, %scan3A_609#8 : vector<16xf32>
      %mul3A_613 = arith.mulf %scan3A_609#1, %scan3A_609#1 : vector<16xf32>
      %sub3A_614 = arith.subf %mul3A_613, %scan3A_609#9 : vector<16xf32>
      %add3A_615 = arith.addf %sub3A_612, %sub3A_614 : vector<16xf32>
      %mul3A_616 = arith.mulf %scan3A_609#2, %scan3A_609#2 : vector<16xf32>
      %sub3A_617 = arith.subf %mul3A_616, %scan3A_609#10 : vector<16xf32>
      %add3A_618 = arith.addf %add3A_615, %sub3A_617 : vector<16xf32>
      %mul3A_619 = arith.mulf %scan3A_609#3, %scan3A_609#3 : vector<16xf32>
      %sub3A_620 = arith.subf %mul3A_619, %scan3A_609#11 : vector<16xf32>
      %add3A_621 = arith.addf %add3A_618, %sub3A_620 : vector<16xf32>
      %mul3A_622 = arith.mulf %scan3A_609#4, %scan3A_609#4 : vector<16xf32>
      %sub3A_623 = arith.subf %mul3A_622, %scan3A_609#12 : vector<16xf32>
      %add3A_624 = arith.addf %add3A_621, %sub3A_623 : vector<16xf32>
      %mul3A_625 = arith.mulf %scan3A_609#5, %scan3A_609#5 : vector<16xf32>
      %sub3A_626 = arith.subf %mul3A_625, %scan3A_609#13 : vector<16xf32>
      %add3A_627 = arith.addf %add3A_624, %sub3A_626 : vector<16xf32>
      %mul3A_628 = arith.mulf %scan3A_609#6, %scan3A_609#6 : vector<16xf32>
      %sub3A_629 = arith.subf %mul3A_628, %scan3A_609#14 : vector<16xf32>
      %add3A_630 = arith.addf %add3A_627, %sub3A_629 : vector<16xf32>
      %mul3A_631 = arith.mulf %scan3A_609#7, %scan3A_609#7 : vector<16xf32>
      %sub3A_632 = arith.subf %mul3A_631, %scan3A_609#15 : vector<16xf32>
      %add3A_633 = arith.addf %add3A_630, %sub3A_632 : vector<16xf32>
      %get3A_634 = arith.constant 0 : index
      %get3A_635 = tpu.vector_load %arg17[%get3A_634] {strides = array<i32>} : memref<112xf32, #tpu.memory_space<vmem>>, vector<16xf32>,
      %get3A_636 = arith.constant 16 : index
      %get3A_637 = tpu.vector_load %arg17[%get3A_636] {strides = array<i32>} : memref<112xf32, #tpu.memory_space<vmem>>, vector<16xf32>,
      %add3A_638 = arith.addf %get3A_635, %get3A_637 : vector<16xf32>
      %get3A_639 = arith.constant 32 : index
      %get3A_640 = tpu.vector_load %arg17[%get3A_639] {strides = array<i32>} : memref<112xf32, #tpu.memory_space<vmem>>, vector<16xf32>,
      %add3A_641 = arith.addf %add3A_638, %get3A_640 : vector<16xf32>
      %get3A_642 = arith.constant 48 : index
      %get3A_643 = tpu.vector_load %arg17[%get3A_642] {strides = array<i32>} : memref<112xf32, #tpu.memory_space<vmem>>, vector<16xf32>,
      %add3A_644 = arith.addf %add3A_641, %get3A_643 : vector<16xf32>
      %get3A_645 = arith.constant 64 : index
      %get3A_646 = tpu.vector_load %arg17[%get3A_645] {strides = array<i32>} : memref<112xf32, #tpu.memory_space<vmem>>, vector<16xf32>,
      %add3A_647 = arith.addf %add3A_644, %get3A_646 : vector<16xf32>
      %get3A_648 = arith.constant 80 : index
      %get3A_649 = tpu.vector_load %arg17[%get3A_648] {strides = array<i32>} : memref<112xf32, #tpu.memory_space<vmem>>, vector<16xf32>,
      %add3A_650 = arith.addf %add3A_647, %get3A_649 : vector<16xf32>
      %get3A_651 = arith.constant 96 : index
      %get3A_652 = tpu.vector_load %arg17[%get3A_651] {strides = array<i32>} : memref<112xf32, #tpu.memory_space<vmem>>, vector<16xf32>,
      %add3A_653 = arith.addf %add3A_650, %get3A_652 : vector<16xf32>
      %mul3A_654 = arith.constant 5.000000e-01 : f32
      %mul3A_655 = vector.broadcast %mul3A_654 : f32 to vector<16xf32>
      %mul3A_656 = arith.mulf %add3A_633, %mul3A_655 : vector<16xf32>
      %add3A_657 = arith.addf %mul3A_656, %add3A_653 : vector<16xf32>
      %swap3A_658 = arith.index_cast %add3A_589 : i32 to index
      %swap3A_659 = arith.constant 0 : index
      %swap3A_660 = tpu.vector_load %arg18[%swap3A_658, %swap3A_659] {strides = array<i32>} : memref<512x16xf32, #tpu.memory_space<vmem>>, vector<16xf32>,
      tpu.vector_store %arg18[%swap3A_658, %swap3A_659], %add3A_657 {strides = array<i32>} : memref<512x16xf32, #tpu.memory_space<vmem>>, vector<16xf32>,
      %add3A_661 = arith.constant 5 : i32
      %add3A_662 = arith.addi %add3A_589, %add3A_661 : i32
      %lt3A_663 = arith.constant 512 : i32
      %lt3A_664 = arith.cmpi slt, %add3A_662, %lt3A_663 : i32
      %convert_element_type3A_665 = arith.extui %lt3A_664 : i1 to i32
      %cond3A_666 = arith.constant 0 : i32
      %cond3A_667 = arith.cmpi ne, %convert_element_type3A_665, %cond3A_666 : i32
      scf.if %cond3A_667 {
        %add3A_669 = arith.constant 5 : i32
        %add3A_670 = arith.addi %add3A_589, %add3A_669 : i32
        %dma_start3A_671 = arith.constant 0 : i32
        %dma_start3A_672 = tpu.memref_slice %arg7[%add3A_670, %dma_start3A_671] : memref<512x100xi32, #tpu.memory_space<vmem>> -> memref<1x100xi32, #tpu.memory_space<vmem>>
        %dma_start3A_673 = tpu.memref_squeeze %dma_start3A_672 : memref<1x100xi32, #tpu.memory_space<vmem>> -> memref<100xi32, #tpu.memory_space<vmem>>
        %dma_start3A_674 = arith.constant 0 : i32
        %dma_start3A_675 = arith.constant 0 : i32
        %dma_start3A_676 = tpu.memref_slice %arg3[%dma_start3A_674, %dma_start3A_675] : memref<100000x128xf32, #tpu.memory_space<hbm>> -> memref<100000x128xf32, #tpu.memory_space<hbm>>
        tpu.enqueue_indirect_dma source(%dma_start3A_676 : memref<100000x128xf32, #tpu.memory_space<hbm>>) target(%arg12 : memref<100x128xf32, #tpu.memory_space<vmem>>) offsets(%dma_start3A_673 : memref<100xi32, #tpu.memory_space<vmem>>) semaphore(%arg25 : memref<!tpu.dma_semaphore, #tpu.memory_space<semaphore_mem>>)
        %dma_start3A_677 = arith.constant 0 : i32
        %dma_start3A_678 = tpu.memref_slice %arg17[%dma_start3A_677] : memref<112xf32, #tpu.memory_space<vmem>> -> memref<100xf32, #tpu.memory_space<vmem>>
        %dma_start3A_679 = arith.constant 0 : i32
        %dma_start3A_680 = tpu.memref_slice %arg7[%add3A_670, %dma_start3A_679] : memref<512x100xi32, #tpu.memory_space<vmem>> -> memref<1x100xi32, #tpu.memory_space<vmem>>
        %dma_start3A_681 = tpu.memref_squeeze %dma_start3A_680 : memref<1x100xi32, #tpu.memory_space<vmem>> -> memref<100xi32, #tpu.memory_space<vmem>>
        %dma_start3A_682 = arith.constant 0 : i32
        %dma_start3A_683 = tpu.memref_slice %arg4[%dma_start3A_682] : memref<100000xf32, #tpu.memory_space<hbm>> -> memref<100000xf32, #tpu.memory_space<hbm>>
        tpu.enqueue_indirect_dma source(%dma_start3A_683 : memref<100000xf32, #tpu.memory_space<hbm>>) target(%dma_start3A_678 : memref<100xf32, #tpu.memory_space<vmem>>) offsets(%dma_start3A_681 : memref<100xi32, #tpu.memory_space<vmem>>) semaphore(%arg25 : memref<!tpu.dma_semaphore, #tpu.memory_space<semaphore_mem>>)
      } else {
      }
      %scan3A_668 = arith.constant 0 : i32
      scf.yield %scan3A_668 : i32
    }
    %scan3A_103 = arith.constant 102 : i32
    %dma_wait3A = arith.constant 510 : i32
    %dma_wait3A_104 = arith.constant 0 : i32
    %dma_wait3A_105 = tpu.memref_slice %arg7[%dma_wait3A, %dma_wait3A_104] : memref<512x100xi32, #tpu.memory_space<vmem>> -> memref<1x100xi32, #tpu.memory_space<vmem>>
    %dma_wait3A_106 = tpu.memref_squeeze %dma_wait3A_105 : memref<1x100xi32, #tpu.memory_space<vmem>> -> memref<100xi32, #tpu.memory_space<vmem>>
    %dma_wait3A_107 = arith.constant 0 : i32
    %dma_wait3A_108 = arith.constant 0 : i32
    %dma_wait3A_109 = tpu.memref_slice %arg3[%dma_wait3A_107, %dma_wait3A_108] : memref<100000x128xf32, #tpu.memory_space<hbm>> -> memref<100000x128xf32, #tpu.memory_space<hbm>>
    tpu.wait_indirect_dma semaphore(%arg21 : memref<!tpu.dma_semaphore, #tpu.memory_space<semaphore_mem>>) src(%dma_wait3A_109 : memref<100000x128xf32, #tpu.memory_space<hbm>>) dst(%arg8 : memref<100x128xf32, #tpu.memory_space<vmem>>)
    %dma_wait3A_110 = arith.constant 510 : i32
    %dma_wait3A_111 = arith.constant 0 : i32
    %dma_wait3A_112 = tpu.memref_slice %arg13[%dma_wait3A_111] : memref<112xf32, #tpu.memory_space<vmem>> -> memref<100xf32, #tpu.memory_space<vmem>>
    %dma_wait3A_113 = arith.constant 0 : i32
    %dma_wait3A_114 = tpu.memref_slice %arg7[%dma_wait3A_110, %dma_wait3A_113] : memref<512x100xi32, #tpu.memory_space<vmem>> -> memref<1x100xi32, #tpu.memory_space<vmem>>
    %dma_wait3A_115 = tpu.memref_squeeze %dma_wait3A_114 : memref<1x100xi32, #tpu.memory_space<vmem>> -> memref<100xi32, #tpu.memory_space<vmem>>
    %dma_wait3A_116 = arith.constant 0 : i32
    %dma_wait3A_117 = tpu.memref_slice %arg4[%dma_wait3A_116] : memref<100000xf32, #tpu.memory_space<hbm>> -> memref<100000xf32, #tpu.memory_space<hbm>>
    tpu.wait_indirect_dma semaphore(%arg21 : memref<!tpu.dma_semaphore, #tpu.memory_space<semaphore_mem>>) src(%dma_wait3A_117 : memref<100000xf32, #tpu.memory_space<hbm>>) dst(%dma_wait3A_112 : memref<100xf32, #tpu.memory_space<vmem>>)
    %broadcast_in_dim3A_118 = arith.constant 0.000000e+00 : f32
    %broadcast_in_dim3A_119 = vector.broadcast %broadcast_in_dim3A_118 : f32 to vector<16xf32>
    %scan3A_120 = arith.constant 0 : i32
    %scan3A_121 = arith.constant 100 : i32
    %scan3A_122 = arith.addi %scan3A_120, %scan3A_121 : i32
    %scan3A_123 = arith.constant 2 : i32
    %scan3A_124:16 = scf.for %scan3A_259 = %scan3A_120 to %scan3A_122 step %scan3A_123 iter_args(%scan3A_260 = %broadcast_in_dim3A_119, %scan3A_261 = %broadcast_in_dim3A_119, %scan3A_262 = %broadcast_in_dim3A_119, %scan3A_263 = %broadcast_in_dim3A_119, %scan3A_264 = %broadcast_in_dim3A_119, %scan3A_265 = %broadcast_in_dim3A_119, %scan3A_266 = %broadcast_in_dim3A_119, %scan3A_267 = %broadcast_in_dim3A_119, %scan3A_268 = %broadcast_in_dim3A_119, %scan3A_269 = %broadcast_in_dim3A_119, %scan3A_270 = %broadcast_in_dim3A_119, %scan3A_271 = %broadcast_in_dim3A_119, %scan3A_272 = %broadcast_in_dim3A_119, %scan3A_273 = %broadcast_in_dim3A_119, %scan3A_274 = %broadcast_in_dim3A_119, %scan3A_275 = %broadcast_in_dim3A_119) -> (vector<16xf32>, vector<16xf32>, vector<16xf32>, vector<16xf32>, vector<16xf32>, vector<16xf32>, vector<16xf32>, vector<16xf32>, vector<16xf32>, vector<16xf32>, vector<16xf32>, vector<16xf32>, vector<16xf32>, vector<16xf32>, vector<16xf32>, vector<16xf32>)  : i32 {
      %get3A_276 = arith.index_cast %scan3A_259 : i32 to index
      %get3A_277 = arith.constant 0 : index
      %get3A_278 = tpu.vector_load %arg8[%get3A_276, %get3A_277] {strides = array<i32>} : memref<100x128xf32, #tpu.memory_space<vmem>>, vector<16xf32>,
      %add3A_279 = arith.addf %scan3A_260, %get3A_278 : vector<16xf32>
      %get3A_280 = arith.index_cast %scan3A_259 : i32 to index
      %get3A_281 = arith.constant 16 : index
      %get3A_282 = tpu.vector_load %arg8[%get3A_280, %get3A_281] {strides = array<i32>} : memref<100x128xf32, #tpu.memory_space<vmem>>, vector<16xf32>,
      %add3A_283 = arith.addf %scan3A_261, %get3A_282 : vector<16xf32>
      %get3A_284 = arith.index_cast %scan3A_259 : i32 to index
      %get3A_285 = arith.constant 32 : index
      %get3A_286 = tpu.vector_load %arg8[%get3A_284, %get3A_285] {strides = array<i32>} : memref<100x128xf32, #tpu.memory_space<vmem>>, vector<16xf32>,
      %add3A_287 = arith.addf %scan3A_262, %get3A_286 : vector<16xf32>
      %get3A_288 = arith.index_cast %scan3A_259 : i32 to index
      %get3A_289 = arith.constant 48 : index
      %get3A_290 = tpu.vector_load %arg8[%get3A_288, %get3A_289] {strides = array<i32>} : memref<100x128xf32, #tpu.memory_space<vmem>>, vector<16xf32>,
      %add3A_291 = arith.addf %scan3A_263, %get3A_290 : vector<16xf32>
      %get3A_292 = arith.index_cast %scan3A_259 : i32 to index
      %get3A_293 = arith.constant 64 : index
      %get3A_294 = tpu.vector_load %arg8[%get3A_292, %get3A_293] {strides = array<i32>} : memref<100x128xf32, #tpu.memory_space<vmem>>, vector<16xf32>,
      %add3A_295 = arith.addf %scan3A_264, %get3A_294 : vector<16xf32>
      %get3A_296 = arith.index_cast %scan3A_259 : i32 to index
      %get3A_297 = arith.constant 80 : index
      %get3A_298 = tpu.vector_load %arg8[%get3A_296, %get3A_297] {strides = array<i32>} : memref<100x128xf32, #tpu.memory_space<vmem>>, vector<16xf32>,
      %add3A_299 = arith.addf %scan3A_265, %get3A_298 : vector<16xf32>
      %get3A_300 = arith.index_cast %scan3A_259 : i32 to index
      %get3A_301 = arith.constant 96 : index
      %get3A_302 = tpu.vector_load %arg8[%get3A_300, %get3A_301] {strides = array<i32>} : memref<100x128xf32, #tpu.memory_space<vmem>>, vector<16xf32>,
      %add3A_303 = arith.addf %scan3A_266, %get3A_302 : vector<16xf32>
      %get3A_304 = arith.index_cast %scan3A_259 : i32 to index
      %get3A_305 = arith.constant 112 : index
      %get3A_306 = tpu.vector_load %arg8[%get3A_304, %get3A_305] {strides = array<i32>} : memref<100x128xf32, #tpu.memory_space<vmem>>, vector<16xf32>,
      %add3A_307 = arith.addf %scan3A_267, %get3A_306 : vector<16xf32>
      %get3A_308 = arith.index_cast %scan3A_259 : i32 to index
      %get3A_309 = arith.constant 0 : index
      %get3A_310 = tpu.vector_load %arg8[%get3A_308, %get3A_309] {strides = array<i32>} : memref<100x128xf32, #tpu.memory_space<vmem>>, vector<16xf32>,
      %mul3A_311 = arith.mulf %get3A_310, %get3A_310 : vector<16xf32>
      %add3A_312 = arith.addf %scan3A_268, %mul3A_311 : vector<16xf32>
      %get3A_313 = arith.index_cast %scan3A_259 : i32 to index
      %get3A_314 = arith.constant 16 : index
      %get3A_315 = tpu.vector_load %arg8[%get3A_313, %get3A_314] {strides = array<i32>} : memref<100x128xf32, #tpu.memory_space<vmem>>, vector<16xf32>,
      %mul3A_316 = arith.mulf %get3A_315, %get3A_315 : vector<16xf32>
      %add3A_317 = arith.addf %scan3A_269, %mul3A_316 : vector<16xf32>
      %get3A_318 = arith.index_cast %scan3A_259 : i32 to index
      %get3A_319 = arith.constant 32 : index
      %get3A_320 = tpu.vector_load %arg8[%get3A_318, %get3A_319] {strides = array<i32>} : memref<100x128xf32, #tpu.memory_space<vmem>>, vector<16xf32>,
      %mul3A_321 = arith.mulf %get3A_320, %get3A_320 : vector<16xf32>
      %add3A_322 = arith.addf %scan3A_270, %mul3A_321 : vector<16xf32>
      %get3A_323 = arith.index_cast %scan3A_259 : i32 to index
      %get3A_324 = arith.constant 48 : index
      %get3A_325 = tpu.vector_load %arg8[%get3A_323, %get3A_324] {strides = array<i32>} : memref<100x128xf32, #tpu.memory_space<vmem>>, vector<16xf32>,
      %mul3A_326 = arith.mulf %get3A_325, %get3A_325 : vector<16xf32>
      %add3A_327 = arith.addf %scan3A_271, %mul3A_326 : vector<16xf32>
      %get3A_328 = arith.index_cast %scan3A_259 : i32 to index
      %get3A_329 = arith.constant 64 : index
      %get3A_330 = tpu.vector_load %arg8[%get3A_328, %get3A_329] {strides = array<i32>} : memref<100x128xf32, #tpu.memory_space<vmem>>, vector<16xf32>,
      %mul3A_331 = arith.mulf %get3A_330, %get3A_330 : vector<16xf32>
      %add3A_332 = arith.addf %scan3A_272, %mul3A_331 : vector<16xf32>
      %get3A_333 = arith.index_cast %scan3A_259 : i32 to index
      %get3A_334 = arith.constant 80 : index
      %get3A_335 = tpu.vector_load %arg8[%get3A_333, %get3A_334] {strides = array<i32>} : memref<100x128xf32, #tpu.memory_space<vmem>>, vector<16xf32>,
      %mul3A_336 = arith.mulf %get3A_335, %get3A_335 : vector<16xf32>
      %add3A_337 = arith.addf %scan3A_273, %mul3A_336 : vector<16xf32>
      %get3A_338 = arith.index_cast %scan3A_259 : i32 to index
      %get3A_339 = arith.constant 96 : index
      %get3A_340 = tpu.vector_load %arg8[%get3A_338, %get3A_339] {strides = array<i32>} : memref<100x128xf32, #tpu.memory_space<vmem>>, vector<16xf32>,
      %mul3A_341 = arith.mulf %get3A_340, %get3A_340 : vector<16xf32>
      %add3A_342 = arith.addf %scan3A_274, %mul3A_341 : vector<16xf32>
      %get3A_343 = arith.index_cast %scan3A_259 : i32 to index
      %get3A_344 = arith.constant 112 : index
      %get3A_345 = tpu.vector_load %arg8[%get3A_343, %get3A_344] {strides = array<i32>} : memref<100x128xf32, #tpu.memory_space<vmem>>, vector<16xf32>,
      %mul3A_346 = arith.mulf %get3A_345, %get3A_345 : vector<16xf32>
      %add3A_347 = arith.addf %scan3A_275, %mul3A_346 : vector<16xf32>
      %scan3A_348 = arith.constant 1 : i32
      %scan3A_349 = arith.addi %scan3A_259, %scan3A_348 : i32
      %get3A_350 = arith.index_cast %scan3A_349 : i32 to index
      %get3A_351 = arith.constant 0 : index
      %get3A_352 = tpu.vector_load %arg8[%get3A_350, %get3A_351] {strides = array<i32>} : memref<100x128xf32, #tpu.memory_space<vmem>>, vector<16xf32>,
      %add3A_353 = arith.addf %add3A_279, %get3A_352 : vector<16xf32>
      %get3A_354 = arith.index_cast %scan3A_349 : i32 to index
      %get3A_355 = arith.constant 16 : index
      %get3A_356 = tpu.vector_load %arg8[%get3A_354, %get3A_355] {strides = array<i32>} : memref<100x128xf32, #tpu.memory_space<vmem>>, vector<16xf32>,
      %add3A_357 = arith.addf %add3A_283, %get3A_356 : vector<16xf32>
      %get3A_358 = arith.index_cast %scan3A_349 : i32 to index
      %get3A_359 = arith.constant 32 : index
      %get3A_360 = tpu.vector_load %arg8[%get3A_358, %get3A_359] {strides = array<i32>} : memref<100x128xf32, #tpu.memory_space<vmem>>, vector<16xf32>,
      %add3A_361 = arith.addf %add3A_287, %get3A_360 : vector<16xf32>
      %get3A_362 = arith.index_cast %scan3A_349 : i32 to index
      %get3A_363 = arith.constant 48 : index
      %get3A_364 = tpu.vector_load %arg8[%get3A_362, %get3A_363] {strides = array<i32>} : memref<100x128xf32, #tpu.memory_space<vmem>>, vector<16xf32>,
      %add3A_365 = arith.addf %add3A_291, %get3A_364 : vector<16xf32>
      %get3A_366 = arith.index_cast %scan3A_349 : i32 to index
      %get3A_367 = arith.constant 64 : index
      %get3A_368 = tpu.vector_load %arg8[%get3A_366, %get3A_367] {strides = array<i32>} : memref<100x128xf32, #tpu.memory_space<vmem>>, vector<16xf32>,
      %add3A_369 = arith.addf %add3A_295, %get3A_368 : vector<16xf32>
      %get3A_370 = arith.index_cast %scan3A_349 : i32 to index
      %get3A_371 = arith.constant 80 : index
      %get3A_372 = tpu.vector_load %arg8[%get3A_370, %get3A_371] {strides = array<i32>} : memref<100x128xf32, #tpu.memory_space<vmem>>, vector<16xf32>,
      %add3A_373 = arith.addf %add3A_299, %get3A_372 : vector<16xf32>
      %get3A_374 = arith.index_cast %scan3A_349 : i32 to index
      %get3A_375 = arith.constant 96 : index
      %get3A_376 = tpu.vector_load %arg8[%get3A_374, %get3A_375] {strides = array<i32>} : memref<100x128xf32, #tpu.memory_space<vmem>>, vector<16xf32>,
      %add3A_377 = arith.addf %add3A_303, %get3A_376 : vector<16xf32>
      %get3A_378 = arith.index_cast %scan3A_349 : i32 to index
      %get3A_379 = arith.constant 112 : index
      %get3A_380 = tpu.vector_load %arg8[%get3A_378, %get3A_379] {strides = array<i32>} : memref<100x128xf32, #tpu.memory_space<vmem>>, vector<16xf32>,
      %add3A_381 = arith.addf %add3A_307, %get3A_380 : vector<16xf32>
      %get3A_382 = arith.index_cast %scan3A_349 : i32 to index
      %get3A_383 = arith.constant 0 : index
      %get3A_384 = tpu.vector_load %arg8[%get3A_382, %get3A_383] {strides = array<i32>} : memref<100x128xf32, #tpu.memory_space<vmem>>, vector<16xf32>,
      %mul3A_385 = arith.mulf %get3A_384, %get3A_384 : vector<16xf32>
      %add3A_386 = arith.addf %add3A_312, %mul3A_385 : vector<16xf32>
      %get3A_387 = arith.index_cast %scan3A_349 : i32 to index
      %get3A_388 = arith.constant 16 : index
      %get3A_389 = tpu.vector_load %arg8[%get3A_387, %get3A_388] {strides = array<i32>} : memref<100x128xf32, #tpu.memory_space<vmem>>, vector<16xf32>,
      %mul3A_390 = arith.mulf %get3A_389, %get3A_389 : vector<16xf32>
      %add3A_391 = arith.addf %add3A_317, %mul3A_390 : vector<16xf32>
      %get3A_392 = arith.index_cast %scan3A_349 : i32 to index
      %get3A_393 = arith.constant 32 : index
      %get3A_394 = tpu.vector_load %arg8[%get3A_392, %get3A_393] {strides = array<i32>} : memref<100x128xf32, #tpu.memory_space<vmem>>, vector<16xf32>,
      %mul3A_395 = arith.mulf %get3A_394, %get3A_394 : vector<16xf32>
      %add3A_396 = arith.addf %add3A_322, %mul3A_395 : vector<16xf32>
      %get3A_397 = arith.index_cast %scan3A_349 : i32 to index
      %get3A_398 = arith.constant 48 : index
      %get3A_399 = tpu.vector_load %arg8[%get3A_397, %get3A_398] {strides = array<i32>} : memref<100x128xf32, #tpu.memory_space<vmem>>, vector<16xf32>,
      %mul3A_400 = arith.mulf %get3A_399, %get3A_399 : vector<16xf32>
      %add3A_401 = arith.addf %add3A_327, %mul3A_400 : vector<16xf32>
      %get3A_402 = arith.index_cast %scan3A_349 : i32 to index
      %get3A_403 = arith.constant 64 : index
      %get3A_404 = tpu.vector_load %arg8[%get3A_402, %get3A_403] {strides = array<i32>} : memref<100x128xf32, #tpu.memory_space<vmem>>, vector<16xf32>,
      %mul3A_405 = arith.mulf %get3A_404, %get3A_404 : vector<16xf32>
      %add3A_406 = arith.addf %add3A_332, %mul3A_405 : vector<16xf32>
      %get3A_407 = arith.index_cast %scan3A_349 : i32 to index
      %get3A_408 = arith.constant 80 : index
      %get3A_409 = tpu.vector_load %arg8[%get3A_407, %get3A_408] {strides = array<i32>} : memref<100x128xf32, #tpu.memory_space<vmem>>, vector<16xf32>,
      %mul3A_410 = arith.mulf %get3A_409, %get3A_409 : vector<16xf32>
      %add3A_411 = arith.addf %add3A_337, %mul3A_410 : vector<16xf32>
      %get3A_412 = arith.index_cast %scan3A_349 : i32 to index
      %get3A_413 = arith.constant 96 : index
      %get3A_414 = tpu.vector_load %arg8[%get3A_412, %get3A_413] {strides = array<i32>} : memref<100x128xf32, #tpu.memory_space<vmem>>, vector<16xf32>,
      %mul3A_415 = arith.mulf %get3A_414, %get3A_414 : vector<16xf32>
      %add3A_416 = arith.addf %add3A_342, %mul3A_415 : vector<16xf32>
      %get3A_417 = arith.index_cast %scan3A_349 : i32 to index
      %get3A_418 = arith.constant 112 : index
      %get3A_419 = tpu.vector_load %arg8[%get3A_417, %get3A_418] {strides = array<i32>} : memref<100x128xf32, #tpu.memory_space<vmem>>, vector<16xf32>,
      %mul3A_420 = arith.mulf %get3A_419, %get3A_419 : vector<16xf32>
      %add3A_421 = arith.addf %add3A_347, %mul3A_420 : vector<16xf32>
      scf.yield %add3A_353, %add3A_357, %add3A_361, %add3A_365, %add3A_369, %add3A_373, %add3A_377, %add3A_381, %add3A_386, %add3A_391, %add3A_396, %add3A_401, %add3A_406, %add3A_411, %add3A_416, %add3A_421 : vector<16xf32>, vector<16xf32>, vector<16xf32>, vector<16xf32>, vector<16xf32>, vector<16xf32>, vector<16xf32>, vector<16xf32>, vector<16xf32>, vector<16xf32>, vector<16xf32>, vector<16xf32>, vector<16xf32>, vector<16xf32>, vector<16xf32>, vector<16xf32>
    }
    %scan3A_125 = arith.constant 100 : i32
    %mul3A_126 = arith.mulf %scan3A_124#0, %scan3A_124#0 : vector<16xf32>
    %sub3A = arith.subf %mul3A_126, %scan3A_124#8 : vector<16xf32>
    %mul3A_127 = arith.mulf %scan3A_124#1, %scan3A_124#1 : vector<16xf32>
    %sub3A_128 = arith.subf %mul3A_127, %scan3A_124#9 : vector<16xf32>
    %add3A_129 = arith.addf %sub3A, %sub3A_128 : vector<16xf32>
    %mul3A_130 = arith.mulf %scan3A_124#2, %scan3A_124#2 : vector<16xf32>
    %sub3A_131 = arith.subf %mul3A_130, %scan3A_124#10 : vector<16xf32>
    %add3A_132 = arith.addf %add3A_129, %sub3A_131 : vector<16xf32>
    %mul3A_133 = arith.mulf %scan3A_124#3, %scan3A_124#3 : vector<16xf32>
    %sub3A_134 = arith.subf %mul3A_133, %scan3A_124#11 : vector<16xf32>
    %add3A_135 = arith.addf %add3A_132, %sub3A_134 : vector<16xf32>
    %mul3A_136 = arith.mulf %scan3A_124#4, %scan3A_124#4 : vector<16xf32>
    %sub3A_137 = arith.subf %mul3A_136, %scan3A_124#12 : vector<16xf32>
    %add3A_138 = arith.addf %add3A_135, %sub3A_137 : vector<16xf32>
    %mul3A_139 = arith.mulf %scan3A_124#5, %scan3A_124#5 : vector<16xf32>
    %sub3A_140 = arith.subf %mul3A_139, %scan3A_124#13 : vector<16xf32>
    %add3A_141 = arith.addf %add3A_138, %sub3A_140 : vector<16xf32>
    %mul3A_142 = arith.mulf %scan3A_124#6, %scan3A_124#6 : vector<16xf32>
    %sub3A_143 = arith.subf %mul3A_142, %scan3A_124#14 : vector<16xf32>
    %add3A_144 = arith.addf %add3A_141, %sub3A_143 : vector<16xf32>
    %mul3A_145 = arith.mulf %scan3A_124#7, %scan3A_124#7 : vector<16xf32>
    %sub3A_146 = arith.subf %mul3A_145, %scan3A_124#15 : vector<16xf32>
    %add3A_147 = arith.addf %add3A_144, %sub3A_146 : vector<16xf32>
    %get3A_148 = arith.constant 0 : index
    %get3A_149 = tpu.vector_load %arg13[%get3A_148] {strides = array<i32>} : memref<112xf32, #tpu.memory_space<vmem>>, vector<16xf32>,
    %get3A_150 = arith.constant 16 : index
    %get3A_151 = tpu.vector_load %arg13[%get3A_150] {strides = array<i32>} : memref<112xf32, #tpu.memory_space<vmem>>, vector<16xf32>,
    %add3A_152 = arith.addf %get3A_149, %get3A_151 : vector<16xf32>
    %get3A_153 = arith.constant 32 : index
    %get3A_154 = tpu.vector_load %arg13[%get3A_153] {strides = array<i32>} : memref<112xf32, #tpu.memory_space<vmem>>, vector<16xf32>,
    %add3A_155 = arith.addf %add3A_152, %get3A_154 : vector<16xf32>
    %get3A_156 = arith.constant 48 : index
    %get3A_157 = tpu.vector_load %arg13[%get3A_156] {strides = array<i32>} : memref<112xf32, #tpu.memory_space<vmem>>, vector<16xf32>,
    %add3A_158 = arith.addf %add3A_155, %get3A_157 : vector<16xf32>
    %get3A_159 = arith.constant 64 : index
    %get3A_160 = tpu.vector_load %arg13[%get3A_159] {strides = array<i32>} : memref<112xf32, #tpu.memory_space<vmem>>, vector<16xf32>,
    %add3A_161 = arith.addf %add3A_158, %get3A_160 : vector<16xf32>
    %get3A_162 = arith.constant 80 : index
    %get3A_163 = tpu.vector_load %arg13[%get3A_162] {strides = array<i32>} : memref<112xf32, #tpu.memory_space<vmem>>, vector<16xf32>,
    %add3A_164 = arith.addf %add3A_161, %get3A_163 : vector<16xf32>
    %get3A_165 = arith.constant 96 : index
    %get3A_166 = tpu.vector_load %arg13[%get3A_165] {strides = array<i32>} : memref<112xf32, #tpu.memory_space<vmem>>, vector<16xf32>,
    %add3A_167 = arith.addf %add3A_164, %get3A_166 : vector<16xf32>
    %mul3A_168 = arith.constant 5.000000e-01 : f32
    %mul3A_169 = vector.broadcast %mul3A_168 : f32 to vector<16xf32>
    %mul3A_170 = arith.mulf %add3A_147, %mul3A_169 : vector<16xf32>
    %add3A_171 = arith.addf %mul3A_170, %add3A_167 : vector<16xf32>
    %swap3A_172 = arith.constant 510 : i32
    %swap3A_173 = arith.index_cast %swap3A_172 : i32 to index
    %swap3A_174 = arith.constant 0 : index
    %swap3A_175 = tpu.vector_load %arg18[%swap3A_173, %swap3A_174] {strides = array<i32>} : memref<512x16xf32, #tpu.memory_space<vmem>>, vector<16xf32>,
    tpu.vector_store %arg18[%swap3A_173, %swap3A_174], %add3A_171 {strides = array<i32>} : memref<512x16xf32, #tpu.memory_space<vmem>>, vector<16xf32>,
    %dma_wait3A_176 = arith.constant 511 : i32
    %dma_wait3A_177 = arith.constant 0 : i32
    %dma_wait3A_178 = tpu.memref_slice %arg7[%dma_wait3A_176, %dma_wait3A_177] : memref<512x100xi32, #tpu.memory_space<vmem>> -> memref<1x100xi32, #tpu.memory_space<vmem>>
    %dma_wait3A_179 = tpu.memref_squeeze %dma_wait3A_178 : memref<1x100xi32, #tpu.memory_space<vmem>> -> memref<100xi32, #tpu.memory_space<vmem>>
    %dma_wait3A_180 = arith.constant 0 : i32
    %dma_wait3A_181 = arith.constant 0 : i32
    %dma_wait3A_182 = tpu.memref_slice %arg3[%dma_wait3A_180, %dma_wait3A_181] : memref<100000x128xf32, #tpu.memory_space<hbm>> -> memref<100000x128xf32, #tpu.memory_space<hbm>>
    tpu.wait_indirect_dma semaphore(%arg22 : memref<!tpu.dma_semaphore, #tpu.memory_space<semaphore_mem>>) src(%dma_wait3A_182 : memref<100000x128xf32, #tpu.memory_space<hbm>>) dst(%arg9 : memref<100x128xf32, #tpu.memory_space<vmem>>)
    %dma_wait3A_183 = arith.constant 511 : i32
    %dma_wait3A_184 = arith.constant 0 : i32
    %dma_wait3A_185 = tpu.memref_slice %arg14[%dma_wait3A_184] : memref<112xf32, #tpu.memory_space<vmem>> -> memref<100xf32, #tpu.memory_space<vmem>>
    %dma_wait3A_186 = arith.constant 0 : i32
    %dma_wait3A_187 = tpu.memref_slice %arg7[%dma_wait3A_183, %dma_wait3A_186] : memref<512x100xi32, #tpu.memory_space<vmem>> -> memref<1x100xi32, #tpu.memory_space<vmem>>
    %dma_wait3A_188 = tpu.memref_squeeze %dma_wait3A_187 : memref<1x100xi32, #tpu.memory_space<vmem>> -> memref<100xi32, #tpu.memory_space<vmem>>
    %dma_wait3A_189 = arith.constant 0 : i32
    %dma_wait3A_190 = tpu.memref_slice %arg4[%dma_wait3A_189] : memref<100000xf32, #tpu.memory_space<hbm>> -> memref<100000xf32, #tpu.memory_space<hbm>>
    tpu.wait_indirect_dma semaphore(%arg22 : memref<!tpu.dma_semaphore, #tpu.memory_space<semaphore_mem>>) src(%dma_wait3A_190 : memref<100000xf32, #tpu.memory_space<hbm>>) dst(%dma_wait3A_185 : memref<100xf32, #tpu.memory_space<vmem>>)
    %broadcast_in_dim3A_191 = arith.constant 0.000000e+00 : f32
    %broadcast_in_dim3A_192 = vector.broadcast %broadcast_in_dim3A_191 : f32 to vector<16xf32>
    %scan3A_193 = arith.constant 0 : i32
    %scan3A_194 = arith.constant 100 : i32
    %scan3A_195 = arith.addi %scan3A_193, %scan3A_194 : i32
    %scan3A_196 = arith.constant 2 : i32
    %scan3A_197:16 = scf.for %scan3A_259 = %scan3A_193 to %scan3A_195 step %scan3A_196 iter_args(%scan3A_260 = %broadcast_in_dim3A_192, %scan3A_261 = %broadcast_in_dim3A_192, %scan3A_262 = %broadcast_in_dim3A_192, %scan3A_263 = %broadcast_in_dim3A_192, %scan3A_264 = %broadcast_in_dim3A_192, %scan3A_265 = %broadcast_in_dim3A_192, %scan3A_266 = %broadcast_in_dim3A_192, %scan3A_267 = %broadcast_in_dim3A_192, %scan3A_268 = %broadcast_in_dim3A_192, %scan3A_269 = %broadcast_in_dim3A_192, %scan3A_270 = %broadcast_in_dim3A_192, %scan3A_271 = %broadcast_in_dim3A_192, %scan3A_272 = %broadcast_in_dim3A_192, %scan3A_273 = %broadcast_in_dim3A_192, %scan3A_274 = %broadcast_in_dim3A_192, %scan3A_275 = %broadcast_in_dim3A_192) -> (vector<16xf32>, vector<16xf32>, vector<16xf32>, vector<16xf32>, vector<16xf32>, vector<16xf32>, vector<16xf32>, vector<16xf32>, vector<16xf32>, vector<16xf32>, vector<16xf32>, vector<16xf32>, vector<16xf32>, vector<16xf32>, vector<16xf32>, vector<16xf32>)  : i32 {
      %get3A_276 = arith.index_cast %scan3A_259 : i32 to index
      %get3A_277 = arith.constant 0 : index
      %get3A_278 = tpu.vector_load %arg9[%get3A_276, %get3A_277] {strides = array<i32>} : memref<100x128xf32, #tpu.memory_space<vmem>>, vector<16xf32>,
      %add3A_279 = arith.addf %scan3A_260, %get3A_278 : vector<16xf32>
      %get3A_280 = arith.index_cast %scan3A_259 : i32 to index
      %get3A_281 = arith.constant 16 : index
      %get3A_282 = tpu.vector_load %arg9[%get3A_280, %get3A_281] {strides = array<i32>} : memref<100x128xf32, #tpu.memory_space<vmem>>, vector<16xf32>,
      %add3A_283 = arith.addf %scan3A_261, %get3A_282 : vector<16xf32>
      %get3A_284 = arith.index_cast %scan3A_259 : i32 to index
      %get3A_285 = arith.constant 32 : index
      %get3A_286 = tpu.vector_load %arg9[%get3A_284, %get3A_285] {strides = array<i32>} : memref<100x128xf32, #tpu.memory_space<vmem>>, vector<16xf32>,
      %add3A_287 = arith.addf %scan3A_262, %get3A_286 : vector<16xf32>
      %get3A_288 = arith.index_cast %scan3A_259 : i32 to index
      %get3A_289 = arith.constant 48 : index
      %get3A_290 = tpu.vector_load %arg9[%get3A_288, %get3A_289] {strides = array<i32>} : memref<100x128xf32, #tpu.memory_space<vmem>>, vector<16xf32>,
      %add3A_291 = arith.addf %scan3A_263, %get3A_290 : vector<16xf32>
      %get3A_292 = arith.index_cast %scan3A_259 : i32 to index
      %get3A_293 = arith.constant 64 : index
      %get3A_294 = tpu.vector_load %arg9[%get3A_292, %get3A_293] {strides = array<i32>} : memref<100x128xf32, #tpu.memory_space<vmem>>, vector<16xf32>,
      %add3A_295 = arith.addf %scan3A_264, %get3A_294 : vector<16xf32>
      %get3A_296 = arith.index_cast %scan3A_259 : i32 to index
      %get3A_297 = arith.constant 80 : index
      %get3A_298 = tpu.vector_load %arg9[%get3A_296, %get3A_297] {strides = array<i32>} : memref<100x128xf32, #tpu.memory_space<vmem>>, vector<16xf32>,
      %add3A_299 = arith.addf %scan3A_265, %get3A_298 : vector<16xf32>
      %get3A_300 = arith.index_cast %scan3A_259 : i32 to index
      %get3A_301 = arith.constant 96 : index
      %get3A_302 = tpu.vector_load %arg9[%get3A_300, %get3A_301] {strides = array<i32>} : memref<100x128xf32, #tpu.memory_space<vmem>>, vector<16xf32>,
      %add3A_303 = arith.addf %scan3A_266, %get3A_302 : vector<16xf32>
      %get3A_304 = arith.index_cast %scan3A_259 : i32 to index
      %get3A_305 = arith.constant 112 : index
      %get3A_306 = tpu.vector_load %arg9[%get3A_304, %get3A_305] {strides = array<i32>} : memref<100x128xf32, #tpu.memory_space<vmem>>, vector<16xf32>,
      %add3A_307 = arith.addf %scan3A_267, %get3A_306 : vector<16xf32>
      %get3A_308 = arith.index_cast %scan3A_259 : i32 to index
      %get3A_309 = arith.constant 0 : index
      %get3A_310 = tpu.vector_load %arg9[%get3A_308, %get3A_309] {strides = array<i32>} : memref<100x128xf32, #tpu.memory_space<vmem>>, vector<16xf32>,
      %mul3A_311 = arith.mulf %get3A_310, %get3A_310 : vector<16xf32>
      %add3A_312 = arith.addf %scan3A_268, %mul3A_311 : vector<16xf32>
      %get3A_313 = arith.index_cast %scan3A_259 : i32 to index
      %get3A_314 = arith.constant 16 : index
      %get3A_315 = tpu.vector_load %arg9[%get3A_313, %get3A_314] {strides = array<i32>} : memref<100x128xf32, #tpu.memory_space<vmem>>, vector<16xf32>,
      %mul3A_316 = arith.mulf %get3A_315, %get3A_315 : vector<16xf32>
      %add3A_317 = arith.addf %scan3A_269, %mul3A_316 : vector<16xf32>
      %get3A_318 = arith.index_cast %scan3A_259 : i32 to index
      %get3A_319 = arith.constant 32 : index
      %get3A_320 = tpu.vector_load %arg9[%get3A_318, %get3A_319] {strides = array<i32>} : memref<100x128xf32, #tpu.memory_space<vmem>>, vector<16xf32>,
      %mul3A_321 = arith.mulf %get3A_320, %get3A_320 : vector<16xf32>
      %add3A_322 = arith.addf %scan3A_270, %mul3A_321 : vector<16xf32>
      %get3A_323 = arith.index_cast %scan3A_259 : i32 to index
      %get3A_324 = arith.constant 48 : index
      %get3A_325 = tpu.vector_load %arg9[%get3A_323, %get3A_324] {strides = array<i32>} : memref<100x128xf32, #tpu.memory_space<vmem>>, vector<16xf32>,
      %mul3A_326 = arith.mulf %get3A_325, %get3A_325 : vector<16xf32>
      %add3A_327 = arith.addf %scan3A_271, %mul3A_326 : vector<16xf32>
      %get3A_328 = arith.index_cast %scan3A_259 : i32 to index
      %get3A_329 = arith.constant 64 : index
      %get3A_330 = tpu.vector_load %arg9[%get3A_328, %get3A_329] {strides = array<i32>} : memref<100x128xf32, #tpu.memory_space<vmem>>, vector<16xf32>,
      %mul3A_331 = arith.mulf %get3A_330, %get3A_330 : vector<16xf32>
      %add3A_332 = arith.addf %scan3A_272, %mul3A_331 : vector<16xf32>
      %get3A_333 = arith.index_cast %scan3A_259 : i32 to index
      %get3A_334 = arith.constant 80 : index
      %get3A_335 = tpu.vector_load %arg9[%get3A_333, %get3A_334] {strides = array<i32>} : memref<100x128xf32, #tpu.memory_space<vmem>>, vector<16xf32>,
      %mul3A_336 = arith.mulf %get3A_335, %get3A_335 : vector<16xf32>
      %add3A_337 = arith.addf %scan3A_273, %mul3A_336 : vector<16xf32>
      %get3A_338 = arith.index_cast %scan3A_259 : i32 to index
      %get3A_339 = arith.constant 96 : index
      %get3A_340 = tpu.vector_load %arg9[%get3A_338, %get3A_339] {strides = array<i32>} : memref<100x128xf32, #tpu.memory_space<vmem>>, vector<16xf32>,
      %mul3A_341 = arith.mulf %get3A_340, %get3A_340 : vector<16xf32>
      %add3A_342 = arith.addf %scan3A_274, %mul3A_341 : vector<16xf32>
      %get3A_343 = arith.index_cast %scan3A_259 : i32 to index
      %get3A_344 = arith.constant 112 : index
      %get3A_345 = tpu.vector_load %arg9[%get3A_343, %get3A_344] {strides = array<i32>} : memref<100x128xf32, #tpu.memory_space<vmem>>, vector<16xf32>,
      %mul3A_346 = arith.mulf %get3A_345, %get3A_345 : vector<16xf32>
      %add3A_347 = arith.addf %scan3A_275, %mul3A_346 : vector<16xf32>
      %scan3A_348 = arith.constant 1 : i32
      %scan3A_349 = arith.addi %scan3A_259, %scan3A_348 : i32
      %get3A_350 = arith.index_cast %scan3A_349 : i32 to index
      %get3A_351 = arith.constant 0 : index
      %get3A_352 = tpu.vector_load %arg9[%get3A_350, %get3A_351] {strides = array<i32>} : memref<100x128xf32, #tpu.memory_space<vmem>>, vector<16xf32>,
      %add3A_353 = arith.addf %add3A_279, %get3A_352 : vector<16xf32>
      %get3A_354 = arith.index_cast %scan3A_349 : i32 to index
      %get3A_355 = arith.constant 16 : index
      %get3A_356 = tpu.vector_load %arg9[%get3A_354, %get3A_355] {strides = array<i32>} : memref<100x128xf32, #tpu.memory_space<vmem>>, vector<16xf32>,
      %add3A_357 = arith.addf %add3A_283, %get3A_356 : vector<16xf32>
      %get3A_358 = arith.index_cast %scan3A_349 : i32 to index
      %get3A_359 = arith.constant 32 : index
      %get3A_360 = tpu.vector_load %arg9[%get3A_358, %get3A_359] {strides = array<i32>} : memref<100x128xf32, #tpu.memory_space<vmem>>, vector<16xf32>,
      %add3A_361 = arith.addf %add3A_287, %get3A_360 : vector<16xf32>
      %get3A_362 = arith.index_cast %scan3A_349 : i32 to index
      %get3A_363 = arith.constant 48 : index
      %get3A_364 = tpu.vector_load %arg9[%get3A_362, %get3A_363] {strides = array<i32>} : memref<100x128xf32, #tpu.memory_space<vmem>>, vector<16xf32>,
      %add3A_365 = arith.addf %add3A_291, %get3A_364 : vector<16xf32>
      %get3A_366 = arith.index_cast %scan3A_349 : i32 to index
      %get3A_367 = arith.constant 64 : index
      %get3A_368 = tpu.vector_load %arg9[%get3A_366, %get3A_367] {strides = array<i32>} : memref<100x128xf32, #tpu.memory_space<vmem>>, vector<16xf32>,
      %add3A_369 = arith.addf %add3A_295, %get3A_368 : vector<16xf32>
      %get3A_370 = arith.index_cast %scan3A_349 : i32 to index
      %get3A_371 = arith.constant 80 : index
      %get3A_372 = tpu.vector_load %arg9[%get3A_370, %get3A_371] {strides = array<i32>} : memref<100x128xf32, #tpu.memory_space<vmem>>, vector<16xf32>,
      %add3A_373 = arith.addf %add3A_299, %get3A_372 : vector<16xf32>
      %get3A_374 = arith.index_cast %scan3A_349 : i32 to index
      %get3A_375 = arith.constant 96 : index
      %get3A_376 = tpu.vector_load %arg9[%get3A_374, %get3A_375] {strides = array<i32>} : memref<100x128xf32, #tpu.memory_space<vmem>>, vector<16xf32>,
      %add3A_377 = arith.addf %add3A_303, %get3A_376 : vector<16xf32>
      %get3A_378 = arith.index_cast %scan3A_349 : i32 to index
      %get3A_379 = arith.constant 112 : index
      %get3A_380 = tpu.vector_load %arg9[%get3A_378, %get3A_379] {strides = array<i32>} : memref<100x128xf32, #tpu.memory_space<vmem>>, vector<16xf32>,
      %add3A_381 = arith.addf %add3A_307, %get3A_380 : vector<16xf32>
      %get3A_382 = arith.index_cast %scan3A_349 : i32 to index
      %get3A_383 = arith.constant 0 : index
      %get3A_384 = tpu.vector_load %arg9[%get3A_382, %get3A_383] {strides = array<i32>} : memref<100x128xf32, #tpu.memory_space<vmem>>, vector<16xf32>,
      %mul3A_385 = arith.mulf %get3A_384, %get3A_384 : vector<16xf32>
      %add3A_386 = arith.addf %add3A_312, %mul3A_385 : vector<16xf32>
      %get3A_387 = arith.index_cast %scan3A_349 : i32 to index
      %get3A_388 = arith.constant 16 : index
      %get3A_389 = tpu.vector_load %arg9[%get3A_387, %get3A_388] {strides = array<i32>} : memref<100x128xf32, #tpu.memory_space<vmem>>, vector<16xf32>,
      %mul3A_390 = arith.mulf %get3A_389, %get3A_389 : vector<16xf32>
      %add3A_391 = arith.addf %add3A_317, %mul3A_390 : vector<16xf32>
      %get3A_392 = arith.index_cast %scan3A_349 : i32 to index
      %get3A_393 = arith.constant 32 : index
      %get3A_394 = tpu.vector_load %arg9[%get3A_392, %get3A_393] {strides = array<i32>} : memref<100x128xf32, #tpu.memory_space<vmem>>, vector<16xf32>,
      %mul3A_395 = arith.mulf %get3A_394, %get3A_394 : vector<16xf32>
      %add3A_396 = arith.addf %add3A_322, %mul3A_395 : vector<16xf32>
      %get3A_397 = arith.index_cast %scan3A_349 : i32 to index
      %get3A_398 = arith.constant 48 : index
      %get3A_399 = tpu.vector_load %arg9[%get3A_397, %get3A_398] {strides = array<i32>} : memref<100x128xf32, #tpu.memory_space<vmem>>, vector<16xf32>,
      %mul3A_400 = arith.mulf %get3A_399, %get3A_399 : vector<16xf32>
      %add3A_401 = arith.addf %add3A_327, %mul3A_400 : vector<16xf32>
      %get3A_402 = arith.index_cast %scan3A_349 : i32 to index
      %get3A_403 = arith.constant 64 : index
      %get3A_404 = tpu.vector_load %arg9[%get3A_402, %get3A_403] {strides = array<i32>} : memref<100x128xf32, #tpu.memory_space<vmem>>, vector<16xf32>,
      %mul3A_405 = arith.mulf %get3A_404, %get3A_404 : vector<16xf32>
      %add3A_406 = arith.addf %add3A_332, %mul3A_405 : vector<16xf32>
      %get3A_407 = arith.index_cast %scan3A_349 : i32 to index
      %get3A_408 = arith.constant 80 : index
      %get3A_409 = tpu.vector_load %arg9[%get3A_407, %get3A_408] {strides = array<i32>} : memref<100x128xf32, #tpu.memory_space<vmem>>, vector<16xf32>,
      %mul3A_410 = arith.mulf %get3A_409, %get3A_409 : vector<16xf32>
      %add3A_411 = arith.addf %add3A_337, %mul3A_410 : vector<16xf32>
      %get3A_412 = arith.index_cast %scan3A_349 : i32 to index
      %get3A_413 = arith.constant 96 : index
      %get3A_414 = tpu.vector_load %arg9[%get3A_412, %get3A_413] {strides = array<i32>} : memref<100x128xf32, #tpu.memory_space<vmem>>, vector<16xf32>,
      %mul3A_415 = arith.mulf %get3A_414, %get3A_414 : vector<16xf32>
      %add3A_416 = arith.addf %add3A_342, %mul3A_415 : vector<16xf32>
      %get3A_417 = arith.index_cast %scan3A_349 : i32 to index
      %get3A_418 = arith.constant 112 : index
      %get3A_419 = tpu.vector_load %arg9[%get3A_417, %get3A_418] {strides = array<i32>} : memref<100x128xf32, #tpu.memory_space<vmem>>, vector<16xf32>,
      %mul3A_420 = arith.mulf %get3A_419, %get3A_419 : vector<16xf32>
      %add3A_421 = arith.addf %add3A_347, %mul3A_420 : vector<16xf32>
      scf.yield %add3A_353, %add3A_357, %add3A_361, %add3A_365, %add3A_369, %add3A_373, %add3A_377, %add3A_381, %add3A_386, %add3A_391, %add3A_396, %add3A_401, %add3A_406, %add3A_411, %add3A_416, %add3A_421 : vector<16xf32>, vector<16xf32>, vector<16xf32>, vector<16xf32>, vector<16xf32>, vector<16xf32>, vector<16xf32>, vector<16xf32>, vector<16xf32>, vector<16xf32>, vector<16xf32>, vector<16xf32>, vector<16xf32>, vector<16xf32>, vector<16xf32>, vector<16xf32>
    }
    %scan3A_198 = arith.constant 100 : i32
    %mul3A_199 = arith.mulf %scan3A_197#0, %scan3A_197#0 : vector<16xf32>
    %sub3A_200 = arith.subf %mul3A_199, %scan3A_197#8 : vector<16xf32>
    %mul3A_201 = arith.mulf %scan3A_197#1, %scan3A_197#1 : vector<16xf32>
    %sub3A_202 = arith.subf %mul3A_201, %scan3A_197#9 : vector<16xf32>
    %add3A_203 = arith.addf %sub3A_200, %sub3A_202 : vector<16xf32>
    %mul3A_204 = arith.mulf %scan3A_197#2, %scan3A_197#2 : vector<16xf32>
    %sub3A_205 = arith.subf %mul3A_204, %scan3A_197#10 : vector<16xf32>
    %add3A_206 = arith.addf %add3A_203, %sub3A_205 : vector<16xf32>
    %mul3A_207 = arith.mulf %scan3A_197#3, %scan3A_197#3 : vector<16xf32>
    %sub3A_208 = arith.subf %mul3A_207, %scan3A_197#11 : vector<16xf32>
    %add3A_209 = arith.addf %add3A_206, %sub3A_208 : vector<16xf32>
    %mul3A_210 = arith.mulf %scan3A_197#4, %scan3A_197#4 : vector<16xf32>
    %sub3A_211 = arith.subf %mul3A_210, %scan3A_197#12 : vector<16xf32>
    %add3A_212 = arith.addf %add3A_209, %sub3A_211 : vector<16xf32>
    %mul3A_213 = arith.mulf %scan3A_197#5, %scan3A_197#5 : vector<16xf32>
    %sub3A_214 = arith.subf %mul3A_213, %scan3A_197#13 : vector<16xf32>
    %add3A_215 = arith.addf %add3A_212, %sub3A_214 : vector<16xf32>
    %mul3A_216 = arith.mulf %scan3A_197#6, %scan3A_197#6 : vector<16xf32>
    %sub3A_217 = arith.subf %mul3A_216, %scan3A_197#14 : vector<16xf32>
    %add3A_218 = arith.addf %add3A_215, %sub3A_217 : vector<16xf32>
    %mul3A_219 = arith.mulf %scan3A_197#7, %scan3A_197#7 : vector<16xf32>
    %sub3A_220 = arith.subf %mul3A_219, %scan3A_197#15 : vector<16xf32>
    %add3A_221 = arith.addf %add3A_218, %sub3A_220 : vector<16xf32>
    %get3A_222 = arith.constant 0 : index
    %get3A_223 = tpu.vector_load %arg14[%get3A_222] {strides = array<i32>} : memref<112xf32, #tpu.memory_space<vmem>>, vector<16xf32>,
    %get3A_224 = arith.constant 16 : index
    %get3A_225 = tpu.vector_load %arg14[%get3A_224] {strides = array<i32>} : memref<112xf32, #tpu.memory_space<vmem>>, vector<16xf32>,
    %add3A_226 = arith.addf %get3A_223, %get3A_225 : vector<16xf32>
    %get3A_227 = arith.constant 32 : index
    %get3A_228 = tpu.vector_load %arg14[%get3A_227] {strides = array<i32>} : memref<112xf32, #tpu.memory_space<vmem>>, vector<16xf32>,
    %add3A_229 = arith.addf %add3A_226, %get3A_228 : vector<16xf32>
    %get3A_230 = arith.constant 48 : index
    %get3A_231 = tpu.vector_load %arg14[%get3A_230] {strides = array<i32>} : memref<112xf32, #tpu.memory_space<vmem>>, vector<16xf32>,
    %add3A_232 = arith.addf %add3A_229, %get3A_231 : vector<16xf32>
    %get3A_233 = arith.constant 64 : index
    %get3A_234 = tpu.vector_load %arg14[%get3A_233] {strides = array<i32>} : memref<112xf32, #tpu.memory_space<vmem>>, vector<16xf32>,
    %add3A_235 = arith.addf %add3A_232, %get3A_234 : vector<16xf32>
    %get3A_236 = arith.constant 80 : index
    %get3A_237 = tpu.vector_load %arg14[%get3A_236] {strides = array<i32>} : memref<112xf32, #tpu.memory_space<vmem>>, vector<16xf32>,
    %add3A_238 = arith.addf %add3A_235, %get3A_237 : vector<16xf32>
    %get3A_239 = arith.constant 96 : index
    %get3A_240 = tpu.vector_load %arg14[%get3A_239] {strides = array<i32>} : memref<112xf32, #tpu.memory_space<vmem>>, vector<16xf32>,
    %add3A_241 = arith.addf %add3A_238, %get3A_240 : vector<16xf32>
    %mul3A_242 = arith.constant 5.000000e-01 : f32
    %mul3A_243 = vector.broadcast %mul3A_242 : f32 to vector<16xf32>
    %mul3A_244 = arith.mulf %add3A_221, %mul3A_243 : vector<16xf32>
    %add3A_245 = arith.addf %mul3A_244, %add3A_241 : vector<16xf32>
    %swap3A_246 = arith.constant 511 : i32
    %swap3A_247 = arith.index_cast %swap3A_246 : i32 to index
    %swap3A_248 = arith.constant 0 : index
    %swap3A_249 = tpu.vector_load %arg18[%swap3A_247, %swap3A_248] {strides = array<i32>} : memref<512x16xf32, #tpu.memory_space<vmem>>, vector<16xf32>,
    tpu.vector_store %arg18[%swap3A_247, %swap3A_248], %add3A_245 {strides = array<i32>} : memref<512x16xf32, #tpu.memory_space<vmem>>, vector<16xf32>,
    %iota3A = tpu.iota {dimensions = array<i32: 0>} : vector<16xi32>
    %scan3A_250 = arith.constant 0 : i32
    %scan3A_251 = arith.constant 0 : i32
    %scan3A_252 = arith.constant 32 : i32
    %scan3A_253 = arith.addi %scan3A_251, %scan3A_252 : i32
    %scan3A_254 = arith.constant 1 : i32
    %scan3A_255 = scf.for %scan3A_259 = %scan3A_251 to %scan3A_253 step %scan3A_254 iter_args(%scan3A_260 = %scan3A_250) -> (i32)  : i32 {
      %mul3A_261 = arith.constant 16 : i32
      %mul3A_262 = arith.muli %scan3A_259, %mul3A_261 : i32
      %add3A_263 = vector.broadcast %mul3A_262 : i32 to vector<16xi32>
      %add3A_264 = arith.addi %add3A_263, %iota3A : vector<16xi32>
      %broadcast_in_dim3A_265 = arith.constant 0.000000e+00 : f32
      %broadcast_in_dim3A_266 = vector.broadcast %broadcast_in_dim3A_265 : f32 to vector<16xf32>
      %broadcast_in_dim3A_267 = arith.constant 0 : i32
      %broadcast_in_dim3A_268 = vector.broadcast %broadcast_in_dim3A_267 : i32 to vector<16xi32>
      %gather3A = tpu.vector_load_idx %arg18[%add3A_264, %broadcast_in_dim3A_268] : memref<512x16xf32, #tpu.memory_space<vmem>>[vector<16xi32>, vector<16xi32>], vector<16xf32>,
      %add3A_269 = arith.addf %broadcast_in_dim3A_266, %gather3A : vector<16xf32>
      %broadcast_in_dim3A_270 = arith.constant 1 : i32
      %broadcast_in_dim3A_271 = vector.broadcast %broadcast_in_dim3A_270 : i32 to vector<16xi32>
      %gather3A_272 = tpu.vector_load_idx %arg18[%add3A_264, %broadcast_in_dim3A_271] : memref<512x16xf32, #tpu.memory_space<vmem>>[vector<16xi32>, vector<16xi32>], vector<16xf32>,
      %add3A_273 = arith.addf %add3A_269, %gather3A_272 : vector<16xf32>
      %broadcast_in_dim3A_274 = arith.constant 2 : i32
      %broadcast_in_dim3A_275 = vector.broadcast %broadcast_in_dim3A_274 : i32 to vector<16xi32>
      %gather3A_276 = tpu.vector_load_idx %arg18[%add3A_264, %broadcast_in_dim3A_275] : memref<512x16xf32, #tpu.memory_space<vmem>>[vector<16xi32>, vector<16xi32>], vector<16xf32>,
      %add3A_277 = arith.addf %add3A_273, %gather3A_276 : vector<16xf32>
      %broadcast_in_dim3A_278 = arith.constant 3 : i32
      %broadcast_in_dim3A_279 = vector.broadcast %broadcast_in_dim3A_278 : i32 to vector<16xi32>
      %gather3A_280 = tpu.vector_load_idx %arg18[%add3A_264, %broadcast_in_dim3A_279] : memref<512x16xf32, #tpu.memory_space<vmem>>[vector<16xi32>, vector<16xi32>], vector<16xf32>,
      %add3A_281 = arith.addf %add3A_277, %gather3A_280 : vector<16xf32>
      %broadcast_in_dim3A_282 = arith.constant 4 : i32
      %broadcast_in_dim3A_283 = vector.broadcast %broadcast_in_dim3A_282 : i32 to vector<16xi32>
      %gather3A_284 = tpu.vector_load_idx %arg18[%add3A_264, %broadcast_in_dim3A_283] : memref<512x16xf32, #tpu.memory_space<vmem>>[vector<16xi32>, vector<16xi32>], vector<16xf32>,
      %add3A_285 = arith.addf %add3A_281, %gather3A_284 : vector<16xf32>
      %broadcast_in_dim3A_286 = arith.constant 5 : i32
      %broadcast_in_dim3A_287 = vector.broadcast %broadcast_in_dim3A_286 : i32 to vector<16xi32>
      %gather3A_288 = tpu.vector_load_idx %arg18[%add3A_264, %broadcast_in_dim3A_287] : memref<512x16xf32, #tpu.memory_space<vmem>>[vector<16xi32>, vector<16xi32>], vector<16xf32>,
      %add3A_289 = arith.addf %add3A_285, %gather3A_288 : vector<16xf32>
      %broadcast_in_dim3A_290 = arith.constant 6 : i32
      %broadcast_in_dim3A_291 = vector.broadcast %broadcast_in_dim3A_290 : i32 to vector<16xi32>
      %gather3A_292 = tpu.vector_load_idx %arg18[%add3A_264, %broadcast_in_dim3A_291] : memref<512x16xf32, #tpu.memory_space<vmem>>[vector<16xi32>, vector<16xi32>], vector<16xf32>,
      %add3A_293 = arith.addf %add3A_289, %gather3A_292 : vector<16xf32>
      %broadcast_in_dim3A_294 = arith.constant 7 : i32
      %broadcast_in_dim3A_295 = vector.broadcast %broadcast_in_dim3A_294 : i32 to vector<16xi32>
      %gather3A_296 = tpu.vector_load_idx %arg18[%add3A_264, %broadcast_in_dim3A_295] : memref<512x16xf32, #tpu.memory_space<vmem>>[vector<16xi32>, vector<16xi32>], vector<16xf32>,
      %add3A_297 = arith.addf %add3A_293, %gather3A_296 : vector<16xf32>
      %broadcast_in_dim3A_298 = arith.constant 8 : i32
      %broadcast_in_dim3A_299 = vector.broadcast %broadcast_in_dim3A_298 : i32 to vector<16xi32>
      %gather3A_300 = tpu.vector_load_idx %arg18[%add3A_264, %broadcast_in_dim3A_299] : memref<512x16xf32, #tpu.memory_space<vmem>>[vector<16xi32>, vector<16xi32>], vector<16xf32>,
      %add3A_301 = arith.addf %add3A_297, %gather3A_300 : vector<16xf32>
      %broadcast_in_dim3A_302 = arith.constant 9 : i32
      %broadcast_in_dim3A_303 = vector.broadcast %broadcast_in_dim3A_302 : i32 to vector<16xi32>
      %gather3A_304 = tpu.vector_load_idx %arg18[%add3A_264, %broadcast_in_dim3A_303] : memref<512x16xf32, #tpu.memory_space<vmem>>[vector<16xi32>, vector<16xi32>], vector<16xf32>,
      %add3A_305 = arith.addf %add3A_301, %gather3A_304 : vector<16xf32>
      %broadcast_in_dim3A_306 = arith.constant 10 : i32
      %broadcast_in_dim3A_307 = vector.broadcast %broadcast_in_dim3A_306 : i32 to vector<16xi32>
      %gather3A_308 = tpu.vector_load_idx %arg18[%add3A_264, %broadcast_in_dim3A_307] : memref<512x16xf32, #tpu.memory_space<vmem>>[vector<16xi32>, vector<16xi32>], vector<16xf32>,
      %add3A_309 = arith.addf %add3A_305, %gather3A_308 : vector<16xf32>
      %broadcast_in_dim3A_310 = arith.constant 11 : i32
      %broadcast_in_dim3A_311 = vector.broadcast %broadcast_in_dim3A_310 : i32 to vector<16xi32>
      %gather3A_312 = tpu.vector_load_idx %arg18[%add3A_264, %broadcast_in_dim3A_311] : memref<512x16xf32, #tpu.memory_space<vmem>>[vector<16xi32>, vector<16xi32>], vector<16xf32>,
      %add3A_313 = arith.addf %add3A_309, %gather3A_312 : vector<16xf32>
      %broadcast_in_dim3A_314 = arith.constant 12 : i32
      %broadcast_in_dim3A_315 = vector.broadcast %broadcast_in_dim3A_314 : i32 to vector<16xi32>
      %gather3A_316 = tpu.vector_load_idx %arg18[%add3A_264, %broadcast_in_dim3A_315] : memref<512x16xf32, #tpu.memory_space<vmem>>[vector<16xi32>, vector<16xi32>], vector<16xf32>,
      %add3A_317 = arith.addf %add3A_313, %gather3A_316 : vector<16xf32>
      %broadcast_in_dim3A_318 = arith.constant 13 : i32
      %broadcast_in_dim3A_319 = vector.broadcast %broadcast_in_dim3A_318 : i32 to vector<16xi32>
      %gather3A_320 = tpu.vector_load_idx %arg18[%add3A_264, %broadcast_in_dim3A_319] : memref<512x16xf32, #tpu.memory_space<vmem>>[vector<16xi32>, vector<16xi32>], vector<16xf32>,
      %add3A_321 = arith.addf %add3A_317, %gather3A_320 : vector<16xf32>
      %broadcast_in_dim3A_322 = arith.constant 14 : i32
      %broadcast_in_dim3A_323 = vector.broadcast %broadcast_in_dim3A_322 : i32 to vector<16xi32>
      %gather3A_324 = tpu.vector_load_idx %arg18[%add3A_264, %broadcast_in_dim3A_323] : memref<512x16xf32, #tpu.memory_space<vmem>>[vector<16xi32>, vector<16xi32>], vector<16xf32>,
      %add3A_325 = arith.addf %add3A_321, %gather3A_324 : vector<16xf32>
      %broadcast_in_dim3A_326 = arith.constant 15 : i32
      %broadcast_in_dim3A_327 = vector.broadcast %broadcast_in_dim3A_326 : i32 to vector<16xi32>
      %gather3A_328 = tpu.vector_load_idx %arg18[%add3A_264, %broadcast_in_dim3A_327] : memref<512x16xf32, #tpu.memory_space<vmem>>[vector<16xi32>, vector<16xi32>], vector<16xf32>,
      %add3A_329 = arith.addf %add3A_325, %gather3A_328 : vector<16xf32>
      %add3A_330 = arith.addf %add3A_329, %get3A_5 : vector<16xf32>
      %neg3A = arith.constant 0.000000e+00 : f32
      %neg3A_331 = vector.broadcast %neg3A : f32 to vector<16xf32>
      %neg3A_332 = arith.subf %neg3A_331, %add3A_330 : vector<16xf32>
      %exp3A = math.exp %neg3A_332 : vector<16xf32>
      %add3A_333 = arith.constant 1.000000e+00 : f32
      %add3A_334 = vector.broadcast %add3A_333 : f32 to vector<16xf32>
      %add3A_335 = arith.addf %add3A_334, %exp3A : vector<16xf32>
      %div3A = arith.constant 5.000000e+00 : f32
      %div3A_336 = vector.broadcast %div3A : f32 to vector<16xf32>
      %div3A_337 = arith.divf %div3A_336, %add3A_335 : vector<16xf32>
      %add3A_338 = arith.constant 5.000000e-01 : f32
      %add3A_339 = vector.broadcast %add3A_338 : f32 to vector<16xf32>
      %add3A_340 = arith.addf %div3A_337, %add3A_339 : vector<16xf32>
      %mul3A_341 = arith.constant 16 : i32
      %mul3A_342 = arith.muli %scan3A_259, %mul3A_341 : i32
      %swap3A_343 = arith.index_cast %mul3A_342 : i32 to index
      %swap3A_344 = tpu.vector_load %arg19[%swap3A_343] {strides = array<i32>} : memref<512xf32, #tpu.memory_space<vmem>>, vector<16xf32>,
      tpu.vector_store %arg19[%swap3A_343], %add3A_340 {strides = array<i32>} : memref<512xf32, #tpu.memory_space<vmem>>, vector<16xf32>,
      %scan3A_345 = arith.constant 0 : i32
      scf.yield %scan3A_345 : i32
    }
    %scan3A_256 = arith.constant 32 : i32
    %mul3A_257 = arith.constant 512 : i32
    %mul3A_258 = arith.muli %add3A, %mul3A_257 : i32
    "tpu.region"() ({
      %run_scoped3A = tpu.sem_alloc : memref<!tpu.dma_semaphore, #tpu.memory_space<semaphore_mem>>
      %dma_start3A_259 = tpu.memref_slice %arg6[%mul3A_258] : memref<16384xf32, #tpu.memory_space<hbm>> -> memref<512xf32, #tpu.memory_space<hbm>>
      %dma_start3A_260 = tpu.memref_slice %arg6[%mul3A_258] : memref<16384xf32, #tpu.memory_space<hbm>> -> memref<512xf32, #tpu.memory_space<hbm>>
      tpu.enqueue_dma source(%arg19 : memref<512xf32, #tpu.memory_space<vmem>>) target(%dma_start3A_260 : memref<512xf32, #tpu.memory_space<hbm>>) target_semaphore(%run_scoped3A : memref<!tpu.dma_semaphore, #tpu.memory_space<semaphore_mem>>)
      %dma_wait3A_261 = tpu.memref_slice %arg6[%mul3A_258] : memref<16384xf32, #tpu.memory_space<hbm>> -> memref<512xf32, #tpu.memory_space<hbm>>
      %dma_wait3A_262 = tpu.memref_slice %arg6[%mul3A_258] : memref<16384xf32, #tpu.memory_space<hbm>> -> memref<512xf32, #tpu.memory_space<hbm>>
      tpu.wait_dma2 semaphore(%run_scoped3A : memref<!tpu.dma_semaphore, #tpu.memory_space<semaphore_mem>>) src(%arg19 : memref<512xf32, #tpu.memory_space<vmem>>) dst(%dma_wait3A_262 : memref<512xf32, #tpu.memory_space<hbm>>)
      tpu.yield
    }) : () -> ()
    return
  }
}

</mosaic_0001>

<sc_bundles>
// kernel: kernel.3.cloned.1.call-start
scs
__scs_entry_jumppad:
0x0: {  	(pc) =	sbr.rel $0x88, $3  }
0x1: {  	(tag) =	ssettag $0x0;
	lr =	simm.s32 $0x1  }
0x2: {  	[smem:$0x3F9D] =	sst lr;
	_ =	strace $0xD0000000  }
0x3: {  	_ = 	snop  }
0x4: {  	_ = 	snop  }
0x5: {  	_ = 	snop  }
0x6: {  	_ = 	snop  }
0x7: {  	_ = 	snop  }
__scs_overlays_trampoline_lowered:
0x8: {  	[smem:$0x3FAC] =	sst s0  }
0x9: {  	[smem:$0x3FAD] =	sst s1  }
0xa: {  	[smem:$0x3FAE] =	sst s2  }
0xb: {  	[smem:$0x3FAF] =	sst s3  }
0xc: {  	[smem:$0x3FB0] =	sst s4  }
0xd: {  	[smem:$0x3FB1] =	sst s5  }
0xe: {  	[smem:$0x3FB2] =	sst s6  }
0xf: {  	[smem:$0x3FB3] =	sst s7  }
0x10: {  	[smem:$0x3FB4] =	sst s8  }
0x11: {  	[smem:$0x3FB5] =	sst s9;
	s0 =	simm.s32 @!p0 $0x0  }
0x12: {  	s1 =	sld [smem:$0x3F9B];
	s0 =	simm.s32 @p0 $0x1  }
0x13: {  	[smem:$0x3FB6] =	sst s0;
	s0 =	simm.s32 @!p1 $0x0  }
0x14: {  	s2 =	sld [smem:$0x3F9A];
	s0 =	simm.s32 @p1 $0x1  }
0x15: {  	[smem:$0x3FB7] =	sst s0;
	s0 =	simm.s32 @!p2 $0x0  }
0x16: {  	s3 =	sld [smem:$0x3FDB];
	s0 =	simm.s32 @p2 $0x1  }
0x17: {  	s4 =	simm.s32 $0x1BF5;
	[smem:$0x3FB9] =	sst s0  }
0x18: {  	s0 =	sld [smem:$0x3F9C];
	_ =	swait.ge [sflag:s4], $0x0  }
0x19: {  	s7 =	sld [smem:$0x3F9D]  }
0x1a: {  	s8 =	sadd.s32 $0xFFFFE003, lr  }
0x1b: {  	s9 =	sadd.s32 $0xFFFFFEF7, lr;
	s5 =	simm.s32 $0xFFFFFFFF;
	p2 =	slt.u32 s8, $0xFFFFF086  }
0x1c: {  	p1 =	slt.u32 s9, $0xF7A;
	s5 =	simm.s32 @!p2 $0x0  }
0x1d: {  	s5 =	simm.s32 @p1 $0x1;
	p0 =	seq.s32 s7, s2  }
0x1e: {  	s7 =	smul.u32 @!p0 $0xF7A, s2;
	p2 =	seq.s32 @!p0 s5, $0x0  }
0x1f: {  	s9 =	smul.u32 $0xF7A, s1;
	s8 =	simm.s32 @!p0 $0x1BF5;
	p2 =	por !p2, p0  }
0x20: {  	[sflag:s8] =	ssyncset.s32 @!p0 $0xFFFFF086;
	s6 =	sadd.s32 @!p0 s3, s7;
	s7 =	simm.s32 @!p0 $0x108  }
0x21: {  	s3 =	sadd.s32 s3, s9;
	s6 =	sadd.s32 @!p0 $0x88, s6;
	s7 =	simm.s32 @p2 $0x1082  }
0x22: {  	[simem:s7], [sflag:s8] =	dma.local @!p0 [hbm:s6], $0xF7A  }
0x23: {  	s9 =	sor.u32 $0xD0000000, s2;
	s6 =	simm.s32 $0x108;
	_ =	swait.ge @!p0 [sflag:s8], $0x0  }
0x24: {  	s3 =	sadd.s32 $0x88, s3;
	s6 =	simm.s32 @!p1 $0x1082;
	[sflag:s4] =	ssyncset.s32 $0xFFFFF086  }
0x25: {  	[simem:s6], [sflag:s4] =	dma.local [hbm:s3], $0xF7A  }
0x26: {  	[smem:$0x3F9D] =	sst s1;
	(tag) =	ssettag s2;
	_ =	strace s9  }
0x27: {  	s1 =	sld [smem:$0x3FAD]  }
0x28: {  	s2 =	sld [smem:$0x3FAE]  }
0x29: {  	s4 =	sld [smem:$0x3FB0]  }
0x2a: {  	p0 =	seq.s32 s5, $0x0;
	s5 =	sld [smem:$0x3FB1]  }
0x2b: {  	s6 =	sld [smem:$0x3FB2]  }
0x2c: {  	s7 =	sld [smem:$0x3FB3]  }
0x2d: {  	s3 =	simm.s32 $0x108;
	s8 =	sld [smem:$0x3FB4]  }
0x2e: {  	s3 =	simm.s32 @!p0 $0x1082;
	s9 =	sld [smem:$0x3FB5]  }
0x2f: {  	lr =	sadd.s32 s0, s3;
	s0 =	sld [smem:$0x3FAC]  }
0x30: {  	s3 =	sld [smem:$0x3FAF]  }
0x31: {  	[smem:$0x3FB8] =	sst s10  }
0x32: {  	s10 =	sld [smem:$0x3FB6];
	_ =	sdelay $0x3  }
0x33: {  	p0 =	seq.s32 s10, $0x1;
	s10 =	sld [smem:$0x3FB8];
	_ =	sdelay $0x3  }
0x34: {  	[smem:$0x3FB8] =	sst s10  }
0x35: {  	s10 =	sld [smem:$0x3FB7];
	_ =	sdelay $0x3  }
0x36: {  	p1 =	seq.s32 s10, $0x1;
	s10 =	sld [smem:$0x3FB8];
	_ =	sdelay $0x3  }
0x37: {  	[smem:$0x3FB8] =	sst s10  }
0x38: {  	s10 =	sld [smem:$0x3FB9]  }
0x39: {  	_ = 	snop;
	(pc) =	sbr.ind lr, $3  }
0x3a: {  	_ = 	snop  }
0x3b: {  	_ = 	snop  }
0x3c: {  	p2 =	seq.s32 s10, $0x1;
	s10 =	sld [smem:$0x3FB8]  }
0x3d: {  	_ =	shalt  }
0x3e: {  	_ =	shalt  }
0x3f: {  	_ =	shalt  }
0x40: {  	_ =	shalt  }
0x41: {  	_ =	shalt  }
0x42: {  	_ =	shalt  }
0x43: {  	_ =	shalt  }
0x44: {  	_ =	shalt  }
0x45: {  	_ =	shalt  }
0x46: {  	_ =	shalt  }
0x47: {  	_ =	shalt  }
0x48: {  	_ =	shalt  }
0x49: {  	_ =	shalt  }
0x4a: {  	_ =	shalt  }
0x4b: {  	_ =	shalt  }
0x4c: {  	_ =	shalt  }
0x4d: {  	_ =	shalt  }
0x4e: {  	_ =	shalt  }
0x4f: {  	_ =	shalt  }
0x50: {  	_ =	shalt  }
0x51: {  	_ =	shalt  }
0x52: {  	_ =	shalt  }
0x53: {  	_ =	shalt  }
0x54: {  	_ =	shalt  }
0x55: {  	_ =	shalt  }
0x56: {  	_ =	shalt  }
0x57: {  	_ =	shalt  }
0x58: {  	_ =	shalt  }
0x59: {  	_ =	shalt  }
0x5a: {  	_ =	shalt  }
0x5b: {  	_ =	shalt  }
0x5c: {  	_ =	shalt  }
0x5d: {  	_ =	shalt  }
0x5e: {  	_ =	shalt  }
0x5f: {  	_ =	shalt  }
0x60: {  	_ =	shalt  }
0x61: {  	_ =	shalt  }
0x62: {  	_ =	shalt  }
0x63: {  	_ =	shalt  }
0x64: {  	_ =	shalt  }
0x65: {  	_ =	shalt  }
0x66: {  	_ =	shalt  }
0x67: {  	_ =	shalt  }
0x68: {  	_ =	shalt  }
0x69: {  	_ =	shalt  }
0x6a: {  	_ =	shalt  }
0x6b: {  	_ =	shalt  }
0x6c: {  	_ =	shalt  }
0x6d: {  	_ =	shalt  }
0x6e: {  	_ =	shalt  }
0x6f: {  	_ =	shalt  }
0x70: {  	_ =	shalt  }
0x71: {  	_ =	shalt  }
0x72: {  	_ =	shalt  }
0x73: {  	_ =	shalt  }
0x74: {  	_ =	shalt  }
0x75: {  	_ =	shalt  }
0x76: {  	_ =	shalt  }
0x77: {  	_ =	shalt  }
0x78: {  	_ =	shalt  }
0x79: {  	_ =	shalt  }
0x7a: {  	_ =	shalt  }
0x7b: {  	_ =	shalt  }
0x7c: {  	_ =	shalt  }
0x7d: {  	_ =	shalt  }
0x7e: {  	_ =	shalt  }
0x7f: {  	_ =	shalt  }
0x80: {  	_ =	shalt  }
0x81: {  	_ =	shalt  }
0x82: {  	_ =	shalt  }
0x83: {  	_ =	shalt  }
0x84: {  	_ =	shalt  }
0x85: {  	_ =	shalt  }
0x86: {  	_ =	shalt  }
0x87: {  	_ =	shalt  }
.Lfunc_end0:
.L_simem_size_0:
called_computation_lowered:
.L_overlay_start_0:
0x88: {  	s2 =	sld [smem:$0x3FD9]  }
0x89: {  	s3 =	sld [smem:$0x3FFE];
	_ =	sdelay $0x1  }
0x8a: {  	s1 =	srdreg.scid  }
0x8b: {  	s0 =	sand.u32 $0x1, s1  }
0x8c: {  	s17 =	sshll.u32 s0, $0xA;
	s2 =	sadd.s32 s3, s2  }
0x8d: {  	s2 =	sadd.s32 s2, s17  }
0x8e: {  	[smem:$0x3FC4] =	sst s2  }
0x8f: {  	_ = 	snop  }
0x90: {  	s2 =	sld [smem:$0x3FC8]  }
0x91: {  	s18 =	sld [smem:$0x3FC7]  }
0x92: {  	s4 =	sld [smem:$0x3FD0];
	(tm) =	ssettm $0x1  }
0x93: {  	s5 =	sld [smem:$0x3FFB];
	_ =	sdelay $0x3  }
0x94: {  	_ =	strace s5  }
0x95: {  	s5 =	sld [smem:$0x3FFC];
	_ =	sdelay $0x3  }
0x96: {  	_ =	strace s5  }
0x97: {  	s5 =	sld [smem:$0x3FFD];
	_ =	sdelay $0x3  }
0x98: {  	_ =	strace s5  }
0x99: {  	_ =	strace $0x8FFFFFFF  }
0x9a: {  	s19 =	sld [smem:$0x3FDB];
	_ =	sdelay $0x1  }
0x9b: {  	s6 =	simm.s32 $_scs_section_size  }
0x9c: {  	s7 =	simm.s32 $_size__tile_overlayer_lowered;
	s8 =	simm.s32 $_tile_overlayer_lowered  }
0x9d: {  	s22 =	simm.s32 $0x1BFF;
	s21 =	sshll.u32 s8, $0x1;
	s5 =	sadd.s32 s6, s19  }
0x9e: {  	s9 =	simm.s32 $0x0;
	s20 =	sshll.u32 s7, $0x1;
	s7 =	sadd.s32 s21, s5  }
0x9f: {  	[timem:s9], [sflag:s22] =	dma.local [hbm:s7], s20  }
0xa0: {  	_ =	swait.ge [sflag:s22], s20  }
0xa1: {  	s6 =	ssub.s32 $0x0, s20;
	[sflag:s22] =	ssyncset.done $0x0  }
0xa2: {  	[sflag:s22] =	ssyncadd.s32 s6;
	_ =	sdelay $0x1  }
0xa3: {  	s23 =	simm.s32 $0x1B8B  }
0xa4: {  	_ =	swait.ge [sflag:s23], $0x1  }
0xa5: {  	[sflag:s23] =	ssyncset.done $0x0  }
0xa6: {  	s25 =	simm.s32 $0x1B8E;
	s24 =	sld [smem:$0x3FFE];
	[sflag:s23] =	ssyncadd.s32 $0xFFFFFFFF  }
0xa7: {  	s26 =	simm.s32 $execute0_lowered;
	[smem:$0x3FD2] =	sst s25  }
0xa8: {  	s7 =	sshll.u32 s26, $0x1;
	_ =	strace $0x80000046;
	[dreg:$0x1] =	wrdreg $0xFFFFFFFF  }
0xa9: {  	s28 =	simm.s32 $_size_execute0_lowered;
	s5 =	sadd.s32 s5, s7;
	[dreg:$0x0] =	wrdreg $0x0  }
0xaa: {  	s7 =	sshll.u32 s28, $0x1;
	[dreg:$0x2] =	wrdreg s5  }
0xab: {  	[dreg:$0x3] =	wrdreg s7  }
0xac: {  	[dreg:$0x4] =	wrdreg $0xC0  }
0xad: {  	_ =	task [dreg:s9], $0x5FFFF  }
0xae: {  	[dreg:$0x1] =	wrdreg $0xFFFFFFFF  }
0xaf: {  	[dreg:$0x0] =	wrdreg $0x60  }
0xb0: {  	[dreg:$0x2] =	wrdreg s24  }
0xb1: {  	[dreg:$0x3] =	wrdreg s2  }
0xb2: {  	[dreg:$0x4] =	wrdreg s18  }
0xb3: {  	[dreg:$0x5] =	wrdreg s4  }
0xb4: {  	[dreg:$0x6] =	wrdreg $0x9  }
0xb5: {  	_ =	task.clear_ibuf [dreg:s9], $0x7FFFF;
	_ =	strace $0x90000046  }
0xb6: {  	s29 =	simm.s32 $0x9;
	_ =	strace $0x80000048  }
0xb7: {  	_ =	swait.ge [sflag:s29], $0x1  }
0xb8: {  	[sflag:s29] =	ssyncadd.s32 $0xFFFFFFFF  }
0xb9: {  	_ =	strace $0x90000048  }
0xba: {  	_ =	sfence  }
0xbb: {  	s30 =	sld [smem:$0x0];
	_ =	sdelay $0x2  }
0xbc: {  	s31 =	sshll.u32 s1, $0xD;
	s1 =	sshrl.u32 s1, $0x2  }
0xbd: {  	s3 =	sand.u32 $0x4000, s31;
	s1 =	sadd.s32 s1, s30  }
0xbe: {  	s0 =	sor.u32 s3, s0;
	s1 =	sshll.u32 s1, $0x11  }
0xbf: {  	s0 =	sor.u32 s1, s0  }
0xc0: {  	s0 =	sadd.s32 $0x8F2B, s0  }
0xc1: {  	[sflag:s0] =	ssyncadd.remote.s32 $0x1  }
0xc2: {  	_ =	sfence.sel $0xFFFF  }
0xc3: {  	[dreg:$0x0] =	wrdreg $0xFFFFFFFF;
	(pc) =	sbr.abs _section_cstart, $3  }
0xc4: {  	[dreg:$0x1] =	wrdreg $0xFFFFFFFF  }
0xc5: {  	_ =	task.clear_ibuf [dreg:s9], $0x2FFFF;
	_ =	strace $0x9FFFFFFF  }
0xc6: {  	(tm) =	ssettm $0x7FFFFFFF  }
0xc7: {  	_ =	shalt  }
tec
execute0_lowered:
.L_overlay_start_1:
0x0: {  	(tag) =	ssettag $0x1  }
0x1: {  	s0 =	rddreg [dreg:$0x0]  }
0x2: {  	s1 =	rddreg [dreg:$0x1];
	s2 =	srdreg.scid  }
0x3: {  	s3 =	rddreg [dreg:$0x2];
	s4 =	stileid.u32  }
0x4: {  	s7 =	rddreg [dreg:$0x3];
	s9 =	simm.s32 $0x6;
	s11 =	simm.s32 $0x64  }
0x5: {  	s12 =	simm.s32 $0xD000;
	s13 =	simm.s32 $0x1CA00;
	s15 =	simm.s32 $0x10200  }
0x6: {  	s16 =	simm.s32 $0x1CA70;
	s17 =	simm.s32 $0xD0;
	s20 =	simm.s32 $0x138  }
0x7: {  	s23 =	simm.s32 $0x1A0;
	s28 =	simm.s32 $0x2;
	s29 =	simm.s32 $0x3  }
0x8: {  	s30 =	simm.s32 $0x4;
	s31 =	simm.s32 $0x5;
	s2 =	sand.u32 $0x1, s2  }
0x9: {  	s5 =	sshll.u32 s4, $0xA;
	s4 =	simm.s32 $0x0;
	s6 =	sshll.u32 s2, $0x9  }
0xa: {  	s10 =	simm.s32 $0x0;
	[smem:$0x7FF] =	sst s4;
	s8 =	sor.u32 s6, s5  }
0xb: {  	s2 =	ssub.s32 $0x2, s2;
	s5 =	smul.u32 $0xD, s8;
	s26 =	sshrl.u32 s8, $0x3  }
0xc: {  	_ =	strace $0x80000047;
	s25 =	sshrl.u32 s2, $0x1;
	s7 =	sadd.s32 s7, s26  }
0xd: {  	s26 =	simm.s32 $0x1;
	s24 =	sadd.s32 s5, s0;
	s5 =	sadd.s32 $0x34400, s0  }
0xe: {  	v1 =	vlaneseq.u32;
	s0 =	ssub.s32 s2, s25;
	s25 =	simm.s32 $0x1CBC0;
	s2 =	simm.s32 $0x1CC30  }
0xf: {  	v0 =	vimm.f32 $0.0e+00;
	v1 =	vmul.u32 $0x10, v1;
	s6 =	sadd.s32 $0x400, s24;
	s8 =	smax.u32 s0, $0x1;
	s24 =	simm.s32 $0x19800  }
.LBB2_1:
0x10: {  	[tilespmem:s4], [sflag:$0x6] =	stream.linear.gather [hbm4b:s6+s4], $0xD000, $0x38;
	[tilespmem:$0x1EE40] =	vst v63  }
0x11: {  	_ =	swait.ge [sflag:s9], $0xD000  }
0x12: {  	[sflag:s9] =	ssyncset.done $0x0  }
0x13: {  	s0 =	simm.s32 $0x1EE30;
	[sflag:s9] =	ssyncadd.s32 $0xFFFF3000  }
0x14: {  	[tilespmem:s0], [sflag:$0x6] =	stream.linear.gather [hbm4b:s5+s4], $0x10, $0x38;
	[tilespmem:$0x1EE40] =	vst v63  }
0x15: {  	_ =	swait.ge [sflag:s9], $0x10  }
0x16: {  	[sflag:s9] =	ssyncset.done $0x0  }
0x17: {  	[sflag:s9] =	ssyncadd.s32 $0xFFFFFFF0  }
0x18: {  	[tilespmem:$0x1CA60] =	vst v0  }
0x19: {  	[tilespmem:$0x1CAD0] =	vst v0  }
0x1a: {  	[tilespmem:$0x1CB40] =	vst v0  }
0x1b: {  	[tilespmem:$0x1CBB0] =	vst v0  }
0x1c: {  	[tilespmem:$0x1CC20] =	vst v0  }
0x1d: {  	v2 =	vld [tilespmem:$0x1EE30];
	[tilespmem:s12], [sflag:$0x1] =	stream.indirect.gather [hbm4b:s1+s11], $0x80, s4, s11, $0xb8  }
0x1e: {  	_ = 	snop  }
0x1f: {  	[tilespmem:s13], [sflag:$0x1] =	stream.indirect.gather [hbm4b:s3+s11], $0x1, s4, s11, $0xb8;
	[tilespmem:$0x1EE40] =	vst v63  }
0x20: {  	s14 =	simm.s32 $0x68  }
0x21: {  	[tilespmem:s15], [sflag:$0x2] =	stream.indirect.gather [hbm4b:s1+s11], $0x80, s14, s11, $0xb8;
	[tilespmem:$0x1EE40] =	vst v63  }
0x22: {  	_ = 	snop  }
0x23: {  	[tilespmem:s16], [sflag:$0x2] =	stream.indirect.gather [hbm4b:s3+s11], $0x1, s14, s11, $0xb8;
	[tilespmem:$0x1EE40] =	vst v63  }
0x24: {  	s18 =	simm.s32 $0x13400  }
0x25: {  	[tilespmem:s18], [sflag:$0x3] =	stream.indirect.gather [hbm4b:s1+s11], $0x80, s17, s11, $0xb8;
	[tilespmem:$0x1EE40] =	vst v63  }
0x26: {  	s19 =	simm.s32 $0x1CAE0  }
0x27: {  	[tilespmem:s19], [sflag:$0x3] =	stream.indirect.gather [hbm4b:s3+s11], $0x1, s17, s11, $0xb8;
	[tilespmem:$0x1EE40] =	vst v63  }
0x28: {  	s21 =	simm.s32 $0x16600  }
0x29: {  	[tilespmem:s21], [sflag:$0x4] =	stream.indirect.gather [hbm4b:s1+s11], $0x80, s20, s11, $0xb8;
	[tilespmem:$0x1EE40] =	vst v63  }
0x2a: {  	s22 =	simm.s32 $0x1CB50  }
0x2b: {  	[tilespmem:s22], [sflag:$0x4] =	stream.indirect.gather [hbm4b:s3+s11], $0x1, s20, s11, $0xb8;
	[tilespmem:$0x1EE40] =	vst v63  }
0x2c: {  	_ = 	snop  }
0x2d: {  	[tilespmem:s24], [sflag:$0x5] =	stream.indirect.gather [hbm4b:s1+s11], $0x80, s23, s11, $0xb8;
	[tilespmem:$0x1EE40] =	vst v63  }
0x2e: {  	s18 =	simm.s32 $0x0  }
0x2f: {  	[tilespmem:s25], [sflag:$0x5] =	stream.indirect.gather [hbm4b:s3+s11], $0x1, s23, s11, $0xb8;
	[tilespmem:$0x1EE40] =	vst v63  }
.LBB2_2:
0x30: {  	_ =	swait.ge [sflag:s26], $0x3200  }
0x31: {  	[sflag:s26] =	ssyncset.done $0x0  }
0x32: {  	[sflag:s26] =	ssyncadd.s32 $0xFFFFCE00  }
0x33: {  	_ =	swait.ge [sflag:s26], $0x64  }
0x34: {  	[sflag:s26] =	ssyncset.done $0x0  }
0x35: {  	s0 =	simm.s32 $0xD080;
	[sflag:s26] =	ssyncadd.s32 $0xFFFFFF9C  }
0x36: {  	v8 =	vld [tilespmem:s0+$0x60]  }
0x37: {  	v11 =	vld [tilespmem:s0+$0x10]  }
0x38: {  	v7 =	vld [tilespmem:s0+$0xFFFFFF90]  }
0x39: {  	v4 =	vld [tilespmem:s0+$0xFFFFFFA0]  }
0x3a: {  	v10 =	vld [tilespmem:s0+$0xFFFFFFB0]  }
0x3b: {  	v23 =	vld [tilespmem:s0+$0xFFFFFF80]  }
0x3c: {  	v16 =	vld [tilespmem:s0+$0xFFFFFFD0]  }
0x3d: {  	v30 =	vld [tilespmem:s0+$0xFFFFFFE0]  }
0x3e: {  	v15 =	vimm.f32 $0.0e+00;
	v25 =	vimm.f32 $0.0e+00;
	v5 =	vld [tilespmem:s0+$0x20]  }
0x3f: {  	v26 =	vimm.f32 $0.0e+00;
	v19 =	vimm.f32 $0.0e+00;
	v27 =	vimm.f32 $0.0e+00;
	v9 =	vld [tilespmem:s0+$0x50]  }
0x40: {  	v21 =	vld [tilespmem:s0+$0xFFFFFFF0];
	v3 =	vmul.f32 v8, v8;
	v6 =	vadd.f32 v10, v15;
	v10 =	vmul.f32 v10, v10  }
0x41: {  	v33 =	vadd.f32 v23, v15;
	v31 =	vadd.f32 v4, v15;
	v4 =	vmul.f32 v4, v4  }
0x42: {  	v20 =	vld [tilespmem:s0+$0x0];
	v12 =	vmul.f32 v7, v7;
	v13 =	vadd.f32 v16, v15;
	v14 =	vmul.f32 v30, v30  }
0x43: {  	v32 =	vld [tilespmem:s0+$0xFFFFFFC0];
	v18 =	vmul.f32 v5, v5;
	v10 =	vadd.f32 v10, v15;
	v17 =	vadd.f32 v4, v15  }
0x44: {  	v24 =	vld [tilespmem:s0+$0x30];
	v35 =	vmul.f32 v11, v11;
	v34 =	vadd.f32 v12, v15;
	v4 =	vadd.f32 v9, v13  }
0x45: {  	v28 =	vmul.f32 v21, v21;
	v22 =	vadd.f32 v14, v15;
	v13 =	vadd.f32 v18, v17;
	v17 =	vld [tilespmem:s0+$0x70]  }
0x46: {  	s19 =	simm.s32 $0x0;
	s21 =	simm.s32 $0xD180;
	v29 =	vld [tilespmem:s0+$0x40];
	v12 =	vimm.f32 $0.0e+00;
	v14 =	vimm.f32 $0.0e+00;
	v18 =	vimm.f32 $0.0e+00  }
.LBB2_3:
0x47: {  	v36 =	vld [tilespmem:s21+$0x60];
	s19 =	sadd.s32 $0x2, s19;
	v15 =	vadd.f32 v30, v15;
	v23 =	vmul.f32 v23, v23;
	v34 =	vadd.f32 v35, v34  }
0x48: {  	v25 =	vadd.f32 v7, v25;
	v33 =	vadd.f32 v20, v33;
	v35 =	vld [tilespmem:s21+$0x10];
	p0 =	slt.u32 s19, $0x62;
	v37 =	vmul.f32 v32, v32  }
0x49: {  	v16 =	vmul.f32 v16, v16;
	v31 =	vadd.f32 v5, v31;
	v5 =	vld [tilespmem:s21+$0x20];
	v15 =	vadd.f32 v8, v15  }
0x4a: {  	v26 =	vadd.f32 v32, v26;
	v25 =	vadd.f32 v11, v25;
	v7 =	vld [tilespmem:s21+$0xFFFFFF90];
	v30 =	vmul.f32 v17, v17  }
0x4b: {  	v19 =	vadd.f32 v21, v19;
	v9 =	vmul.f32 v9, v9;
	v12 =	vadd.f32 v28, v12;
	v32 =	vld [tilespmem:s21+$0x0]  }
0x4c: {  	v20 =	vmul.f32 v20, v20;
	v22 =	vadd.f32 v3, v22;
	v21 =	vadd.f32 v23, v27;
	v28 =	vld [tilespmem:s21+$0xFFFFFFA0];
	v8 =	vmovc v36  }
0x4d: {  	v19 =	vadd.f32 v17, v19;
	v17 =	vmul.f32 v24, v24;
	v12 =	vadd.f32 v30, v12;
	v38 =	vld [tilespmem:s21+$0xFFFFFFB0];
	v11 =	vmovc v35  }
0x4e: {  	v14 =	vadd.f32 v16, v14;
	v26 =	vadd.f32 v29, v26;
	v3 =	vmul.f32 v36, v8;
	v23 =	vld [tilespmem:s21+$0xFFFFFF80]  }
0x4f: {  	v6 =	vadd.f32 v24, v6;
	v27 =	vadd.f32 v20, v21;
	v24 =	vmul.f32 v29, v29;
	v16 =	vld [tilespmem:s21+$0xFFFFFFD0]  }
0x50: {  	v18 =	vadd.f32 v37, v18;
	v14 =	vadd.f32 v9, v14;
	v30 =	vld [tilespmem:s21+$0xFFFFFFE0];
	v20 =	vmov v32  }
0x51: {  	v10 =	vadd.f32 v17, v10;
	v9 =	vld [tilespmem:s21+$0x50]  }
0x52: {  	v18 =	vadd.f32 v24, v18;
	v6 =	vadd.f32 v38, v6;
	v21 =	vld [tilespmem:s21+$0xFFFFFFF0];
	v17 =	vmul.f32 v38, v38  }
.Ltmp0:
0x53: {  	v31 =	vadd.f32 v28, v31;
	v24 =	vmul.f32 v28, v28;
	v33 =	vadd.f32 v23, v33;
	(pc) =	sbr.rel @p0 .LBB2_3-.Ltmp0, $4  }
0x54: {  	v28 =	vmul.f32 v7, v7;
	v32 =	vld [tilespmem:s21+$0xFFFFFFC0];
	v4 =	vadd.f32 v16, v4;
	v10 =	vadd.f32 v17, v10  }
0x55: {  	v36 =	vmul.f32 v5, v5;
	v13 =	vadd.f32 v24, v13;
	v29 =	vmul.f32 v30, v30;
	v24 =	vld [tilespmem:s21+$0x30]  }
0x56: {  	v35 =	vmul.f32 v35, v11;
	v34 =	vadd.f32 v28, v34;
	v4 =	vadd.f32 v9, v4;
	v17 =	vld [tilespmem:s21+$0x70]  }
0x57: {  	v13 =	vadd.f32 v36, v13;
	v22 =	vadd.f32 v29, v22;
	v28 =	vmul.f32 v21, v21;
	v29 =	vld [tilespmem:s21+$0x40];
	s21 =	sadd.s32 $0x100, s21  }
0x58: {  	v15 =	vadd.f32 v30, v15;
	v30 =	vadd.f32 v35, v34  }
0x59: {  	v23 =	vmul.f32 v23, v23;
	v7 =	vadd.f32 v7, v25;
	v25 =	vadd.f32 v20, v33  }
0x5a: {  	v5 =	vadd.f32 v5, v31;
	v16 =	vmul.f32 v16, v16;
	v8 =	vadd.f32 v8, v15  }
0x5b: {  	v7 =	vadd.f32 v11, v7;
	v11 =	vadd.f32 v23, v27;
	v15 =	vmul.f32 v20, v20  }
0x5c: {  	v19 =	vadd.f32 v21, v19;
	v63 =	vmul.f32 v32, v32;
	v20 =	vadd.f32 v32, v26  }
0x5d: {  	v11 =	vadd.f32 v15, v11;
	v15 =	vmul.f32 v25, v25;
	v7 =	vmul.f32 v7, v7  }
0x5e: {  	v21 =	vmul.f32 v24, v24;
	v6 =	vadd.f32 v24, v6;
	v18 =	vadd.f32 v63, v18  }
0x5f: {  	v5 =	vmul.f32 v5, v5;
	v11 =	vsub.f32 v15, v11;
	v7 =	vsub.f32 v7, v30  }
0x60: {  	v20 =	vadd.f32 v29, v20;
	v10 =	vadd.f32 v21, v10;
	v21 =	vld [tilespmem:$0x1CA00];
	v6 =	vmul.f32 v6, v6  }
0x61: {  	v5 =	vsub.f32 v5, v13;
	v15 =	vmul.f32 v29, v29;
	v7 =	vadd.f32 v7, v11;
	v11 =	vld [tilespmem:$0x1CA10]  }
0x62: {  	v9 =	vmul.f32 v9, v9;
	v13 =	vadd.f32 v16, v14;
	v6 =	vsub.f32 v6, v10  }
0x63: {  	v10 =	vld [tilespmem:$0x1CA20];
	v14 =	vadd.f32 v15, v18;
	v5 =	vadd.f32 v5, v7;
	v7 =	vmul.f32 v20, v20  }
0x64: {  	v12 =	vadd.f32 v28, v12;
	v9 =	vadd.f32 v9, v13  }
0x65: {  	v4 =	vmul.f32 v4, v4;
	v5 =	vadd.f32 v6, v5;
	v6 =	vsub.f32 v7, v14;
	v7 =	vld [tilespmem:$0x1CA30]  }
0x66: {  	v3 =	vadd.f32 v3, v22;
	v11 =	vadd.f32 v11, v21  }
0x67: {  	v4 =	vsub.f32 v4, v9;
	v5 =	vadd.f32 v6, v5;
	v6 =	vmul.f32 v8, v8;
	v8 =	vld [tilespmem:$0x1CA40]  }
0x68: {  	v13 =	vadd.f32 v17, v19;
	v9 =	vmul.f32 v17, v17;
	v10 =	vadd.f32 v10, v11  }
0x69: {  	v4 =	vadd.f32 v4, v5;
	v3 =	vsub.f32 v6, v3;
	v5 =	vld [tilespmem:$0x1CA50]  }
0x6a: {  	v6 =	vadd.f32 v9, v12;
	v9 =	vmul.f32 v13, v13;
	v7 =	vadd.f32 v7, v10  }
0x6b: {  	v3 =	vadd.f32 v3, v4;
	v4 =	vld [tilespmem:$0x1CA60]  }
0x6c: {  	v6 =	vsub.f32 v9, v6;
	v7 =	vadd.f32 v8, v7;
	_ =	sdelay $0x1  }
0x6d: {  	v3 =	vadd.f32 v6, v3;
	v5 =	vadd.f32 v5, v7;
	_ =	sdelay $0x1  }
0x6e: {  	s0 =	smul.u32 $0x140, s18;
	v3 =	vmul.f32 $5.000000000e-01, v3;
	v4 =	vadd.f32 v4, v5  }
0x6f: {  	s19 =	smul.u32 $0x820, s18  }
0x70: {  	v3 =	vadd.f32 v4, v3  }
0x71: {  	s21 =	sshra.s32 s0, $0x2;
	s19 =	sshra.s32 s19, $0x2  }
0x72: {  	s22 =	sadd.s32 $0x208, s19;
	[tilespmem:s21+$0x1CC30] =	vst v3  }
0x73: {  	[tilespmem:s12], [sflag:$0x1] =	stream.indirect.gather [hbm4b:s1+s11], $0x80, s22, s11, $0xb8;
	[tilespmem:$0x1EE40] =	vst v63  }
0x74: {  	_ = 	snop  }
0x75: {  	[tilespmem:s13], [sflag:$0x1] =	stream.indirect.gather [hbm4b:s3+s11], $0x1, s22, s11, $0xb8;
	[tilespmem:$0x1EE40] =	vst v63  }
0x76: {  	_ =	swait.ge [sflag:s28], $0x3200  }
0x77: {  	[sflag:s28] =	ssyncset.done $0x0  }
0x78: {  	[sflag:s28] =	ssyncadd.s32 $0xFFFFCE00  }
0x79: {  	_ =	swait.ge [sflag:s28], $0x64  }
0x7a: {  	[sflag:s28] =	ssyncset.done $0x0  }
0x7b: {  	s14 =	simm.s32 $0x10280;
	[sflag:s28] =	ssyncadd.s32 $0xFFFFFF9C  }
0x7c: {  	v8 =	vld [tilespmem:s14+$0x60]  }
0x7d: {  	v11 =	vld [tilespmem:s14+$0x10]  }
0x7e: {  	v7 =	vld [tilespmem:s14+$0xFFFFFF90]  }
0x7f: {  	v4 =	vld [tilespmem:s14+$0xFFFFFFA0]  }
0x80: {  	v10 =	vld [tilespmem:s14+$0xFFFFFFB0]  }
0x81: {  	v23 =	vld [tilespmem:s14+$0xFFFFFF80]  }
0x82: {  	v16 =	vld [tilespmem:s14+$0xFFFFFFD0]  }
0x83: {  	v30 =	vld [tilespmem:s14+$0xFFFFFFE0]  }
0x84: {  	v26 =	vimm.f32 $0.0e+00;
	v27 =	vimm.f32 $0.0e+00;
	v5 =	vld [tilespmem:s14+$0x20]  }
0x85: {  	v25 =	vimm.f32 $0.0e+00;
	v19 =	vimm.f32 $0.0e+00;
	v15 =	vimm.f32 $0.0e+00;
	v9 =	vld [tilespmem:s14+$0x50]  }
0x86: {  	v21 =	vld [tilespmem:s14+$0xFFFFFFF0];
	v3 =	vmul.f32 v8, v8;
	v6 =	vadd.f32 v10, v15;
	v10 =	vmul.f32 v10, v10  }
0x87: {  	v33 =	vadd.f32 v23, v15;
	v31 =	vadd.f32 v4, v15;
	v4 =	vmul.f32 v4, v4  }
0x88: {  	v20 =	vld [tilespmem:s14+$0x0];
	v12 =	vmul.f32 v7, v7;
	v13 =	vadd.f32 v16, v15;
	v14 =	vmul.f32 v30, v30  }
0x89: {  	v32 =	vld [tilespmem:s14+$0xFFFFFFC0];
	v18 =	vmul.f32 v5, v5;
	v10 =	vadd.f32 v10, v15;
	v17 =	vadd.f32 v4, v15  }
0x8a: {  	v24 =	vld [tilespmem:s14+$0x30];
	v35 =	vmul.f32 v11, v11;
	v34 =	vadd.f32 v12, v15;
	v4 =	vadd.f32 v9, v13  }
0x8b: {  	v28 =	vmul.f32 v21, v21;
	v22 =	vadd.f32 v14, v15;
	v13 =	vadd.f32 v18, v17;
	v17 =	vld [tilespmem:s14+$0x70]  }
0x8c: {  	s0 =	simm.s32 $0x10380;
	s22 =	simm.s32 $0x0;
	v29 =	vld [tilespmem:s14+$0x40];
	v12 =	vimm.f32 $0.0e+00;
	v14 =	vimm.f32 $0.0e+00;
	v18 =	vimm.f32 $0.0e+00  }
.LBB2_5:
0x8d: {  	v36 =	vld [tilespmem:s0+$0x60];
	s22 =	sadd.s32 $0x2, s22;
	v15 =	vadd.f32 v30, v15;
	v23 =	vmul.f32 v23, v23;
	v34 =	vadd.f32 v35, v34  }
0x8e: {  	v25 =	vadd.f32 v7, v25;
	v33 =	vadd.f32 v20, v33;
	v35 =	vld [tilespmem:s0+$0x10];
	p0 =	slt.u32 s22, $0x62;
	v37 =	vmul.f32 v32, v32  }
0x8f: {  	v16 =	vmul.f32 v16, v16;
	v31 =	vadd.f32 v5, v31;
	v5 =	vld [tilespmem:s0+$0x20];
	v15 =	vadd.f32 v8, v15  }
0x90: {  	v26 =	vadd.f32 v32, v26;
	v25 =	vadd.f32 v11, v25;
	v7 =	vld [tilespmem:s0+$0xFFFFFF90];
	v30 =	vmul.f32 v17, v17  }
0x91: {  	v19 =	vadd.f32 v21, v19;
	v9 =	vmul.f32 v9, v9;
	v12 =	vadd.f32 v28, v12;
	v32 =	vld [tilespmem:s0+$0x0]  }
0x92: {  	v20 =	vmul.f32 v20, v20;
	v22 =	vadd.f32 v3, v22;
	v21 =	vadd.f32 v23, v27;
	v28 =	vld [tilespmem:s0+$0xFFFFFFA0];
	v8 =	vmovc v36  }
0x93: {  	v19 =	vadd.f32 v17, v19;
	v17 =	vmul.f32 v24, v24;
	v12 =	vadd.f32 v30, v12;
	v38 =	vld [tilespmem:s0+$0xFFFFFFB0];
	v11 =	vmovc v35  }
0x94: {  	v14 =	vadd.f32 v16, v14;
	v26 =	vadd.f32 v29, v26;
	v3 =	vmul.f32 v36, v8;
	v23 =	vld [tilespmem:s0+$0xFFFFFF80]  }
0x95: {  	v6 =	vadd.f32 v24, v6;
	v27 =	vadd.f32 v20, v21;
	v24 =	vmul.f32 v29, v29;
	v16 =	vld [tilespmem:s0+$0xFFFFFFD0]  }
0x96: {  	v18 =	vadd.f32 v37, v18;
	v14 =	vadd.f32 v9, v14;
	v30 =	vld [tilespmem:s0+$0xFFFFFFE0];
	v20 =	vmov v32  }
0x97: {  	v10 =	vadd.f32 v17, v10;
	v9 =	vld [tilespmem:s0+$0x50]  }
0x98: {  	v18 =	vadd.f32 v24, v18;
	v6 =	vadd.f32 v38, v6;
	v21 =	vld [tilespmem:s0+$0xFFFFFFF0];
	v17 =	vmul.f32 v38, v38  }
.Ltmp1:
0x99: {  	v31 =	vadd.f32 v28, v31;
	v24 =	vmul.f32 v28, v28;
	v33 =	vadd.f32 v23, v33;
	(pc) =	sbr.rel @p0 .LBB2_5-.Ltmp1, $4  }
0x9a: {  	v28 =	vmul.f32 v7, v7;
	v32 =	vld [tilespmem:s0+$0xFFFFFFC0];
	v4 =	vadd.f32 v16, v4;
	v10 =	vadd.f32 v17, v10  }
0x9b: {  	v36 =	vmul.f32 v5, v5;
	v13 =	vadd.f32 v24, v13;
	v29 =	vmul.f32 v30, v30;
	v24 =	vld [tilespmem:s0+$0x30]  }
0x9c: {  	v35 =	vmul.f32 v35, v11;
	v34 =	vadd.f32 v28, v34;
	v4 =	vadd.f32 v9, v4;
	v17 =	vld [tilespmem:s0+$0x70]  }
0x9d: {  	v13 =	vadd.f32 v36, v13;
	v22 =	vadd.f32 v29, v22;
	v28 =	vmul.f32 v21, v21;
	v29 =	vld [tilespmem:s0+$0x40];
	s0 =	sadd.s32 $0x100, s0  }
0x9e: {  	v15 =	vadd.f32 v30, v15;
	v30 =	vadd.f32 v35, v34  }
0x9f: {  	v23 =	vmul.f32 v23, v23;
	v7 =	vadd.f32 v7, v25;
	v25 =	vadd.f32 v20, v33  }
0xa0: {  	v5 =	vadd.f32 v5, v31;
	v16 =	vmul.f32 v16, v16;
	v8 =	vadd.f32 v8, v15  }
0xa1: {  	v7 =	vadd.f32 v11, v7;
	v11 =	vadd.f32 v23, v27;
	v15 =	vmul.f32 v20, v20  }
0xa2: {  	v19 =	vadd.f32 v21, v19;
	v63 =	vmul.f32 v32, v32;
	v20 =	vadd.f32 v32, v26  }
0xa3: {  	v11 =	vadd.f32 v15, v11;
	v15 =	vmul.f32 v25, v25;
	v7 =	vmul.f32 v7, v7  }
0xa4: {  	v21 =	vmul.f32 v24, v24;
	v6 =	vadd.f32 v24, v6;
	v18 =	vadd.f32 v63, v18  }
0xa5: {  	v5 =	vmul.f32 v5, v5;
	v11 =	vsub.f32 v15, v11;
	v7 =	vsub.f32 v7, v30  }
0xa6: {  	v20 =	vadd.f32 v29, v20;
	v10 =	vadd.f32 v21, v10;
	v21 =	vld [tilespmem:$0x1CA70];
	v6 =	vmul.f32 v6, v6  }
0xa7: {  	v5 =	vsub.f32 v5, v13;
	v15 =	vmul.f32 v29, v29;
	v7 =	vadd.f32 v7, v11;
	v11 =	vld [tilespmem:$0x1CA80]  }
0xa8: {  	v9 =	vmul.f32 v9, v9;
	v13 =	vadd.f32 v16, v14;
	v6 =	vsub.f32 v6, v10  }
0xa9: {  	v10 =	vld [tilespmem:$0x1CA90];
	v14 =	vadd.f32 v15, v18;
	v5 =	vadd.f32 v5, v7;
	v7 =	vmul.f32 v20, v20  }
0xaa: {  	v12 =	vadd.f32 v28, v12;
	v9 =	vadd.f32 v9, v13  }
0xab: {  	v4 =	vmul.f32 v4, v4;
	v5 =	vadd.f32 v6, v5;
	v6 =	vsub.f32 v7, v14;
	v7 =	vld [tilespmem:$0x1CAA0]  }
0xac: {  	v3 =	vadd.f32 v3, v22;
	v11 =	vadd.f32 v11, v21  }
0xad: {  	v4 =	vsub.f32 v4, v9;
	v5 =	vadd.f32 v6, v5;
	v6 =	vmul.f32 v8, v8;
	v8 =	vld [tilespmem:$0x1CAB0]  }
0xae: {  	v13 =	vadd.f32 v17, v19;
	v9 =	vmul.f32 v17, v17;
	v10 =	vadd.f32 v10, v11  }
0xaf: {  	v4 =	vadd.f32 v4, v5;
	v3 =	vsub.f32 v6, v3;
	v5 =	vld [tilespmem:$0x1CAC0]  }
0xb0: {  	v6 =	vadd.f32 v9, v12;
	v9 =	vmul.f32 v13, v13;
	v7 =	vadd.f32 v7, v10  }
0xb1: {  	v3 =	vadd.f32 v3, v4;
	v4 =	vld [tilespmem:$0x1CAD0]  }
0xb2: {  	v6 =	vsub.f32 v9, v6;
	v7 =	vadd.f32 v8, v7;
	_ =	sdelay $0x1  }
0xb3: {  	v3 =	vadd.f32 v6, v3;
	v5 =	vadd.f32 v5, v7;
	_ =	sdelay $0x1  }
0xb4: {  	v3 =	vmul.f32 $5.000000000e-01, v3;
	v4 =	vadd.f32 v4, v5;
	_ =	sdelay $0x1  }
0xb5: {  	v3 =	vadd.f32 v4, v3;
	_ =	sdelay $0x1  }
0xb6: {  	s0 =	sadd.s32 $0x270, s19;
	[tilespmem:s21+$0x1CC40] =	vst v3  }
0xb7: {  	[tilespmem:s15], [sflag:$0x2] =	stream.indirect.gather [hbm4b:s1+s11], $0x80, s0, s11, $0xb8;
	[tilespmem:$0x1EE40] =	vst v63  }
0xb8: {  	_ = 	snop  }
0xb9: {  	[tilespmem:s16], [sflag:$0x2] =	stream.indirect.gather [hbm4b:s3+s11], $0x1, s0, s11, $0xb8;
	[tilespmem:$0x1EE40] =	vst v63  }
0xba: {  	_ =	swait.ge [sflag:s29], $0x3200  }
0xbb: {  	[sflag:s29] =	ssyncset.done $0x0  }
0xbc: {  	[sflag:s29] =	ssyncadd.s32 $0xFFFFCE00  }
0xbd: {  	_ =	swait.ge [sflag:s29], $0x64  }
0xbe: {  	[sflag:s29] =	ssyncset.done $0x0  }
0xbf: {  	s14 =	simm.s32 $0x13480;
	[sflag:s29] =	ssyncadd.s32 $0xFFFFFF9C  }
0xc0: {  	v8 =	vld [tilespmem:s14+$0x60]  }
0xc1: {  	v11 =	vld [tilespmem:s14+$0x10]  }
0xc2: {  	v7 =	vld [tilespmem:s14+$0xFFFFFF90]  }
0xc3: {  	v4 =	vld [tilespmem:s14+$0xFFFFFFA0]  }
0xc4: {  	v10 =	vld [tilespmem:s14+$0xFFFFFFB0]  }
0xc5: {  	v23 =	vld [tilespmem:s14+$0xFFFFFF80]  }
0xc6: {  	v16 =	vld [tilespmem:s14+$0xFFFFFFD0]  }
0xc7: {  	v30 =	vld [tilespmem:s14+$0xFFFFFFE0]  }
0xc8: {  	v26 =	vimm.f32 $0.0e+00;
	v27 =	vimm.f32 $0.0e+00;
	v5 =	vld [tilespmem:s14+$0x20]  }
0xc9: {  	v25 =	vimm.f32 $0.0e+00;
	v19 =	vimm.f32 $0.0e+00;
	v15 =	vimm.f32 $0.0e+00;
	v9 =	vld [tilespmem:s14+$0x50]  }
0xca: {  	v21 =	vld [tilespmem:s14+$0xFFFFFFF0];
	v3 =	vmul.f32 v8, v8;
	v6 =	vadd.f32 v10, v15;
	v10 =	vmul.f32 v10, v10  }
0xcb: {  	v33 =	vadd.f32 v23, v15;
	v31 =	vadd.f32 v4, v15;
	v4 =	vmul.f32 v4, v4  }
0xcc: {  	v20 =	vld [tilespmem:s14+$0x0];
	v12 =	vmul.f32 v7, v7;
	v13 =	vadd.f32 v16, v15;
	v14 =	vmul.f32 v30, v30  }
0xcd: {  	v32 =	vld [tilespmem:s14+$0xFFFFFFC0];
	v18 =	vmul.f32 v5, v5;
	v10 =	vadd.f32 v10, v15;
	v17 =	vadd.f32 v4, v15  }
0xce: {  	v24 =	vld [tilespmem:s14+$0x30];
	v35 =	vmul.f32 v11, v11;
	v34 =	vadd.f32 v12, v15;
	v4 =	vadd.f32 v9, v13  }
0xcf: {  	v28 =	vmul.f32 v21, v21;
	v22 =	vadd.f32 v14, v15;
	v13 =	vadd.f32 v18, v17;
	v17 =	vld [tilespmem:s14+$0x70]  }
0xd0: {  	s22 =	simm.s32 $0x0;
	s0 =	simm.s32 $0x13580;
	v29 =	vld [tilespmem:s14+$0x40];
	v12 =	vimm.f32 $0.0e+00;
	v14 =	vimm.f32 $0.0e+00;
	v18 =	vimm.f32 $0.0e+00  }
.LBB2_7:
0xd1: {  	v36 =	vld [tilespmem:s0+$0x60];
	s22 =	sadd.s32 $0x2, s22;
	v15 =	vadd.f32 v30, v15;
	v23 =	vmul.f32 v23, v23;
	v34 =	vadd.f32 v35, v34  }
0xd2: {  	v25 =	vadd.f32 v7, v25;
	v33 =	vadd.f32 v20, v33;
	v35 =	vld [tilespmem:s0+$0x10];
	p0 =	slt.u32 s22, $0x62;
	v37 =	vmul.f32 v32, v32  }
0xd3: {  	v16 =	vmul.f32 v16, v16;
	v31 =	vadd.f32 v5, v31;
	v5 =	vld [tilespmem:s0+$0x20];
	v15 =	vadd.f32 v8, v15  }
0xd4: {  	v26 =	vadd.f32 v32, v26;
	v25 =	vadd.f32 v11, v25;
	v7 =	vld [tilespmem:s0+$0xFFFFFF90];
	v30 =	vmul.f32 v17, v17  }
0xd5: {  	v19 =	vadd.f32 v21, v19;
	v9 =	vmul.f32 v9, v9;
	v12 =	vadd.f32 v28, v12;
	v32 =	vld [tilespmem:s0+$0x0]  }
0xd6: {  	v20 =	vmul.f32 v20, v20;
	v22 =	vadd.f32 v3, v22;
	v21 =	vadd.f32 v23, v27;
	v28 =	vld [tilespmem:s0+$0xFFFFFFA0];
	v8 =	vmovc v36  }
0xd7: {  	v19 =	vadd.f32 v17, v19;
	v17 =	vmul.f32 v24, v24;
	v12 =	vadd.f32 v30, v12;
	v38 =	vld [tilespmem:s0+$0xFFFFFFB0];
	v11 =	vmovc v35  }
0xd8: {  	v14 =	vadd.f32 v16, v14;
	v26 =	vadd.f32 v29, v26;
	v3 =	vmul.f32 v36, v8;
	v23 =	vld [tilespmem:s0+$0xFFFFFF80]  }
0xd9: {  	v6 =	vadd.f32 v24, v6;
	v27 =	vadd.f32 v20, v21;
	v24 =	vmul.f32 v29, v29;
	v16 =	vld [tilespmem:s0+$0xFFFFFFD0]  }
0xda: {  	v18 =	vadd.f32 v37, v18;
	v14 =	vadd.f32 v9, v14;
	v30 =	vld [tilespmem:s0+$0xFFFFFFE0];
	v20 =	vmov v32  }
0xdb: {  	v10 =	vadd.f32 v17, v10;
	v9 =	vld [tilespmem:s0+$0x50]  }
0xdc: {  	v18 =	vadd.f32 v24, v18;
	v6 =	vadd.f32 v38, v6;
	v21 =	vld [tilespmem:s0+$0xFFFFFFF0];
	v17 =	vmul.f32 v38, v38  }
.Ltmp2:
0xdd: {  	v31 =	vadd.f32 v28, v31;
	v24 =	vmul.f32 v28, v28;
	v33 =	vadd.f32 v23, v33;
	(pc) =	sbr.rel @p0 .LBB2_7-.Ltmp2, $4  }
0xde: {  	v28 =	vmul.f32 v7, v7;
	v32 =	vld [tilespmem:s0+$0xFFFFFFC0];
	v4 =	vadd.f32 v16, v4;
	v10 =	vadd.f32 v17, v10  }
0xdf: {  	v36 =	vmul.f32 v5, v5;
	v13 =	vadd.f32 v24, v13;
	v29 =	vmul.f32 v30, v30;
	v24 =	vld [tilespmem:s0+$0x30]  }
0xe0: {  	v35 =	vmul.f32 v35, v11;
	v34 =	vadd.f32 v28, v34;
	v4 =	vadd.f32 v9, v4;
	v17 =	vld [tilespmem:s0+$0x70]  }
0xe1: {  	v13 =	vadd.f32 v36, v13;
	v22 =	vadd.f32 v29, v22;
	v28 =	vmul.f32 v21, v21;
	v29 =	vld [tilespmem:s0+$0x40];
	s0 =	sadd.s32 $0x100, s0  }
0xe2: {  	v15 =	vadd.f32 v30, v15;
	v30 =	vadd.f32 v35, v34  }
0xe3: {  	v23 =	vmul.f32 v23, v23;
	v7 =	vadd.f32 v7, v25;
	v25 =	vadd.f32 v20, v33  }
0xe4: {  	v5 =	vadd.f32 v5, v31;
	v16 =	vmul.f32 v16, v16;
	v8 =	vadd.f32 v8, v15  }
0xe5: {  	v7 =	vadd.f32 v11, v7;
	v11 =	vadd.f32 v23, v27;
	v15 =	vmul.f32 v20, v20  }
0xe6: {  	v19 =	vadd.f32 v21, v19;
	v63 =	vmul.f32 v32, v32;
	v20 =	vadd.f32 v32, v26  }
0xe7: {  	v11 =	vadd.f32 v15, v11;
	v15 =	vmul.f32 v25, v25;
	v7 =	vmul.f32 v7, v7  }
0xe8: {  	v21 =	vmul.f32 v24, v24;
	v6 =	vadd.f32 v24, v6;
	v18 =	vadd.f32 v63, v18  }
0xe9: {  	v5 =	vmul.f32 v5, v5;
	v11 =	vsub.f32 v15, v11;
	v7 =	vsub.f32 v7, v30  }
0xea: {  	v20 =	vadd.f32 v29, v20;
	v10 =	vadd.f32 v21, v10;
	v21 =	vld [tilespmem:$0x1CAE0];
	v6 =	vmul.f32 v6, v6  }
0xeb: {  	v5 =	vsub.f32 v5, v13;
	v15 =	vmul.f32 v29, v29;
	v7 =	vadd.f32 v7, v11;
	v11 =	vld [tilespmem:$0x1CAF0]  }
0xec: {  	v9 =	vmul.f32 v9, v9;
	v13 =	vadd.f32 v16, v14;
	v6 =	vsub.f32 v6, v10  }
0xed: {  	v10 =	vld [tilespmem:$0x1CB00];
	v14 =	vadd.f32 v15, v18;
	v5 =	vadd.f32 v5, v7;
	v7 =	vmul.f32 v20, v20  }
0xee: {  	v12 =	vadd.f32 v28, v12;
	v9 =	vadd.f32 v9, v13  }
0xef: {  	v4 =	vmul.f32 v4, v4;
	v5 =	vadd.f32 v6, v5;
	v6 =	vsub.f32 v7, v14;
	v7 =	vld [tilespmem:$0x1CB10]  }
0xf0: {  	v3 =	vadd.f32 v3, v22;
	v11 =	vadd.f32 v11, v21  }
0xf1: {  	v4 =	vsub.f32 v4, v9;
	v5 =	vadd.f32 v6, v5;
	v6 =	vmul.f32 v8, v8;
	v8 =	vld [tilespmem:$0x1CB20]  }
0xf2: {  	v13 =	vadd.f32 v17, v19;
	v9 =	vmul.f32 v17, v17;
	v10 =	vadd.f32 v10, v11  }
0xf3: {  	v4 =	vadd.f32 v4, v5;
	v3 =	vsub.f32 v6, v3;
	v5 =	vld [tilespmem:$0x1CB30]  }
0xf4: {  	v6 =	vadd.f32 v9, v12;
	v9 =	vmul.f32 v13, v13;
	v7 =	vadd.f32 v7, v10  }
0xf5: {  	v3 =	vadd.f32 v3, v4;
	v4 =	vld [tilespmem:$0x1CB40]  }
0xf6: {  	v6 =	vsub.f32 v9, v6;
	v7 =	vadd.f32 v8, v7;
	_ =	sdelay $0x1  }
0xf7: {  	v3 =	vadd.f32 v6, v3;
	v5 =	vadd.f32 v5, v7;
	_ =	sdelay $0x1  }
0xf8: {  	v3 =	vmul.f32 $5.000000000e-01, v3;
	v4 =	vadd.f32 v4, v5;
	_ =	sdelay $0x1  }
0xf9: {  	v3 =	vadd.f32 v4, v3  }
0xfa: {  	p0 =	seq.s32 s18, $0x65  }
0xfb: {  	s0 =	sadd.s32 @!p0 $0x2D8, s19;
	s22 =	simm.s32 @!p0 $0x64;
	s14 =	simm.s32 @!p0 $0x13400;
	[tilespmem:s21+$0x1CC50] =	vst v3  }
0xfc: {  	[tilespmem:s14], [sflag:$0x3] =	stream.indirect.gather @!p0 [hbm4b:s1+s22], $0x80, s0, s22, $0xb8;
	[tilespmem:$0x1EE40] =	vst v63  }
0xfd: {  	s14 =	simm.s32 @!p0 $0x1CAE0  }
0xfe: {  	[tilespmem:s14], [sflag:$0x3] =	stream.indirect.gather @!p0 [hbm4b:s3+s22], $0x1, s0, s22, $0xb8;
	[tilespmem:$0x1EE40] =	vst v63  }
0xff: {  	_ =	swait.ge [sflag:s30], $0x3200  }
0x100: {  	[sflag:s30] =	ssyncset.done $0x0  }
0x101: {  	[sflag:s30] =	ssyncadd.s32 $0xFFFFCE00  }
0x102: {  	_ =	swait.ge [sflag:s30], $0x64  }
0x103: {  	[sflag:s30] =	ssyncset.done $0x0  }
0x104: {  	s14 =	simm.s32 $0x16680;
	[sflag:s30] =	ssyncadd.s32 $0xFFFFFF9C  }
0x105: {  	v8 =	vld [tilespmem:s14+$0x60]  }
0x106: {  	v11 =	vld [tilespmem:s14+$0x10]  }
0x107: {  	v7 =	vld [tilespmem:s14+$0xFFFFFF90]  }
0x108: {  	v4 =	vld [tilespmem:s14+$0xFFFFFFA0]  }
0x109: {  	v10 =	vld [tilespmem:s14+$0xFFFFFFB0]  }
0x10a: {  	v23 =	vld [tilespmem:s14+$0xFFFFFF80]  }
0x10b: {  	v16 =	vld [tilespmem:s14+$0xFFFFFFD0]  }
0x10c: {  	v30 =	vld [tilespmem:s14+$0xFFFFFFE0]  }
0x10d: {  	v26 =	vimm.f32 $0.0e+00;
	v27 =	vimm.f32 $0.0e+00;
	v5 =	vld [tilespmem:s14+$0x20]  }
0x10e: {  	v25 =	vimm.f32 $0.0e+00;
	v19 =	vimm.f32 $0.0e+00;
	v15 =	vimm.f32 $0.0e+00;
	v9 =	vld [tilespmem:s14+$0x50]  }
0x10f: {  	v21 =	vld [tilespmem:s14+$0xFFFFFFF0];
	v3 =	vmul.f32 v8, v8;
	v6 =	vadd.f32 v10, v15;
	v10 =	vmul.f32 v10, v10  }
0x110: {  	v33 =	vadd.f32 v23, v15;
	v31 =	vadd.f32 v4, v15;
	v4 =	vmul.f32 v4, v4  }
0x111: {  	v20 =	vld [tilespmem:s14+$0x0];
	v12 =	vmul.f32 v7, v7;
	v13 =	vadd.f32 v16, v15;
	v14 =	vmul.f32 v30, v30  }
0x112: {  	v32 =	vld [tilespmem:s14+$0xFFFFFFC0];
	v18 =	vmul.f32 v5, v5;
	v10 =	vadd.f32 v10, v15;
	v17 =	vadd.f32 v4, v15  }
0x113: {  	v24 =	vld [tilespmem:s14+$0x30];
	v35 =	vmul.f32 v11, v11;
	v34 =	vadd.f32 v12, v15;
	v4 =	vadd.f32 v9, v13  }
0x114: {  	v28 =	vmul.f32 v21, v21;
	v22 =	vadd.f32 v14, v15;
	v13 =	vadd.f32 v18, v17;
	v17 =	vld [tilespmem:s14+$0x70]  }
0x115: {  	s22 =	simm.s32 $0x0;
	s0 =	simm.s32 $0x16780;
	v29 =	vld [tilespmem:s14+$0x40];
	v12 =	vimm.f32 $0.0e+00;
	v14 =	vimm.f32 $0.0e+00;
	v18 =	vimm.f32 $0.0e+00  }
.LBB2_9:
0x116: {  	v36 =	vld [tilespmem:s0+$0x60];
	s22 =	sadd.s32 $0x2, s22;
	v15 =	vadd.f32 v30, v15;
	v23 =	vmul.f32 v23, v23;
	v34 =	vadd.f32 v35, v34  }
0x117: {  	v25 =	vadd.f32 v7, v25;
	v33 =	vadd.f32 v20, v33;
	v35 =	vld [tilespmem:s0+$0x10];
	p1 =	slt.u32 s22, $0x62;
	v37 =	vmul.f32 v32, v32  }
0x118: {  	v16 =	vmul.f32 v16, v16;
	v31 =	vadd.f32 v5, v31;
	v5 =	vld [tilespmem:s0+$0x20];
	v15 =	vadd.f32 v8, v15  }
0x119: {  	v26 =	vadd.f32 v32, v26;
	v25 =	vadd.f32 v11, v25;
	v7 =	vld [tilespmem:s0+$0xFFFFFF90];
	v30 =	vmul.f32 v17, v17  }
0x11a: {  	v19 =	vadd.f32 v21, v19;
	v9 =	vmul.f32 v9, v9;
	v12 =	vadd.f32 v28, v12;
	v32 =	vld [tilespmem:s0+$0x0]  }
0x11b: {  	v20 =	vmul.f32 v20, v20;
	v22 =	vadd.f32 v3, v22;
	v21 =	vadd.f32 v23, v27;
	v28 =	vld [tilespmem:s0+$0xFFFFFFA0];
	v8 =	vmovc v36  }
0x11c: {  	v19 =	vadd.f32 v17, v19;
	v17 =	vmul.f32 v24, v24;
	v12 =	vadd.f32 v30, v12;
	v38 =	vld [tilespmem:s0+$0xFFFFFFB0];
	v11 =	vmovc v35  }
0x11d: {  	v14 =	vadd.f32 v16, v14;
	v26 =	vadd.f32 v29, v26;
	v3 =	vmul.f32 v36, v8;
	v23 =	vld [tilespmem:s0+$0xFFFFFF80]  }
0x11e: {  	v6 =	vadd.f32 v24, v6;
	v27 =	vadd.f32 v20, v21;
	v24 =	vmul.f32 v29, v29;
	v16 =	vld [tilespmem:s0+$0xFFFFFFD0]  }
0x11f: {  	v18 =	vadd.f32 v37, v18;
	v14 =	vadd.f32 v9, v14;
	v30 =	vld [tilespmem:s0+$0xFFFFFFE0];
	v20 =	vmov v32  }
0x120: {  	v10 =	vadd.f32 v17, v10;
	v9 =	vld [tilespmem:s0+$0x50]  }
0x121: {  	v18 =	vadd.f32 v24, v18;
	v6 =	vadd.f32 v38, v6;
	v21 =	vld [tilespmem:s0+$0xFFFFFFF0];
	v17 =	vmul.f32 v38, v38  }
.Ltmp3:
0x122: {  	v31 =	vadd.f32 v28, v31;
	v24 =	vmul.f32 v28, v28;
	v33 =	vadd.f32 v23, v33;
	(pc) =	sbr.rel @p1 .LBB2_9-.Ltmp3, $4  }
0x123: {  	v28 =	vmul.f32 v7, v7;
	v32 =	vld [tilespmem:s0+$0xFFFFFFC0];
	v4 =	vadd.f32 v16, v4;
	v10 =	vadd.f32 v17, v10  }
0x124: {  	v36 =	vmul.f32 v5, v5;
	v13 =	vadd.f32 v24, v13;
	v29 =	vmul.f32 v30, v30;
	v24 =	vld [tilespmem:s0+$0x30]  }
0x125: {  	v35 =	vmul.f32 v35, v11;
	v34 =	vadd.f32 v28, v34;
	v4 =	vadd.f32 v9, v4;
	v17 =	vld [tilespmem:s0+$0x70]  }
0x126: {  	v13 =	vadd.f32 v36, v13;
	v22 =	vadd.f32 v29, v22;
	v28 =	vmul.f32 v21, v21;
	v29 =	vld [tilespmem:s0+$0x40];
	s0 =	sadd.s32 $0x100, s0  }
0x127: {  	v15 =	vadd.f32 v30, v15;
	v30 =	vadd.f32 v35, v34  }
0x128: {  	v23 =	vmul.f32 v23, v23;
	v7 =	vadd.f32 v7, v25;
	v25 =	vadd.f32 v20, v33  }
0x129: {  	v5 =	vadd.f32 v5, v31;
	v16 =	vmul.f32 v16, v16;
	v8 =	vadd.f32 v8, v15  }
0x12a: {  	v7 =	vadd.f32 v11, v7;
	v11 =	vadd.f32 v23, v27;
	v15 =	vmul.f32 v20, v20  }
0x12b: {  	v19 =	vadd.f32 v21, v19;
	v63 =	vmul.f32 v32, v32;
	v20 =	vadd.f32 v32, v26  }
0x12c: {  	v11 =	vadd.f32 v15, v11;
	v15 =	vmul.f32 v25, v25;
	v7 =	vmul.f32 v7, v7  }
0x12d: {  	v21 =	vmul.f32 v24, v24;
	v6 =	vadd.f32 v24, v6;
	v18 =	vadd.f32 v63, v18  }
0x12e: {  	v5 =	vmul.f32 v5, v5;
	v11 =	vsub.f32 v15, v11;
	v7 =	vsub.f32 v7, v30  }
0x12f: {  	v20 =	vadd.f32 v29, v20;
	v10 =	vadd.f32 v21, v10;
	v21 =	vld [tilespmem:$0x1CB50];
	v6 =	vmul.f32 v6, v6  }
0x130: {  	v5 =	vsub.f32 v5, v13;
	v15 =	vmul.f32 v29, v29;
	v7 =	vadd.f32 v7, v11;
	v11 =	vld [tilespmem:$0x1CB60]  }
0x131: {  	v9 =	vmul.f32 v9, v9;
	v13 =	vadd.f32 v16, v14;
	v6 =	vsub.f32 v6, v10  }
0x132: {  	v10 =	vld [tilespmem:$0x1CB70];
	v14 =	vadd.f32 v15, v18;
	v5 =	vadd.f32 v5, v7;
	v7 =	vmul.f32 v20, v20  }
0x133: {  	v12 =	vadd.f32 v28, v12;
	v9 =	vadd.f32 v9, v13  }
0x134: {  	v4 =	vmul.f32 v4, v4;
	v5 =	vadd.f32 v6, v5;
	v6 =	vsub.f32 v7, v14;
	v7 =	vld [tilespmem:$0x1CB80]  }
0x135: {  	v3 =	vadd.f32 v3, v22;
	v11 =	vadd.f32 v11, v21  }
0x136: {  	v4 =	vsub.f32 v4, v9;
	v5 =	vadd.f32 v6, v5;
	v6 =	vmul.f32 v8, v8;
	v8 =	vld [tilespmem:$0x1CB90]  }
0x137: {  	v13 =	vadd.f32 v17, v19;
	v9 =	vmul.f32 v17, v17;
	v10 =	vadd.f32 v10, v11  }
0x138: {  	v4 =	vadd.f32 v4, v5;
	v3 =	vsub.f32 v6, v3;
	v5 =	vld [tilespmem:$0x1CBA0]  }
0x139: {  	v6 =	vadd.f32 v9, v12;
	v9 =	vmul.f32 v13, v13;
	v7 =	vadd.f32 v7, v10  }
0x13a: {  	v3 =	vadd.f32 v3, v4;
	v4 =	vld [tilespmem:$0x1CBB0]  }
0x13b: {  	v6 =	vsub.f32 v9, v6;
	v7 =	vadd.f32 v8, v7;
	_ =	sdelay $0x1  }
0x13c: {  	v3 =	vadd.f32 v6, v3;
	v5 =	vadd.f32 v5, v7;
	_ =	sdelay $0x1  }
0x13d: {  	v3 =	vmul.f32 $5.000000000e-01, v3;
	v4 =	vadd.f32 v4, v5;
	_ =	sdelay $0x1  }
0x13e: {  	v3 =	vadd.f32 v4, v3;
	_ =	sdelay $0x1  }
0x13f: {  	s0 =	sadd.s32 @!p0 $0x340, s19;
	s14 =	simm.s32 @!p0 $0x64;
	s22 =	simm.s32 @!p0 $0x16600;
	[tilespmem:s21+$0x1CC60] =	vst v3  }
0x140: {  	[tilespmem:s22], [sflag:$0x4] =	stream.indirect.gather @!p0 [hbm4b:s1+s14], $0x80, s0, s14, $0xb8;
	[tilespmem:$0x1EE40] =	vst v63  }
0x141: {  	s22 =	simm.s32 @!p0 $0x1CB50  }
0x142: {  	[tilespmem:s22], [sflag:$0x4] =	stream.indirect.gather @!p0 [hbm4b:s3+s14], $0x1, s0, s14, $0xb8;
	[tilespmem:$0x1EE40] =	vst v63  }
0x143: {  	_ =	swait.ge [sflag:s31], $0x3200  }
0x144: {  	[sflag:s31] =	ssyncset.done $0x0  }
0x145: {  	[sflag:s31] =	ssyncadd.s32 $0xFFFFCE00  }
0x146: {  	_ =	swait.ge [sflag:s31], $0x64  }
0x147: {  	[sflag:s31] =	ssyncset.done $0x0  }
0x148: {  	s14 =	simm.s32 $0x19880;
	[sflag:s31] =	ssyncadd.s32 $0xFFFFFF9C  }
0x149: {  	v8 =	vld [tilespmem:s14+$0x60]  }
0x14a: {  	v11 =	vld [tilespmem:s14+$0x10]  }
0x14b: {  	v7 =	vld [tilespmem:s14+$0xFFFFFF90]  }
0x14c: {  	v4 =	vld [tilespmem:s14+$0xFFFFFFA0]  }
0x14d: {  	v10 =	vld [tilespmem:s14+$0xFFFFFFB0]  }
0x14e: {  	v23 =	vld [tilespmem:s14+$0xFFFFFF80]  }
0x14f: {  	v16 =	vld [tilespmem:s14+$0xFFFFFFD0]  }
0x150: {  	v30 =	vld [tilespmem:s14+$0xFFFFFFE0]  }
0x151: {  	v26 =	vimm.f32 $0.0e+00;
	v27 =	vimm.f32 $0.0e+00;
	v5 =	vld [tilespmem:s14+$0x20]  }
0x152: {  	v25 =	vimm.f32 $0.0e+00;
	v19 =	vimm.f32 $0.0e+00;
	v15 =	vimm.f32 $0.0e+00;
	v9 =	vld [tilespmem:s14+$0x50]  }
0x153: {  	v21 =	vld [tilespmem:s14+$0xFFFFFFF0];
	v3 =	vmul.f32 v8, v8;
	v6 =	vadd.f32 v10, v15;
	v10 =	vmul.f32 v10, v10  }
0x154: {  	v33 =	vadd.f32 v23, v15;
	v31 =	vadd.f32 v4, v15;
	v4 =	vmul.f32 v4, v4  }
0x155: {  	v20 =	vld [tilespmem:s14+$0x0];
	v12 =	vmul.f32 v7, v7;
	v13 =	vadd.f32 v16, v15;
	v14 =	vmul.f32 v30, v30  }
0x156: {  	v32 =	vld [tilespmem:s14+$0xFFFFFFC0];
	v18 =	vmul.f32 v5, v5;
	v10 =	vadd.f32 v10, v15;
	v17 =	vadd.f32 v4, v15  }
0x157: {  	v24 =	vld [tilespmem:s14+$0x30];
	v35 =	vmul.f32 v11, v11;
	v34 =	vadd.f32 v12, v15;
	v4 =	vadd.f32 v9, v13  }
0x158: {  	v28 =	vmul.f32 v21, v21;
	v22 =	vadd.f32 v14, v15;
	v13 =	vadd.f32 v18, v17;
	v17 =	vld [tilespmem:s14+$0x70]  }
0x159: {  	s22 =	simm.s32 $0x0;
	s0 =	simm.s32 $0x19980;
	v29 =	vld [tilespmem:s14+$0x40];
	v12 =	vimm.f32 $0.0e+00;
	v14 =	vimm.f32 $0.0e+00;
	v18 =	vimm.f32 $0.0e+00  }
.LBB2_11:
0x15a: {  	v36 =	vld [tilespmem:s0+$0x60];
	s22 =	sadd.s32 $0x2, s22;
	v15 =	vadd.f32 v30, v15;
	v23 =	vmul.f32 v23, v23;
	v34 =	vadd.f32 v35, v34  }
0x15b: {  	v25 =	vadd.f32 v7, v25;
	v33 =	vadd.f32 v20, v33;
	v35 =	vld [tilespmem:s0+$0x10];
	p1 =	slt.u32 s22, $0x62;
	v37 =	vmul.f32 v32, v32  }
0x15c: {  	v16 =	vmul.f32 v16, v16;
	v31 =	vadd.f32 v5, v31;
	v5 =	vld [tilespmem:s0+$0x20];
	v15 =	vadd.f32 v8, v15  }
0x15d: {  	v26 =	vadd.f32 v32, v26;
	v25 =	vadd.f32 v11, v25;
	v7 =	vld [tilespmem:s0+$0xFFFFFF90];
	v30 =	vmul.f32 v17, v17  }
0x15e: {  	v19 =	vadd.f32 v21, v19;
	v9 =	vmul.f32 v9, v9;
	v12 =	vadd.f32 v28, v12;
	v32 =	vld [tilespmem:s0+$0x0]  }
0x15f: {  	v20 =	vmul.f32 v20, v20;
	v22 =	vadd.f32 v3, v22;
	v21 =	vadd.f32 v23, v27;
	v28 =	vld [tilespmem:s0+$0xFFFFFFA0];
	v8 =	vmovc v36  }
0x160: {  	v19 =	vadd.f32 v17, v19;
	v17 =	vmul.f32 v24, v24;
	v12 =	vadd.f32 v30, v12;
	v38 =	vld [tilespmem:s0+$0xFFFFFFB0];
	v11 =	vmovc v35  }
0x161: {  	v14 =	vadd.f32 v16, v14;
	v26 =	vadd.f32 v29, v26;
	v3 =	vmul.f32 v36, v8;
	v23 =	vld [tilespmem:s0+$0xFFFFFF80]  }
0x162: {  	v6 =	vadd.f32 v24, v6;
	v27 =	vadd.f32 v20, v21;
	v24 =	vmul.f32 v29, v29;
	v16 =	vld [tilespmem:s0+$0xFFFFFFD0]  }
0x163: {  	v18 =	vadd.f32 v37, v18;
	v14 =	vadd.f32 v9, v14;
	v30 =	vld [tilespmem:s0+$0xFFFFFFE0];
	v20 =	vmov v32  }
0x164: {  	v10 =	vadd.f32 v17, v10;
	v9 =	vld [tilespmem:s0+$0x50]  }
0x165: {  	v18 =	vadd.f32 v24, v18;
	v6 =	vadd.f32 v38, v6;
	v21 =	vld [tilespmem:s0+$0xFFFFFFF0];
	v17 =	vmul.f32 v38, v38  }
.Ltmp4:
0x166: {  	v31 =	vadd.f32 v28, v31;
	v24 =	vmul.f32 v28, v28;
	v33 =	vadd.f32 v23, v33;
	(pc) =	sbr.rel @p1 .LBB2_11-.Ltmp4, $4  }
0x167: {  	v28 =	vmul.f32 v7, v7;
	v32 =	vld [tilespmem:s0+$0xFFFFFFC0];
	v4 =	vadd.f32 v16, v4;
	v10 =	vadd.f32 v17, v10  }
0x168: {  	v36 =	vmul.f32 v5, v5;
	v13 =	vadd.f32 v24, v13;
	v29 =	vmul.f32 v30, v30;
	v24 =	vld [tilespmem:s0+$0x30]  }
0x169: {  	v35 =	vmul.f32 v35, v11;
	v34 =	vadd.f32 v28, v34;
	v4 =	vadd.f32 v9, v4;
	v17 =	vld [tilespmem:s0+$0x70]  }
0x16a: {  	v13 =	vadd.f32 v36, v13;
	v22 =	vadd.f32 v29, v22;
	v28 =	vmul.f32 v21, v21;
	v29 =	vld [tilespmem:s0+$0x40];
	s0 =	sadd.s32 $0x100, s0  }
0x16b: {  	v15 =	vadd.f32 v30, v15;
	v39 =	vadd.f32 v35, v34  }
0x16c: {  	v23 =	vmul.f32 v23, v23;
	v7 =	vadd.f32 v7, v25;
	v40 =	vadd.f32 v20, v33  }
0x16d: {  	v5 =	vadd.f32 v5, v31;
	v43 =	vmul.f32 v20, v20;
	v19 =	vadd.f32 v21, v19  }
0x16e: {  	v16 =	vmul.f32 v16, v16;
	v44 =	vadd.f32 v32, v26;
	v12 =	vadd.f32 v28, v12  }
0x16f: {  	v9 =	vmul.f32 v9, v9;
	v7 =	vadd.f32 v11, v7;
	v42 =	vadd.f32 v23, v27  }
0x170: {  	v41 =	vmul.f32 v32, v32;
	v3 =	vadd.f32 v3, v22;
	v8 =	vadd.f32 v8, v15  }
0x171: {  	v45 =	vmul.f32 v40, v40;
	v11 =	vadd.f32 v43, v42;
	v7 =	vmul.f32 v7, v7  }
0x172: {  	v46 =	vmul.f32 v24, v24;
	v6 =	vadd.f32 v24, v6;
	v18 =	vadd.f32 v41, v18  }
0x173: {  	v48 =	vld [tilespmem:$0x1CBC0];
	v5 =	vmul.f32 v5, v5;
	v11 =	vsub.f32 v45, v11;
	v7 =	vsub.f32 v7, v39  }
0x174: {  	v49 =	vld [tilespmem:$0x1CBD0];
	v20 =	vadd.f32 v29, v44;
	v47 =	vmul.f32 v29, v29;
	v10 =	vadd.f32 v46, v10  }
0x175: {  	v5 =	vsub.f32 v5, v13;
	v6 =	vmul.f32 v6, v6;
	v7 =	vadd.f32 v7, v11  }
0x176: {  	v53 =	vld [tilespmem:$0x1CBE0];
	v50 =	vadd.f32 v16, v14;
	v51 =	vadd.f32 v47, v18;
	v52 =	vmul.f32 v20, v20  }
0x177: {  	v6 =	vsub.f32 v6, v10;
	v5 =	vadd.f32 v5, v7  }
0x178: {  	v4 =	vmul.f32 v4, v4;
	v55 =	vld [tilespmem:$0x1CBF0];
	v9 =	vadd.f32 v9, v50;
	v54 =	vsub.f32 v52, v51  }
0x179: {  	v58 =	vmul.f32 v17, v17;
	v11 =	vadd.f32 v49, v48;
	v5 =	vadd.f32 v6, v5  }
0x17a: {  	v57 =	vld [tilespmem:$0x1CC00];
	v59 =	vadd.f32 v17, v19;
	v56 =	vmul.f32 v8, v8;
	v4 =	vsub.f32 v4, v9  }
0x17b: {  	v10 =	vadd.f32 v53, v11;
	v5 =	vadd.f32 v54, v5  }
0x17c: {  	v60 =	vld [tilespmem:$0x1CC10];
	v61 =	vadd.f32 v58, v12;
	v62 =	vmul.f32 v59, v59;
	v3 =	vsub.f32 v56, v3  }
0x17d: {  	v7 =	vadd.f32 v55, v10;
	v4 =	vadd.f32 v4, v5  }
0x17e: {  	v63 =	vld [tilespmem:$0x1CC20];
	v6 =	vsub.f32 v62, v61  }
0x17f: {  	v7 =	vadd.f32 v57, v7;
	v3 =	vadd.f32 v3, v4;
	_ =	sdelay $0x1  }
0x180: {  	v5 =	vadd.f32 v60, v7;
	v3 =	vadd.f32 v6, v3;
	_ =	sdelay $0x1  }
.Ltmp5:
0x181: {  	v4 =	vadd.f32 v63, v5;
	v3 =	vmul.f32 $5.000000000e-01, v3;
	(pc) =	sbr.rel @p0 .LBB2_14-.Ltmp5, $3  }
0x182: {  	_ = 	snop  }
0x183: {  	v3 =	vadd.f32 v4, v3;
	_ =	sdelay $0x1  }
0x184: {  	[tilespmem:s21+$0x1CC70] =	vst v3  }
.Ltmp6:
0x185: {  	(pc) =	sbr.rel .LBB2_2-.Ltmp6, $4  }
0x186: {  	s0 =	sadd.s32 $0x3A8, s19  }
0x187: {  	[tilespmem:s24], [sflag:$0x5] =	stream.indirect.gather [hbm4b:s1+s11], $0x80, s0, s11, $0xb8;
	[tilespmem:$0x1EE40] =	vst v63  }
0x188: {  	s18 =	sadd.s32 $0x1, s18  }
0x189: {  	[tilespmem:s25], [sflag:$0x5] =	stream.indirect.gather [hbm4b:s3+s11], $0x1, s0, s11, $0xb8;
	[tilespmem:$0x1EE40] =	vst v63  }
.LBB2_14:
0x18a: {  	_ =	swait.ge [sflag:s26], $0x3200  }
0x18b: {  	[sflag:s26] =	ssyncset.done $0x0  }
0x18c: {  	[sflag:s26] =	ssyncadd.s32 $0xFFFFCE00  }
0x18d: {  	_ =	swait.ge [sflag:s26], $0x64  }
0x18e: {  	[sflag:s26] =	ssyncset.done $0x0  }
0x18f: {  	s0 =	simm.s32 $0xD080;
	[sflag:s26] =	ssyncadd.s32 $0xFFFFFF9C  }
0x190: {  	v8 =	vld [tilespmem:s0+$0x60]  }
0x191: {  	v11 =	vld [tilespmem:s0+$0x10]  }
0x192: {  	v7 =	vld [tilespmem:s0+$0xFFFFFF90]  }
0x193: {  	v4 =	vld [tilespmem:s0+$0xFFFFFFA0]  }
0x194: {  	v10 =	vld [tilespmem:s0+$0xFFFFFFB0]  }
0x195: {  	v23 =	vld [tilespmem:s0+$0xFFFFFF80]  }
0x196: {  	v16 =	vld [tilespmem:s0+$0xFFFFFFD0]  }
0x197: {  	v30 =	vld [tilespmem:s0+$0xFFFFFFE0]  }
0x198: {  	v15 =	vimm.f32 $0.0e+00;
	v25 =	vimm.f32 $0.0e+00;
	v5 =	vld [tilespmem:s0+$0x20]  }
0x199: {  	v26 =	vimm.f32 $0.0e+00;
	v19 =	vimm.f32 $0.0e+00;
	v27 =	vimm.f32 $0.0e+00;
	v9 =	vld [tilespmem:s0+$0x50]  }
0x19a: {  	v21 =	vld [tilespmem:s0+$0xFFFFFFF0];
	v3 =	vmul.f32 v8, v8;
	v6 =	vadd.f32 v10, v15;
	v10 =	vmul.f32 v10, v10  }
0x19b: {  	v33 =	vadd.f32 v23, v15;
	v31 =	vadd.f32 v4, v15;
	v4 =	vmul.f32 v4, v4  }
0x19c: {  	v20 =	vld [tilespmem:s0+$0x0];
	v12 =	vmul.f32 v7, v7;
	v13 =	vadd.f32 v16, v15;
	v14 =	vmul.f32 v30, v30  }
0x19d: {  	v32 =	vld [tilespmem:s0+$0xFFFFFFC0];
	v18 =	vmul.f32 v5, v5;
	v10 =	vadd.f32 v10, v15;
	v17 =	vadd.f32 v4, v15  }
0x19e: {  	v24 =	vld [tilespmem:s0+$0x30];
	v35 =	vmul.f32 v11, v11;
	v34 =	vadd.f32 v12, v15;
	v4 =	vadd.f32 v9, v13  }
0x19f: {  	v28 =	vmul.f32 v21, v21;
	v22 =	vadd.f32 v14, v15;
	v13 =	vadd.f32 v18, v17;
	v17 =	vld [tilespmem:s0+$0x70]  }
0x1a0: {  	s18 =	simm.s32 $0x0;
	v29 =	vld [tilespmem:s0+$0x40];
	v12 =	vimm.f32 $0.0e+00;
	v14 =	vimm.f32 $0.0e+00;
	s0 =	simm.s32 $0xD180;
	v18 =	vimm.f32 $0.0e+00  }
.LBB2_15:
0x1a1: {  	v36 =	vld [tilespmem:s0+$0x60];
	s18 =	sadd.s32 $0x2, s18;
	v15 =	vadd.f32 v30, v15;
	v23 =	vmul.f32 v23, v23;
	v34 =	vadd.f32 v35, v34  }
0x1a2: {  	v25 =	vadd.f32 v7, v25;
	v33 =	vadd.f32 v20, v33;
	v35 =	vld [tilespmem:s0+$0x10];
	p0 =	slt.u32 s18, $0x62;
	v37 =	vmul.f32 v32, v32  }
0x1a3: {  	v16 =	vmul.f32 v16, v16;
	v31 =	vadd.f32 v5, v31;
	v5 =	vld [tilespmem:s0+$0x20];
	v15 =	vadd.f32 v8, v15  }
0x1a4: {  	v26 =	vadd.f32 v32, v26;
	v25 =	vadd.f32 v11, v25;
	v7 =	vld [tilespmem:s0+$0xFFFFFF90];
	v30 =	vmul.f32 v17, v17  }
0x1a5: {  	v19 =	vadd.f32 v21, v19;
	v9 =	vmul.f32 v9, v9;
	v12 =	vadd.f32 v28, v12;
	v32 =	vld [tilespmem:s0+$0x0]  }
0x1a6: {  	v20 =	vmul.f32 v20, v20;
	v22 =	vadd.f32 v3, v22;
	v21 =	vadd.f32 v23, v27;
	v28 =	vld [tilespmem:s0+$0xFFFFFFA0];
	v8 =	vmovc v36  }
0x1a7: {  	v19 =	vadd.f32 v17, v19;
	v17 =	vmul.f32 v24, v24;
	v12 =	vadd.f32 v30, v12;
	v38 =	vld [tilespmem:s0+$0xFFFFFFB0];
	v11 =	vmovc v35  }
0x1a8: {  	v14 =	vadd.f32 v16, v14;
	v26 =	vadd.f32 v29, v26;
	v3 =	vmul.f32 v36, v8;
	v23 =	vld [tilespmem:s0+$0xFFFFFF80]  }
0x1a9: {  	v6 =	vadd.f32 v24, v6;
	v27 =	vadd.f32 v20, v21;
	v24 =	vmul.f32 v29, v29;
	v16 =	vld [tilespmem:s0+$0xFFFFFFD0]  }
0x1aa: {  	v18 =	vadd.f32 v37, v18;
	v14 =	vadd.f32 v9, v14;
	v30 =	vld [tilespmem:s0+$0xFFFFFFE0];
	v20 =	vmov v32  }
0x1ab: {  	v10 =	vadd.f32 v17, v10;
	v9 =	vld [tilespmem:s0+$0x50]  }
0x1ac: {  	v18 =	vadd.f32 v24, v18;
	v6 =	vadd.f32 v38, v6;
	v21 =	vld [tilespmem:s0+$0xFFFFFFF0];
	v17 =	vmul.f32 v38, v38  }
.Ltmp7:
0x1ad: {  	v31 =	vadd.f32 v28, v31;
	v24 =	vmul.f32 v28, v28;
	v33 =	vadd.f32 v23, v33;
	(pc) =	sbr.rel @p0 .LBB2_15-.Ltmp7, $4  }
0x1ae: {  	v28 =	vmul.f32 v7, v7;
	v32 =	vld [tilespmem:s0+$0xFFFFFFC0];
	v4 =	vadd.f32 v16, v4;
	v10 =	vadd.f32 v17, v10  }
0x1af: {  	v36 =	vmul.f32 v5, v5;
	v13 =	vadd.f32 v24, v13;
	v29 =	vmul.f32 v30, v30;
	v24 =	vld [tilespmem:s0+$0x30]  }
0x1b0: {  	v35 =	vmul.f32 v35, v11;
	v34 =	vadd.f32 v28, v34;
	v4 =	vadd.f32 v9, v4;
	v17 =	vld [tilespmem:s0+$0x70]  }
0x1b1: {  	v13 =	vadd.f32 v36, v13;
	v22 =	vadd.f32 v29, v22;
	v28 =	vmul.f32 v21, v21;
	v29 =	vld [tilespmem:s0+$0x40];
	s0 =	sadd.s32 $0x100, s0  }
0x1b2: {  	v15 =	vadd.f32 v30, v15;
	v30 =	vadd.f32 v35, v34  }
0x1b3: {  	v23 =	vmul.f32 v23, v23;
	v7 =	vadd.f32 v7, v25;
	v25 =	vadd.f32 v20, v33  }
0x1b4: {  	v5 =	vadd.f32 v5, v31;
	v16 =	vmul.f32 v16, v16;
	v8 =	vadd.f32 v8, v15  }
0x1b5: {  	v7 =	vadd.f32 v11, v7;
	v11 =	vadd.f32 v23, v27;
	v15 =	vmul.f32 v20, v20  }
0x1b6: {  	v19 =	vadd.f32 v21, v19;
	v63 =	vmul.f32 v32, v32;
	v20 =	vadd.f32 v32, v26  }
0x1b7: {  	v11 =	vadd.f32 v15, v11;
	v15 =	vmul.f32 v25, v25;
	v7 =	vmul.f32 v7, v7  }
0x1b8: {  	v21 =	vmul.f32 v24, v24;
	v6 =	vadd.f32 v24, v6;
	v18 =	vadd.f32 v63, v18  }
0x1b9: {  	v5 =	vmul.f32 v5, v5;
	v11 =	vsub.f32 v15, v11;
	v7 =	vsub.f32 v7, v30  }
0x1ba: {  	v20 =	vadd.f32 v29, v20;
	v10 =	vadd.f32 v21, v10;
	v21 =	vld [tilespmem:$0x1CA00];
	v6 =	vmul.f32 v6, v6  }
0x1bb: {  	v5 =	vsub.f32 v5, v13;
	v15 =	vmul.f32 v29, v29;
	v7 =	vadd.f32 v7, v11;
	v11 =	vld [tilespmem:$0x1CA10]  }
0x1bc: {  	v9 =	vmul.f32 v9, v9;
	v13 =	vadd.f32 v16, v14;
	v6 =	vsub.f32 v6, v10  }
0x1bd: {  	v10 =	vld [tilespmem:$0x1CA20];
	v14 =	vadd.f32 v15, v18;
	v5 =	vadd.f32 v5, v7;
	v7 =	vmul.f32 v20, v20  }
0x1be: {  	v12 =	vadd.f32 v28, v12;
	v9 =	vadd.f32 v9, v13  }
0x1bf: {  	v4 =	vmul.f32 v4, v4;
	v5 =	vadd.f32 v6, v5;
	v6 =	vsub.f32 v7, v14;
	v7 =	vld [tilespmem:$0x1CA30]  }
0x1c0: {  	v3 =	vadd.f32 v3, v22;
	v11 =	vadd.f32 v11, v21  }
0x1c1: {  	v4 =	vsub.f32 v4, v9;
	v5 =	vadd.f32 v6, v5;
	v6 =	vmul.f32 v8, v8;
	v8 =	vld [tilespmem:$0x1CA40]  }
0x1c2: {  	v13 =	vadd.f32 v17, v19;
	v9 =	vmul.f32 v17, v17;
	v10 =	vadd.f32 v10, v11  }
0x1c3: {  	v4 =	vadd.f32 v4, v5;
	v3 =	vsub.f32 v6, v3;
	v5 =	vld [tilespmem:$0x1CA50]  }
0x1c4: {  	v6 =	vadd.f32 v9, v12;
	v9 =	vmul.f32 v13, v13;
	v7 =	vadd.f32 v7, v10  }
0x1c5: {  	v3 =	vadd.f32 v3, v4;
	v4 =	vld [tilespmem:$0x1CA60]  }
0x1c6: {  	v6 =	vsub.f32 v9, v6;
	v7 =	vadd.f32 v8, v7;
	_ =	sdelay $0x1  }
0x1c7: {  	v3 =	vadd.f32 v6, v3;
	v5 =	vadd.f32 v5, v7;
	_ =	sdelay $0x1  }
0x1c8: {  	v3 =	vmul.f32 $5.000000000e-01, v3;
	v4 =	vadd.f32 v4, v5;
	_ =	sdelay $0x1  }
0x1c9: {  	v3 =	vadd.f32 v4, v3;
	_ =	sdelay $0x1  }
0x1ca: {  	[tilespmem:$0x1EC10] =	vst v3  }
0x1cb: {  	_ =	swait.ge [sflag:s28], $0x3200  }
0x1cc: {  	[sflag:s28] =	ssyncset.done $0x0  }
0x1cd: {  	[sflag:s28] =	ssyncadd.s32 $0xFFFFCE00  }
0x1ce: {  	_ =	swait.ge [sflag:s28], $0x64  }
0x1cf: {  	[sflag:s28] =	ssyncset.done $0x0  }
0x1d0: {  	s0 =	simm.s32 $0x10280;
	[sflag:s28] =	ssyncadd.s32 $0xFFFFFF9C  }
0x1d1: {  	v8 =	vld [tilespmem:s0+$0x60]  }
0x1d2: {  	v11 =	vld [tilespmem:s0+$0x10]  }
0x1d3: {  	v7 =	vld [tilespmem:s0+$0xFFFFFF90]  }
0x1d4: {  	v4 =	vld [tilespmem:s0+$0xFFFFFFA0]  }
0x1d5: {  	v10 =	vld [tilespmem:s0+$0xFFFFFFB0]  }
0x1d6: {  	v23 =	vld [tilespmem:s0+$0xFFFFFF80]  }
0x1d7: {  	v16 =	vld [tilespmem:s0+$0xFFFFFFD0]  }
0x1d8: {  	v30 =	vld [tilespmem:s0+$0xFFFFFFE0]  }
0x1d9: {  	v26 =	vimm.f32 $0.0e+00;
	v27 =	vimm.f32 $0.0e+00;
	v5 =	vld [tilespmem:s0+$0x20]  }
0x1da: {  	v25 =	vimm.f32 $0.0e+00;
	v19 =	vimm.f32 $0.0e+00;
	v15 =	vimm.f32 $0.0e+00;
	v9 =	vld [tilespmem:s0+$0x50]  }
0x1db: {  	v21 =	vld [tilespmem:s0+$0xFFFFFFF0];
	v3 =	vmul.f32 v8, v8;
	v6 =	vadd.f32 v10, v15;
	v10 =	vmul.f32 v10, v10  }
0x1dc: {  	v33 =	vadd.f32 v23, v15;
	v31 =	vadd.f32 v4, v15;
	v4 =	vmul.f32 v4, v4  }
0x1dd: {  	v20 =	vld [tilespmem:s0+$0x0];
	v12 =	vmul.f32 v7, v7;
	v13 =	vadd.f32 v16, v15;
	v14 =	vmul.f32 v30, v30  }
0x1de: {  	v32 =	vld [tilespmem:s0+$0xFFFFFFC0];
	v18 =	vmul.f32 v5, v5;
	v10 =	vadd.f32 v10, v15;
	v17 =	vadd.f32 v4, v15  }
0x1df: {  	v24 =	vld [tilespmem:s0+$0x30];
	v35 =	vmul.f32 v11, v11;
	v34 =	vadd.f32 v12, v15;
	v4 =	vadd.f32 v9, v13  }
0x1e0: {  	v28 =	vmul.f32 v21, v21;
	v22 =	vadd.f32 v14, v15;
	v13 =	vadd.f32 v18, v17;
	v17 =	vld [tilespmem:s0+$0x70]  }
0x1e1: {  	s18 =	simm.s32 $0x0;
	v29 =	vld [tilespmem:s0+$0x40];
	v12 =	vimm.f32 $0.0e+00;
	v14 =	vimm.f32 $0.0e+00;
	s0 =	simm.s32 $0x10380;
	v18 =	vimm.f32 $0.0e+00  }
.LBB2_17:
0x1e2: {  	v36 =	vld [tilespmem:s0+$0x60];
	s18 =	sadd.s32 $0x2, s18;
	v15 =	vadd.f32 v30, v15;
	v23 =	vmul.f32 v23, v23;
	v34 =	vadd.f32 v35, v34  }
0x1e3: {  	v25 =	vadd.f32 v7, v25;
	v33 =	vadd.f32 v20, v33;
	v35 =	vld [tilespmem:s0+$0x10];
	p0 =	slt.u32 s18, $0x62;
	v37 =	vmul.f32 v32, v32  }
0x1e4: {  	v16 =	vmul.f32 v16, v16;
	v31 =	vadd.f32 v5, v31;
	v5 =	vld [tilespmem:s0+$0x20];
	v15 =	vadd.f32 v8, v15  }
0x1e5: {  	v26 =	vadd.f32 v32, v26;
	v25 =	vadd.f32 v11, v25;
	v7 =	vld [tilespmem:s0+$0xFFFFFF90];
	v30 =	vmul.f32 v17, v17  }
0x1e6: {  	v19 =	vadd.f32 v21, v19;
	v9 =	vmul.f32 v9, v9;
	v12 =	vadd.f32 v28, v12;
	v32 =	vld [tilespmem:s0+$0x0]  }
0x1e7: {  	v20 =	vmul.f32 v20, v20;
	v22 =	vadd.f32 v3, v22;
	v21 =	vadd.f32 v23, v27;
	v28 =	vld [tilespmem:s0+$0xFFFFFFA0];
	v8 =	vmovc v36  }
0x1e8: {  	v19 =	vadd.f32 v17, v19;
	v17 =	vmul.f32 v24, v24;
	v12 =	vadd.f32 v30, v12;
	v38 =	vld [tilespmem:s0+$0xFFFFFFB0];
	v11 =	vmovc v35  }
0x1e9: {  	v14 =	vadd.f32 v16, v14;
	v26 =	vadd.f32 v29, v26;
	v3 =	vmul.f32 v36, v8;
	v23 =	vld [tilespmem:s0+$0xFFFFFF80]  }
0x1ea: {  	v6 =	vadd.f32 v24, v6;
	v27 =	vadd.f32 v20, v21;
	v24 =	vmul.f32 v29, v29;
	v16 =	vld [tilespmem:s0+$0xFFFFFFD0]  }
0x1eb: {  	v18 =	vadd.f32 v37, v18;
	v14 =	vadd.f32 v9, v14;
	v30 =	vld [tilespmem:s0+$0xFFFFFFE0];
	v20 =	vmov v32  }
0x1ec: {  	v10 =	vadd.f32 v17, v10;
	v9 =	vld [tilespmem:s0+$0x50]  }
0x1ed: {  	v18 =	vadd.f32 v24, v18;
	v6 =	vadd.f32 v38, v6;
	v21 =	vld [tilespmem:s0+$0xFFFFFFF0];
	v17 =	vmul.f32 v38, v38  }
.Ltmp8:
0x1ee: {  	v31 =	vadd.f32 v28, v31;
	v24 =	vmul.f32 v28, v28;
	v33 =	vadd.f32 v23, v33;
	(pc) =	sbr.rel @p0 .LBB2_17-.Ltmp8, $4  }
0x1ef: {  	v28 =	vmul.f32 v7, v7;
	v32 =	vld [tilespmem:s0+$0xFFFFFFC0];
	v4 =	vadd.f32 v16, v4;
	v10 =	vadd.f32 v17, v10  }
0x1f0: {  	v36 =	vmul.f32 v5, v5;
	v13 =	vadd.f32 v24, v13;
	v29 =	vmul.f32 v30, v30;
	v24 =	vld [tilespmem:s0+$0x30]  }
0x1f1: {  	v35 =	vmul.f32 v35, v11;
	v34 =	vadd.f32 v28, v34;
	v4 =	vadd.f32 v9, v4;
	v17 =	vld [tilespmem:s0+$0x70]  }
0x1f2: {  	v13 =	vadd.f32 v36, v13;
	v22 =	vadd.f32 v29, v22;
	v28 =	vmul.f32 v21, v21;
	v29 =	vld [tilespmem:s0+$0x40];
	s0 =	sadd.s32 $0x100, s0  }
0x1f3: {  	v15 =	vadd.f32 v30, v15;
	v47 =	vadd.f32 v35, v34  }
0x1f4: {  	v23 =	vmul.f32 v23, v23;
	v7 =	vadd.f32 v7, v25;
	v48 =	vadd.f32 v20, v33  }
0x1f5: {  	v5 =	vadd.f32 v5, v31;
	v51 =	vmul.f32 v20, v20;
	v19 =	vadd.f32 v21, v19  }
0x1f6: {  	v16 =	vmul.f32 v16, v16;
	v7 =	vadd.f32 v11, v7;
	v50 =	vadd.f32 v23, v27  }
0x1f7: {  	v49 =	vmul.f32 v32, v32;
	v52 =	vadd.f32 v32, v26;
	v12 =	vadd.f32 v28, v12  }
0x1f8: {  	v53 =	vmul.f32 v48, v48;
	v11 =	vadd.f32 v51, v50;
	v7 =	vmul.f32 v7, v7  }
0x1f9: {  	v54 =	vmul.f32 v24, v24;
	v6 =	vadd.f32 v24, v6;
	v18 =	vadd.f32 v49, v18  }
0x1fa: {  	v5 =	vmul.f32 v5, v5;
	v11 =	vsub.f32 v53, v11;
	v7 =	vsub.f32 v7, v47  }
0x1fb: {  	v56 =	vld [tilespmem:$0x1CA70];
	v20 =	vadd.f32 v29, v52;
	v55 =	vmul.f32 v29, v29;
	v10 =	vadd.f32 v54, v10  }
0x1fc: {  	v57 =	vld [tilespmem:$0x1CA80];
	v5 =	vsub.f32 v5, v13;
	v6 =	vmul.f32 v6, v6;
	v7 =	vadd.f32 v7, v11  }
0x1fd: {  	v9 =	vmul.f32 v9, v9;
	v58 =	vadd.f32 v16, v14;
	v59 =	vadd.f32 v55, v18  }
0x1fe: {  	v61 =	vld [tilespmem:$0x1CA90];
	v6 =	vsub.f32 v6, v10;
	v60 =	vmul.f32 v20, v20;
	v5 =	vadd.f32 v5, v7  }
0x1ff: {  	v8 =	vadd.f32 v8, v15;
	v9 =	vadd.f32 v9, v58  }
0x200: {  	v4 =	vmul.f32 v4, v4;
	v63 =	vld [tilespmem:$0x1CAA0];
	v62 =	vsub.f32 v60, v59;
	v5 =	vadd.f32 v6, v5  }
0x201: {  	v3 =	vadd.f32 v3, v22;
	v11 =	vadd.f32 v57, v56  }
0x202: {  	v16 =	vmul.f32 v8, v8;
	v4 =	vsub.f32 v4, v9;
	v18 =	vld [tilespmem:$0x1CAB0];
	v5 =	vadd.f32 v62, v5  }
0x203: {  	v21 =	vadd.f32 v17, v19;
	v20 =	vmul.f32 v17, v17;
	v10 =	vadd.f32 v61, v11  }
0x204: {  	v3 =	vsub.f32 v16, v3;
	v4 =	vadd.f32 v4, v5;
	v5 =	vld [tilespmem:$0x1CAC0]  }
0x205: {  	v23 =	vmul.f32 v21, v21;
	v22 =	vadd.f32 v20, v12;
	v7 =	vadd.f32 v63, v10  }
0x206: {  	v3 =	vadd.f32 v3, v4;
	v4 =	vld [tilespmem:$0x1CAD0]  }
0x207: {  	v6 =	vsub.f32 v23, v22;
	v7 =	vadd.f32 v18, v7  }
0x208: {  	s0 =	simm.s32 $0x0  }
0x209: {  	v24 =	vmov s0;
	v3 =	vadd.f32 v6, v3;
	v5 =	vadd.f32 v5, v7  }
0x20a: {  	v6 =	vshll.u32 v24, $0x4  }
0x20b: {  	v3 =	vmul.f32 $5.000000000e-01, v3;
	v4 =	vadd.f32 v4, v5;
	v5 =	vor.u32 v1, v6;
	_ =	sdelay $0x1  }
0x20c: {  	v3 =	vadd.f32 v4, v3;
	v4 =	vor.u32 $0x1, v5;
	_ =	sdelay $0x1  }
0x20d: {  	[tilespmem:$0x1EC20] =	vst v3;
	v3 =	vor.u32 $0x2, v5  }
0x20e: {  	v6 =	vld.idx.msk [tilespmem:v5+s2+$0x0], $0xffff  }
0x20f: {  	v25 =	vor.u32 $0x3, v5  }
0x210: {  	v4 =	vld.idx.msk [tilespmem:v4+s2+$0x0], $0xffff  }
0x211: {  	v26 =	vor.u32 $0x4, v5  }
0x212: {  	v3 =	vld.idx.msk [tilespmem:v3+s2+$0x0], $0xffff  }
0x213: {  	v27 =	vor.u32 $0x5, v5;
	v6 =	vadd.f32 $0.0e+00, v6  }
0x214: {  	v7 =	vld.idx.msk [tilespmem:v25+s2+$0x0], $0xffff  }
0x215: {  	v28 =	vor.u32 $0x6, v5;
	v4 =	vadd.f32 v4, v6  }
0x216: {  	v29 =	vld.idx.msk [tilespmem:v26+s2+$0x0], $0xffff  }
0x217: {  	v30 =	vor.u32 $0x7, v5;
	v3 =	vadd.f32 v3, v4  }
0x218: {  	v4 =	vld.idx.msk [tilespmem:v27+s2+$0x0], $0xffff  }
0x219: {  	v31 =	vor.u32 $0x8, v5;
	v3 =	vadd.f32 v7, v3  }
0x21a: {  	v32 =	vld.idx.msk [tilespmem:v28+s2+$0x0], $0xffff  }
0x21b: {  	v33 =	vor.u32 $0x9, v5;
	v3 =	vadd.f32 v29, v3  }
0x21c: {  	v34 =	vld.idx.msk [tilespmem:v30+s2+$0x0], $0xffff  }
0x21d: {  	v35 =	vor.u32 $0xA, v5;
	v3 =	vadd.f32 v4, v3  }
0x21e: {  	v4 =	vld.idx.msk [tilespmem:v31+s2+$0x0], $0xffff  }
0x21f: {  	v36 =	vor.u32 $0xB, v5;
	v3 =	vadd.f32 v32, v3  }
0x220: {  	v37 =	vld.idx.msk [tilespmem:v33+s2+$0x0], $0xffff  }
0x221: {  	v38 =	vor.u32 $0xC, v5;
	v3 =	vadd.f32 v34, v3  }
0x222: {  	v39 =	vld.idx.msk [tilespmem:v35+s2+$0x0], $0xffff  }
0x223: {  	v40 =	vor.u32 $0xD, v5;
	v3 =	vadd.f32 v4, v3  }
0x224: {  	v4 =	vld.idx.msk [tilespmem:v36+s2+$0x0], $0xffff  }
0x225: {  	v41 =	vor.u32 $0xE, v5;
	v3 =	vadd.f32 v37, v3  }
0x226: {  	v42 =	vld.idx.msk [tilespmem:v38+s2+$0x0], $0xffff  }
0x227: {  	v5 =	vor.u32 $0xF, v5;
	v3 =	vadd.f32 v39, v3  }
0x228: {  	v43 =	vld.idx.msk [tilespmem:v40+s2+$0x0], $0xffff  }
0x229: {  	v3 =	vadd.f32 v4, v3  }
0x22a: {  	v4 =	vld.idx.msk [tilespmem:v41+s2+$0x0], $0xffff  }
0x22b: {  	v3 =	vadd.f32 v42, v3  }
0x22c: {  	v5 =	vld.idx.msk [tilespmem:v5+s2+$0x0], $0xffff  }
0x22d: {  	v3 =	vadd.f32 v43, v3;
	_ =	sdelay $0x1  }
0x22e: {  	v3 =	vadd.f32 v4, v3;
	_ =	sdelay $0x1  }
0x22f: {  	v3 =	vadd.f32 v5, v3;
	_ =	sdelay $0x1  }
0x230: {  	v3 =	vadd.f32 v3, v2;
	_ =	sdelay $0x1  }
0x231: {  	v3 =	vsub.f32 $0.0e+00, v3;
	_ =	sdelay $0x1  }
0x232: {  	v3 =	vmul.f32 $1.442695020e+00, v3;
	_ =	sdelay $0x1  }
0x233: {  	(erf) = vpow2.f32 v3;
	_ =	sdelay $0x8  }
0x234: {  	v3 =	vpop (erf)  }
0x235: {  	v3 =	vadd.f32 $1.000000000e+00, v3;
	_ =	sdelay $0x1  }
0x236: {  	(erf) = vrcp.f32 v3;
	_ =	sdelay $0x6  }
0x237: {  	s21 =	simm.s32 $0x10  }
0x238: {  	v3 =	vmov s21  }
0x239: {  	v3 =	vshll.u32 v3, $0x4;
	v4 =	vpop (erf)  }
0x23a: {  	v3 =	vor.u32 v1, v3;
	v4 =	vmul.f32 $5.000000000e+00, v4;
	_ =	sdelay $0x1  }
0x23b: {  	v5 =	vor.u32 $0x1, v3;
	v4 =	vadd.f32 $5.000000000e-01, v4  }
0x23c: {  	s18 =	simm.s32 $0x1EC30  }
0x23d: {  	v44 =	vor.u32 $0x2, v3;
	[tilespmem:s18+$0x0] =	vst v4  }
0x23e: {  	v4 =	vld.idx.msk [tilespmem:v3+s2+$0x0], $0xffff  }
0x23f: {  	v45 =	vor.u32 $0x3, v3  }
0x240: {  	v5 =	vld.idx.msk [tilespmem:v5+s2+$0x0], $0xffff  }
0x241: {  	v46 =	vor.u32 $0x4, v3  }
0x242: {  	v6 =	vld.idx.msk [tilespmem:v44+s2+$0x0], $0xffff  }
0x243: {  	v47 =	vor.u32 $0x5, v3;
	v4 =	vadd.f32 $0.0e+00, v4  }
0x244: {  	v7 =	vld.idx.msk [tilespmem:v45+s2+$0x0], $0xffff  }
0x245: {  	v48 =	vor.u32 $0x6, v3;
	v4 =	vadd.f32 v5, v4  }
0x246: {  	v5 =	vld.idx.msk [tilespmem:v46+s2+$0x0], $0xffff  }
0x247: {  	v49 =	vor.u32 $0x7, v3;
	v4 =	vadd.f32 v6, v4  }
0x248: {  	v50 =	vld.idx.msk [tilespmem:v47+s2+$0x0], $0xffff  }
0x249: {  	v51 =	vor.u32 $0x8, v3;
	v4 =	vadd.f32 v7, v4  }
0x24a: {  	v52 =	vld.idx.msk [tilespmem:v48+s2+$0x0], $0xffff  }
0x24b: {  	v53 =	vor.u32 $0x9, v3;
	v4 =	vadd.f32 v5, v4  }
0x24c: {  	v5 =	vld.idx.msk [tilespmem:v49+s2+$0x0], $0xffff  }
0x24d: {  	v54 =	vor.u32 $0xA, v3;
	v4 =	vadd.f32 v50, v4  }
0x24e: {  	v55 =	vld.idx.msk [tilespmem:v51+s2+$0x0], $0xffff  }
0x24f: {  	v56 =	vor.u32 $0xB, v3;
	v4 =	vadd.f32 v52, v4  }
0x250: {  	v57 =	vld.idx.msk [tilespmem:v53+s2+$0x0], $0xffff  }
0x251: {  	v58 =	vor.u32 $0xC, v3;
	v4 =	vadd.f32 v5, v4  }
0x252: {  	v5 =	vld.idx.msk [tilespmem:v54+s2+$0x0], $0xffff  }
0x253: {  	v59 =	vor.u32 $0xD, v3;
	v4 =	vadd.f32 v55, v4  }
0x254: {  	v60 =	vld.idx.msk [tilespmem:v56+s2+$0x0], $0xffff  }
0x255: {  	v61 =	vor.u32 $0xE, v3;
	v4 =	vadd.f32 v57, v4  }
0x256: {  	v62 =	vld.idx.msk [tilespmem:v58+s2+$0x0], $0xffff  }
0x257: {  	v3 =	vor.u32 $0xF, v3;
	v4 =	vadd.f32 v5, v4  }
0x258: {  	v5 =	vld.idx.msk [tilespmem:v59+s2+$0x0], $0xffff  }
0x259: {  	v4 =	vadd.f32 v60, v4  }
0x25a: {  	v63 =	vld.idx.msk [tilespmem:v61+s2+$0x0], $0xffff  }
0x25b: {  	v4 =	vadd.f32 v62, v4  }
0x25c: {  	v3 =	vld.idx.msk [tilespmem:v3+s2+$0x0], $0xffff  }
0x25d: {  	v4 =	vadd.f32 v5, v4;
	_ =	sdelay $0x1  }
0x25e: {  	v4 =	vadd.f32 v63, v4;
	_ =	sdelay $0x1  }
0x25f: {  	v3 =	vadd.f32 v3, v4;
	_ =	sdelay $0x1  }
0x260: {  	v3 =	vadd.f32 v3, v2;
	_ =	sdelay $0x1  }
0x261: {  	v3 =	vsub.f32 $0.0e+00, v3;
	_ =	sdelay $0x1  }
0x262: {  	v3 =	vmul.f32 $1.442695020e+00, v3;
	_ =	sdelay $0x1  }
0x263: {  	(erf) = vpow2.f32 v3;
	_ =	sdelay $0x8  }
0x264: {  	v3 =	vpop (erf)  }
0x265: {  	v3 =	vadd.f32 $1.000000000e+00, v3;
	_ =	sdelay $0x1  }
0x266: {  	(erf) = vrcp.f32 v3;
	_ =	sdelay $0x6  }
0x267: {  	s22 =	simm.s32 $0x20  }
0x268: {  	s19 =	simm.s32 $0x30;
	v3 =	vmov s22  }
.LBB2_19:
0x269: {  	p0 =	sne.s32 s19, $0x1F0;
	v3 =	vshll.u32 v3, $0x4;
	v4 =	vpop (erf)  }
0x26a: {  	v3 =	vor.u32 v1, v3;
	v4 =	vmul.f32 $5.000000000e+00, v4;
	_ =	sdelay $0x1  }
0x26b: {  	v5 =	vor.u32 $0x1, v3;
	v4 =	vadd.f32 $5.000000000e-01, v4  }
0x26c: {  	s18 =	sadd.s32 $0x10, s18  }
0x26d: {  	v6 =	vor.u32 $0x2, v3;
	[tilespmem:s18+$0x0] =	vst v4  }
0x26e: {  	v4 =	vld.idx.msk [tilespmem:v3+s2+$0x0], $0xffff  }
0x26f: {  	v7 =	vor.u32 $0x3, v3  }
0x270: {  	v5 =	vld.idx.msk [tilespmem:v5+s2+$0x0], $0xffff  }
0x271: {  	v8 =	vor.u32 $0x4, v3  }
0x272: {  	v6 =	vld.idx.msk [tilespmem:v6+s2+$0x0], $0xffff  }
0x273: {  	v9 =	vor.u32 $0x5, v3  }
0x274: {  	v4 =	vadd.f32 $0.0e+00, v4;
	v7 =	vld.idx.msk [tilespmem:v7+s2+$0x0], $0xffff  }
0x275: {  	v10 =	vor.u32 $0x6, v3  }
0x276: {  	v4 =	vadd.f32 v5, v4;
	v5 =	vld.idx.msk [tilespmem:v8+s2+$0x0], $0xffff  }
0x277: {  	v8 =	vor.u32 $0x7, v3  }
0x278: {  	v4 =	vadd.f32 v6, v4;
	v6 =	vld.idx.msk [tilespmem:v9+s2+$0x0], $0xffff  }
0x279: {  	v9 =	vor.u32 $0x8, v3  }
0x27a: {  	v4 =	vadd.f32 v7, v4;
	v7 =	vld.idx.msk [tilespmem:v10+s2+$0x0], $0xffff  }
0x27b: {  	v10 =	vor.u32 $0x9, v3  }
0x27c: {  	v4 =	vadd.f32 v5, v4;
	v5 =	vld.idx.msk [tilespmem:v8+s2+$0x0], $0xffff  }
0x27d: {  	v8 =	vor.u32 $0xA, v3  }
0x27e: {  	v4 =	vadd.f32 v6, v4;
	v6 =	vld.idx.msk [tilespmem:v9+s2+$0x0], $0xffff  }
0x27f: {  	v9 =	vor.u32 $0xB, v3  }
0x280: {  	v4 =	vadd.f32 v7, v4;
	v7 =	vld.idx.msk [tilespmem:v10+s2+$0x0], $0xffff  }
0x281: {  	v10 =	vor.u32 $0xC, v3  }
0x282: {  	v4 =	vadd.f32 v5, v4;
	v5 =	vld.idx.msk [tilespmem:v8+s2+$0x0], $0xffff  }
0x283: {  	v8 =	vor.u32 $0xD, v3  }
0x284: {  	v4 =	vadd.f32 v6, v4;
	v6 =	vld.idx.msk [tilespmem:v9+s2+$0x0], $0xffff  }
0x285: {  	v9 =	vor.u32 $0xE, v3  }
0x286: {  	v4 =	vadd.f32 v7, v4;
	v7 =	vld.idx.msk [tilespmem:v10+s2+$0x0], $0xffff  }
0x287: {  	v3 =	vor.u32 $0xF, v3  }
0x288: {  	v4 =	vadd.f32 v5, v4;
	v5 =	vld.idx.msk [tilespmem:v8+s2+$0x0], $0xffff;
	_ =	sdelay $0x1  }
0x289: {  	v4 =	vadd.f32 v6, v4;
	v6 =	vld.idx.msk [tilespmem:v9+s2+$0x0], $0xffff;
	_ =	sdelay $0x1  }
0x28a: {  	v4 =	vadd.f32 v7, v4;
	v3 =	vld.idx.msk [tilespmem:v3+s2+$0x0], $0xffff;
	_ =	sdelay $0x1  }
0x28b: {  	v4 =	vadd.f32 v5, v4;
	_ =	sdelay $0x1  }
0x28c: {  	v4 =	vadd.f32 v6, v4;
	_ =	sdelay $0x1  }
0x28d: {  	v3 =	vadd.f32 v3, v4;
	_ =	sdelay $0x1  }
0x28e: {  	v3 =	vadd.f32 v3, v2;
	_ =	sdelay $0x1  }
0x28f: {  	v3 =	vsub.f32 $0.0e+00, v3;
	_ =	sdelay $0x1  }
0x290: {  	v3 =	vmul.f32 $1.442695020e+00, v3;
	_ =	sdelay $0x1  }
0x291: {  	(erf) = vpow2.f32 v3;
	_ =	sdelay $0x8  }
0x292: {  	v3 =	vpop (erf)  }
0x293: {  	v3 =	vadd.f32 $1.000000000e+00, v3;
	_ =	sdelay $0x1  }
0x294: {  	(erf) = vrcp.f32 v3;
	_ =	sdelay $0x3  }
.Ltmp9:
0x295: {  	(pc) =	sbr.rel @p0 .LBB2_19-.Ltmp9, $2  }
0x296: {  	_ =	sdelay $0x2  }
0x297: {  	v3 =	vmov s19;
	s19 =	sadd.s32 $0x10, s19  }
0x298: {  	v3 =	vshll.u32 v3, $0x4;
	v4 =	vpop (erf)  }
0x299: {  	v3 =	vor.u32 v1, v3;
	v4 =	vmul.f32 $5.000000000e+00, v4;
	_ =	sdelay $0x1  }
0x29a: {  	v5 =	vor.u32 $0x1, v3;
	v4 =	vadd.f32 $5.000000000e-01, v4  }
0x29b: {  	s0 =	sadd.s32 $0x10, s18  }
0x29c: {  	v6 =	vor.u32 $0x2, v3;
	[tilespmem:s0+$0x0] =	vst v4  }
0x29d: {  	v4 =	vld.idx.msk [tilespmem:v3+s2+$0x0], $0xffff  }
0x29e: {  	v7 =	vor.u32 $0x3, v3  }
0x29f: {  	v5 =	vld.idx.msk [tilespmem:v5+s2+$0x0], $0xffff  }
0x2a0: {  	v8 =	vor.u32 $0x4, v3  }
0x2a1: {  	v6 =	vld.idx.msk [tilespmem:v6+s2+$0x0], $0xffff  }
0x2a2: {  	v9 =	vor.u32 $0x5, v3;
	v4 =	vadd.f32 $0.0e+00, v4  }
0x2a3: {  	v7 =	vld.idx.msk [tilespmem:v7+s2+$0x0], $0xffff  }
0x2a4: {  	v10 =	vor.u32 $0x6, v3;
	v4 =	vadd.f32 v5, v4  }
0x2a5: {  	v45 =	vld.idx.msk [tilespmem:v8+s2+$0x0], $0xffff  }
0x2a6: {  	v46 =	vor.u32 $0x7, v3;
	v4 =	vadd.f32 v6, v4  }
0x2a7: {  	v47 =	vld.idx.msk [tilespmem:v9+s2+$0x0], $0xffff  }
0x2a8: {  	v48 =	vor.u32 $0x8, v3;
	v4 =	vadd.f32 v7, v4  }
0x2a9: {  	v49 =	vld.idx.msk [tilespmem:v10+s2+$0x0], $0xffff  }
0x2aa: {  	v50 =	vor.u32 $0x9, v3;
	v4 =	vadd.f32 v45, v4  }
0x2ab: {  	v51 =	vld.idx.msk [tilespmem:v46+s2+$0x0], $0xffff  }
0x2ac: {  	v52 =	vor.u32 $0xA, v3;
	v4 =	vadd.f32 v47, v4  }
0x2ad: {  	v53 =	vld.idx.msk [tilespmem:v48+s2+$0x0], $0xffff  }
0x2ae: {  	v54 =	vor.u32 $0xB, v3;
	v4 =	vadd.f32 v49, v4  }
0x2af: {  	v55 =	vld.idx.msk [tilespmem:v50+s2+$0x0], $0xffff  }
0x2b0: {  	v56 =	vor.u32 $0xC, v3;
	v4 =	vadd.f32 v51, v4  }
0x2b1: {  	v57 =	vld.idx.msk [tilespmem:v52+s2+$0x0], $0xffff  }
0x2b2: {  	v58 =	vor.u32 $0xD, v3;
	v4 =	vadd.f32 v53, v4  }
0x2b3: {  	v59 =	vld.idx.msk [tilespmem:v54+s2+$0x0], $0xffff  }
0x2b4: {  	v60 =	vor.u32 $0xE, v3;
	v4 =	vadd.f32 v55, v4  }
0x2b5: {  	v61 =	vld.idx.msk [tilespmem:v56+s2+$0x0], $0xffff  }
0x2b6: {  	v3 =	vor.u32 $0xF, v3;
	v4 =	vadd.f32 v57, v4  }
0x2b7: {  	v62 =	vld.idx.msk [tilespmem:v58+s2+$0x0], $0xffff  }
0x2b8: {  	v4 =	vadd.f32 v59, v4  }
0x2b9: {  	v63 =	vld.idx.msk [tilespmem:v60+s2+$0x0], $0xffff  }
0x2ba: {  	v4 =	vadd.f32 v61, v4  }
0x2bb: {  	v3 =	vld.idx.msk [tilespmem:v3+s2+$0x0], $0xffff  }
0x2bc: {  	v4 =	vadd.f32 v62, v4;
	_ =	sdelay $0x1  }
0x2bd: {  	v4 =	vadd.f32 v63, v4;
	_ =	sdelay $0x1  }
0x2be: {  	v3 =	vadd.f32 v3, v4;
	_ =	sdelay $0x1  }
0x2bf: {  	v2 =	vadd.f32 v3, v2;
	_ =	sdelay $0x1  }
0x2c0: {  	v2 =	vsub.f32 $0.0e+00, v2;
	_ =	sdelay $0x1  }
0x2c1: {  	v2 =	vmul.f32 $1.442695020e+00, v2;
	_ =	sdelay $0x1  }
0x2c2: {  	(erf) = vpow2.f32 v2;
	_ =	sdelay $0x8  }
0x2c3: {  	v2 =	vpop (erf)  }
0x2c4: {  	v2 =	vadd.f32 $1.000000000e+00, v2;
	_ =	sdelay $0x1  }
0x2c5: {  	(erf) = vrcp.f32 v2;
	_ =	sdelay $0x8  }
0x2c6: {  	v2 =	vpop (erf)  }
0x2c7: {  	v2 =	vmul.f32 $5.000000000e+00, v2;
	_ =	sdelay $0x1  }
0x2c8: {  	s10 =	sadd.s32 $0x1, s10;
	v2 =	vadd.f32 $5.000000000e-01, v2  }
0x2c9: {  	p0 =	sne.s32 s10, s8;
	s0 =	sadd.s32 $0x10, s0  }
.Ltmp10:
0x2ca: {  	s22 =	simm.s32 $0x1EC30;
	[tilespmem:s0+$0x0] =	vst v2;
	(pc) =	sbr.rel @p0 .LBB2_1-.Ltmp10, $4  }
0x2cb: {  	[hbm4b:s7+s4] =	stream.linear.scatter [tilespmem:s22], [sflag:$0x6], $0x200, $0x38;
	[tilespmem:$0x1EE40] =	vst v63  }
0x2cc: {  	_ =	swait.ge [sflag:s9], $0x200  }
0x2cd: {  	[sflag:s9] =	ssyncset.done $0x0  }
0x2ce: {  	[sflag:s9] =	ssyncadd.s32 $0xFFFFFE00  }
0x2cf: {  	_ =	sfence.sel $0x180000  }
0x2d0: {  	[bflag:$0x0] =	sbarrier.arrive $0xFFFF  }
0x2d1: {  	_ =	strace $0x90000047  }
0x2d2: {  	s0 =	stileid.u32;
	[bflag:$0x2] =	sbarrier.arrive $0xFFFF  }
0x2d3: {  	p0 =	sne.s32 s0, $0x0;
	s0 =	rddreg [dreg:$0x4]  }
0x2d4: {  	s0 =	sadd.s32 @!p0 $0x100000, s0  }
0x2d5: {  	[sflag:s0] =	ssyncadd.tile.s32 @!p0 $0x1;
	_ =	shalt  }
.Lfunc_end2:
_tile_overlayer_lowered:
.L_overlay_start_2:
0x2d6: {  	(tag) =	ssettag $0x2  }
0x2d7: {  	s0 =	rddreg [dreg:$0x0];
	s2 =	stileid.u32  }
0x2d8: {  	s1 =	rddreg [dreg:$0x1];
	p0 =	sne.s32 s2, $0x0  }
0x2d9: {  	s3 =	rddreg [dreg:$0x2];
	[bflag:$0x3] =	sbarrier.arrive $0xFFFF;
	s2 =	simm.s32 @!p0 $0x1C06  }
0x2da: {  	[timem:s3], [sflag:s2] =	dma.local @!p0 [hbm:s0], s1  }
0x2db: {  	s0 =	simm.s32 @!p0 $0x6  }
0x2dc: {  	_ =	swait.ge @!p0 [sflag:s0], s1  }
0x2dd: {  	s1 =	ssub.s32 @!p0 $0x0, s1;
	[sflag:s0] =	ssyncset.done @!p0 $0x0  }
0x2de: {  	[sflag:s0] =	ssyncadd.s32 @!p0 s1  }
0x2df: {  	[bflag:$0x3] =	sbarrier.arrive $0xFFFF  }
0x2e0: {  	_ =	shalt  }

</sc_bundles>
